<compile_context>
chip_gen: v7x
topology: tpu7x:2x2x1
jax: 0.10.2.dev20260603
libtpu: 0.0.44.dev20260713+nightly
codegen_flags: <defaults>
</compile_context>

<pallas_src>
import functools

import jax
import jax.numpy as jnp
from jax import lax
from jax.experimental import pallas as pl
from jax.experimental.pallas import tpu as pltpu
from jax.experimental.pallas import tpu_sc as plsc

NC = 2
NS = 16
L = 16
NW = NC * NS
BATCH = 16384
D = 16
BPW = BATCH // NW
W128 = 128
NCH = BPW // L


def _gmf_body(uidx_hbm, iidx_hbm, utab_hbm, itab_hbm, wmat_hbm, out_hbm,
              uidx_v, iidx_v, stag, urows, irows, wmat_v,
              out_v, sem):
    wid = lax.axis_index("s") * NC + lax.axis_index("c")
    base = wid * BPW

    pltpu.sync_copy(uidx_hbm.at[pl.ds(base, BPW)], uidx_v)
    pltpu.sync_copy(iidx_hbm.at[pl.ds(base, BPW)], iidx_v)
    pltpu.sync_copy(wmat_hbm, wmat_v)

    lane = lax.broadcasted_iota(jnp.int32, (L,), 0)

    def one_table(tab_hbm, idx_v, rows):
        def fetch(c, sl):
            idxv = idx_v[pl.ds(c * L, L)]
            for e in range(L):
                r = idxv[e]
                rb = pl.multiple_of(r & ~(W128 - 1), W128)
                pltpu.async_copy(tab_hbm.at[:, pl.ds(rb, W128)],
                                 stag.at[sl, e], sem)

        def drain():
            def wt(e, carry):
                pltpu.make_async_copy(tab_hbm.at[:, pl.ds(0, W128)],
                                      stag.at[0, 0], sem).wait()
                return carry
            lax.fori_loop(0, L, wt, 0)

        def extract(c, sl):
            rpos = idx_v[pl.ds(c * L, L)] & (W128 - 1)
            slv = jnp.full((L,), sl, jnp.int32)
            rid = jnp.full((L,), c * L, jnp.int32) + lane
            for k in range(D):
                kv = jnp.full((L,), k, jnp.int32)
                v = plsc.load_gather(stag, [slv, lane, kv, rpos])
                plsc.store_scatter(rows, [rid * D + kv], v)

        fetch(0, 0)

        def step(c, carry):
            sl = c % 2

            @pl.when(c + 1 < NCH)
            def _():
                fetch(c + 1, 1 - sl)

            drain()
            extract(c, sl)
            return carry

        lax.fori_loop(0, NCH, step, 0)

    one_table(utab_hbm, uidx_v, urows)
    one_table(itab_hbm, iidx_v, irows)

    bias = wmat_v[D, :]

    def combine(g, carry):
        rid = g * L + lane
        acc = bias
        for k in range(D):
            kv = jnp.full((L,), k, jnp.int32)
            vu = plsc.load_gather(urows, [rid * D + kv])
            vi = plsc.load_gather(irows, [rid * D + kv])
            acc = acc + vu * vi * wmat_v[k, :]
        out_v[pl.ds(g * L, L)] = 1.0 / (1.0 + jnp.exp(-acc))
        return carry

    lax.fori_loop(0, NCH, combine, 0)

    pltpu.sync_copy(out_v, out_hbm.at[pl.ds(base, BPW)])


@functools.partial(jax.jit, static_argnames=())
def kernel(user_idxs, item_idxs, user_table, item_table, W, b):
    uidx = user_idxs.astype(jnp.int32)
    iidx = item_idxs.astype(jnp.int32)
    utab_t = user_table.T
    itab_t = item_table.T
    wmat = jnp.concatenate(
        [jnp.broadcast_to(W, (D, L)),
         jnp.broadcast_to(b.reshape(1, 1), (1, L))], axis=0)

    mesh = plsc.VectorSubcoreMesh(core_axis_name="c", subcore_axis_name="s")
    k = pl.kernel(
        _gmf_body,
        out_type=jax.ShapeDtypeStruct((BATCH,), jnp.float32),
        mesh=mesh,
        compiler_params=pltpu.CompilerParams(
            needs_layout_passes=False, use_tc_tiling_on_sc=True),
        scratch_types=[
            pltpu.VMEM((BPW,), jnp.int32),
            pltpu.VMEM((BPW,), jnp.int32),
            pltpu.VMEM((2, L, D, W128), jnp.float32),
            pltpu.VMEM((BPW * D,), jnp.float32),
            pltpu.VMEM((BPW * D,), jnp.float32),
            pltpu.VMEM((D + 1, L), jnp.float32),
            pltpu.VMEM((BPW,), jnp.float32),
            pltpu.SemaphoreType.DMA,
        ],
    )
    return k(uidx, iidx, utab_t, itab_t, wmat)

# --- scband reference (transcript-rebuilt; emitter-appended) ---
"""Pipeline reference for scband-gmf-53008486367623 (READ-ONLY COPY).

The authoritative reference and input builder live on the scoring server;
editing this copy changes nothing except your own understanding.
"""

import jax, jax.numpy as jnp
import numpy as np

NUM_USERS = 1000000
NUM_ITEMS = 1000000
MF_DIM = 16
BATCH = 16384

def setup_inputs(seed: int = 0) -> dict:
    key = jax.random.key(seed)
    k1, k2, k3, k4, k5, k6 = jax.random.split(key, 6)
    user_idxs = jax.random.randint(k1, (BATCH,), 0, NUM_USERS, dtype=jnp.int64) if jax.config.jax_enable_x64 else jax.random.randint(k1, (BATCH,), 0, NUM_USERS, dtype=jnp.int32)
    item_idxs = jax.random.randint(k2, (BATCH,), 0, NUM_ITEMS, dtype=jnp.int32)
    user_table = jax.random.normal(k3, (NUM_USERS, MF_DIM), dtype=jnp.float32)
    item_table = jax.random.normal(k4, (NUM_ITEMS, MF_DIM), dtype=jnp.float32)
    # Linear(mf_dim -> 1), PyTorch default init: U(-1/sqrt(fan_in), 1/sqrt(fan_in))
    bound = 1.0 / np.sqrt(MF_DIM)
    W = jax.random.uniform(k5, (MF_DIM, 1), minval=-bound, maxval=bound, dtype=jnp.float32)
    b = jax.random.uniform(k6, (1,), minval=-bound, maxval=bound, dtype=jnp.float32)
    return {"user_idxs": user_idxs, "item_idxs": item_idxs, "user_table": user_table, "item_table": item_table, "W": W, "b": b}

def reference(user_idxs, item_idxs, user_table, item_table, W, b):
    user_emb = jnp.take(user_table, user_idxs, axis=0)
    item_emb = jnp.take(item_table, item_idxs, axis=0)
    x = user_emb * item_emb
    logits = x @ W + b
    preds = jax.nn.sigmoid(logits)
    return preds.reshape(-1)

if __name__ == "__main__":
    import jax
    _d = setup_inputs()
    print(jax.jit(kernel)(*tuple(_d.values())))

</pallas_src>

<mosaic_0001>
#map = affine_map<(d0, d1) -> (0)>
#map1 = affine_map<(d0, d1) -> (0, 0)>
module attributes {stable_mosaic.version = 14 : i64} {
  func.func @_gmf_body(%arg0: i32, %arg1: i32, %arg2: memref<16384xi32, #tpu.memory_space<hbm>>, %arg3: memref<16384xi32, #tpu.memory_space<hbm>>, %arg4: memref<16x1000000xf32, #tpu.memory_space<hbm>>, %arg5: memref<16x1000000xf32, #tpu.memory_space<hbm>>, %arg6: memref<17x16xf32, #tpu.memory_space<hbm>>, %arg7: memref<16384xf32, #tpu.memory_space<hbm>>, %arg8: memref<512xi32, #tpu.memory_space<vmem>>, %arg9: memref<512xi32, #tpu.memory_space<vmem>>, %arg10: memref<2x16x16x128xf32, #tpu.memory_space<vmem>>, %arg11: memref<8192xf32, #tpu.memory_space<vmem>>, %arg12: memref<8192xf32, #tpu.memory_space<vmem>>, %arg13: memref<17x16xf32, #tpu.memory_space<vmem>>, %arg14: memref<512xf32, #tpu.memory_space<vmem>>, %arg15: memref<!tpu.dma_semaphore, #tpu.memory_space<semaphore_mem>>) attributes {dimension_semantics = [#tpu.dimension_semantics<core_parallel>, #tpu.dimension_semantics<subcore_parallel>], iteration_bounds = array<i64: 2, 16>, scalar_prefetch = 0 : i64, scratch_operands = 8 : i64, tpu.core_type = #tpu.core_type<sc_vector_subcore>, window_params = [{transform_indices = #map}, {transform_indices = #map}, {transform_indices = #map1}, {transform_indices = #map1}, {transform_indices = #map1}, {transform_indices = #map}]} {
    %mul3A = arith.constant 2 : i32
    %mul3A_0 = arith.muli %arg1, %mul3A : i32
    %add3A = arith.addi %mul3A_0, %arg0 : i32
    %mul3A_1 = arith.constant 512 : i32
    %mul3A_2 = arith.muli %add3A, %mul3A_1 : i32
    "tpu.region"() ({
      %run_scoped3A = tpu.sem_alloc : memref<!tpu.dma_semaphore, #tpu.memory_space<semaphore_mem>>
      %dma_start3A_630 = tpu.memref_slice %arg2[%mul3A_2] : memref<16384xi32, #tpu.memory_space<hbm>> -> memref<512xi32, #tpu.memory_space<hbm>>
      %dma_start3A_631 = tpu.memref_slice %arg2[%mul3A_2] : memref<16384xi32, #tpu.memory_space<hbm>> -> memref<512xi32, #tpu.memory_space<hbm>>
      tpu.enqueue_dma source(%dma_start3A_631 : memref<512xi32, #tpu.memory_space<hbm>>) target(%arg8 : memref<512xi32, #tpu.memory_space<vmem>>) target_semaphore(%run_scoped3A : memref<!tpu.dma_semaphore, #tpu.memory_space<semaphore_mem>>)
      %dma_wait3A = tpu.memref_slice %arg2[%mul3A_2] : memref<16384xi32, #tpu.memory_space<hbm>> -> memref<512xi32, #tpu.memory_space<hbm>>
      %dma_wait3A_632 = tpu.memref_slice %arg2[%mul3A_2] : memref<16384xi32, #tpu.memory_space<hbm>> -> memref<512xi32, #tpu.memory_space<hbm>>
      tpu.wait_dma2 semaphore(%run_scoped3A : memref<!tpu.dma_semaphore, #tpu.memory_space<semaphore_mem>>) src(%dma_wait3A_632 : memref<512xi32, #tpu.memory_space<hbm>>) dst(%arg8 : memref<512xi32, #tpu.memory_space<vmem>>)
      tpu.yield
    }) : () -> ()
    "tpu.region"() ({
      %run_scoped3A = tpu.sem_alloc : memref<!tpu.dma_semaphore, #tpu.memory_space<semaphore_mem>>
      %dma_start3A_630 = tpu.memref_slice %arg3[%mul3A_2] : memref<16384xi32, #tpu.memory_space<hbm>> -> memref<512xi32, #tpu.memory_space<hbm>>
      %dma_start3A_631 = tpu.memref_slice %arg3[%mul3A_2] : memref<16384xi32, #tpu.memory_space<hbm>> -> memref<512xi32, #tpu.memory_space<hbm>>
      tpu.enqueue_dma source(%dma_start3A_631 : memref<512xi32, #tpu.memory_space<hbm>>) target(%arg9 : memref<512xi32, #tpu.memory_space<vmem>>) target_semaphore(%run_scoped3A : memref<!tpu.dma_semaphore, #tpu.memory_space<semaphore_mem>>)
      %dma_wait3A = tpu.memref_slice %arg3[%mul3A_2] : memref<16384xi32, #tpu.memory_space<hbm>> -> memref<512xi32, #tpu.memory_space<hbm>>
      %dma_wait3A_632 = tpu.memref_slice %arg3[%mul3A_2] : memref<16384xi32, #tpu.memory_space<hbm>> -> memref<512xi32, #tpu.memory_space<hbm>>
      tpu.wait_dma2 semaphore(%run_scoped3A : memref<!tpu.dma_semaphore, #tpu.memory_space<semaphore_mem>>) src(%dma_wait3A_632 : memref<512xi32, #tpu.memory_space<hbm>>) dst(%arg9 : memref<512xi32, #tpu.memory_space<vmem>>)
      tpu.yield
    }) : () -> ()
    "tpu.region"() ({
      %run_scoped3A = tpu.sem_alloc : memref<!tpu.dma_semaphore, #tpu.memory_space<semaphore_mem>>
      tpu.enqueue_dma source(%arg6 : memref<17x16xf32, #tpu.memory_space<hbm>>) target(%arg13 : memref<17x16xf32, #tpu.memory_space<vmem>>) target_semaphore(%run_scoped3A : memref<!tpu.dma_semaphore, #tpu.memory_space<semaphore_mem>>)
      tpu.wait_dma2 semaphore(%run_scoped3A : memref<!tpu.dma_semaphore, #tpu.memory_space<semaphore_mem>>) src(%arg6 : memref<17x16xf32, #tpu.memory_space<hbm>>) dst(%arg13 : memref<17x16xf32, #tpu.memory_space<vmem>>)
      tpu.yield
    }) : () -> ()
    %iota3A = tpu.iota {dimensions = array<i32: 0>} : vector<16xi32>
    %get3A = arith.constant 0 : index
    %get3A_3 = tpu.vector_load %arg8[%get3A] {strides = array<i32>} : memref<512xi32, #tpu.memory_space<vmem>>, vector<16xi32>,
    %slice3A = vector.extract_strided_slice %get3A_3 {offsets = [0], sizes = [1], strides = [1]} : vector<16xi32> to vector<1xi32>
    %squeeze3A = vector.extract %slice3A[0] : i32 from vector<1xi32>
    %and3A = arith.constant -128 : i32
    %and3A_4 = arith.andi %squeeze3A, %and3A : i32
    %multiple_of3A = tpu.assume_multiple %and3A_4, 128 : i32
    %dma_start3A = arith.constant 0 : i32
    %dma_start3A_5 = arith.constant 0 : i32
    %dma_start3A_6 = arith.constant 0 : i32
    %dma_start3A_7 = arith.constant 0 : i32
    %dma_start3A_8 = tpu.memref_slice %arg10[%dma_start3A, %dma_start3A_5, %dma_start3A_6, %dma_start3A_7] : memref<2x16x16x128xf32, #tpu.memory_space<vmem>> -> memref<1x1x16x128xf32, #tpu.memory_space<vmem>>
    %dma_start3A_9 = tpu.memref_squeeze %dma_start3A_8 : memref<1x1x16x128xf32, #tpu.memory_space<vmem>> -> memref<16x128xf32, #tpu.memory_space<vmem>>
    %dma_start3A_10 = arith.constant 0 : i32
    %dma_start3A_11 = tpu.memref_slice %arg4[%dma_start3A_10, %multiple_of3A] : memref<16x1000000xf32, #tpu.memory_space<hbm>> -> memref<16x128xf32, #tpu.memory_space<hbm>>
    %dma_start3A_12 = arith.constant 0 : i32
    %dma_start3A_13 = arith.constant 0 : i32
    %dma_start3A_14 = tpu.memref_slice %arg10[%dma_start3A, %dma_start3A_5, %dma_start3A_12, %dma_start3A_13] : memref<2x16x16x128xf32, #tpu.memory_space<vmem>> -> memref<1x1x16x128xf32, #tpu.memory_space<vmem>>
    %dma_start3A_15 = tpu.memref_squeeze %dma_start3A_14 : memref<1x1x16x128xf32, #tpu.memory_space<vmem>> -> memref<16x128xf32, #tpu.memory_space<vmem>>
    %dma_start3A_16 = arith.constant 0 : i32
    %dma_start3A_17 = tpu.memref_slice %arg4[%dma_start3A_16, %multiple_of3A] : memref<16x1000000xf32, #tpu.memory_space<hbm>> -> memref<16x128xf32, #tpu.memory_space<hbm>>
    tpu.enqueue_dma source(%dma_start3A_17 : memref<16x128xf32, #tpu.memory_space<hbm>>) target(%dma_start3A_15 : memref<16x128xf32, #tpu.memory_space<vmem>>) target_semaphore(%arg15 : memref<!tpu.dma_semaphore, #tpu.memory_space<semaphore_mem>>)
    %slice3A_18 = vector.extract_strided_slice %get3A_3 {offsets = [1], sizes = [1], strides = [1]} : vector<16xi32> to vector<1xi32>
    %squeeze3A_19 = vector.extract %slice3A_18[0] : i32 from vector<1xi32>
    %and3A_20 = arith.constant -128 : i32
    %and3A_21 = arith.andi %squeeze3A_19, %and3A_20 : i32
    %multiple_of3A_22 = tpu.assume_multiple %and3A_21, 128 : i32
    %dma_start3A_23 = arith.constant 0 : i32
    %dma_start3A_24 = arith.constant 1 : i32
    %dma_start3A_25 = arith.constant 0 : i32
    %dma_start3A_26 = arith.constant 0 : i32
    %dma_start3A_27 = tpu.memref_slice %arg10[%dma_start3A_23, %dma_start3A_24, %dma_start3A_25, %dma_start3A_26] : memref<2x16x16x128xf32, #tpu.memory_space<vmem>> -> memref<1x1x16x128xf32, #tpu.memory_space<vmem>>
    %dma_start3A_28 = tpu.memref_squeeze %dma_start3A_27 : memref<1x1x16x128xf32, #tpu.memory_space<vmem>> -> memref<16x128xf32, #tpu.memory_space<vmem>>
    %dma_start3A_29 = arith.constant 0 : i32
    %dma_start3A_30 = tpu.memref_slice %arg4[%dma_start3A_29, %multiple_of3A_22] : memref<16x1000000xf32, #tpu.memory_space<hbm>> -> memref<16x128xf32, #tpu.memory_space<hbm>>
    %dma_start3A_31 = arith.constant 0 : i32
    %dma_start3A_32 = arith.constant 0 : i32
    %dma_start3A_33 = tpu.memref_slice %arg10[%dma_start3A_23, %dma_start3A_24, %dma_start3A_31, %dma_start3A_32] : memref<2x16x16x128xf32, #tpu.memory_space<vmem>> -> memref<1x1x16x128xf32, #tpu.memory_space<vmem>>
    %dma_start3A_34 = tpu.memref_squeeze %dma_start3A_33 : memref<1x1x16x128xf32, #tpu.memory_space<vmem>> -> memref<16x128xf32, #tpu.memory_space<vmem>>
    %dma_start3A_35 = arith.constant 0 : i32
    %dma_start3A_36 = tpu.memref_slice %arg4[%dma_start3A_35, %multiple_of3A_22] : memref<16x1000000xf32, #tpu.memory_space<hbm>> -> memref<16x128xf32, #tpu.memory_space<hbm>>
    tpu.enqueue_dma source(%dma_start3A_36 : memref<16x128xf32, #tpu.memory_space<hbm>>) target(%dma_start3A_34 : memref<16x128xf32, #tpu.memory_space<vmem>>) target_semaphore(%arg15 : memref<!tpu.dma_semaphore, #tpu.memory_space<semaphore_mem>>)
    %slice3A_37 = vector.extract_strided_slice %get3A_3 {offsets = [2], sizes = [1], strides = [1]} : vector<16xi32> to vector<1xi32>
    %squeeze3A_38 = vector.extract %slice3A_37[0] : i32 from vector<1xi32>
    %and3A_39 = arith.constant -128 : i32
    %and3A_40 = arith.andi %squeeze3A_38, %and3A_39 : i32
    %multiple_of3A_41 = tpu.assume_multiple %and3A_40, 128 : i32
    %dma_start3A_42 = arith.constant 0 : i32
    %dma_start3A_43 = arith.constant 2 : i32
    %dma_start3A_44 = arith.constant 0 : i32
    %dma_start3A_45 = arith.constant 0 : i32
    %dma_start3A_46 = tpu.memref_slice %arg10[%dma_start3A_42, %dma_start3A_43, %dma_start3A_44, %dma_start3A_45] : memref<2x16x16x128xf32, #tpu.memory_space<vmem>> -> memref<1x1x16x128xf32, #tpu.memory_space<vmem>>
    %dma_start3A_47 = tpu.memref_squeeze %dma_start3A_46 : memref<1x1x16x128xf32, #tpu.memory_space<vmem>> -> memref<16x128xf32, #tpu.memory_space<vmem>>
    %dma_start3A_48 = arith.constant 0 : i32
    %dma_start3A_49 = tpu.memref_slice %arg4[%dma_start3A_48, %multiple_of3A_41] : memref<16x1000000xf32, #tpu.memory_space<hbm>> -> memref<16x128xf32, #tpu.memory_space<hbm>>
    %dma_start3A_50 = arith.constant 0 : i32
    %dma_start3A_51 = arith.constant 0 : i32
    %dma_start3A_52 = tpu.memref_slice %arg10[%dma_start3A_42, %dma_start3A_43, %dma_start3A_50, %dma_start3A_51] : memref<2x16x16x128xf32, #tpu.memory_space<vmem>> -> memref<1x1x16x128xf32, #tpu.memory_space<vmem>>
    %dma_start3A_53 = tpu.memref_squeeze %dma_start3A_52 : memref<1x1x16x128xf32, #tpu.memory_space<vmem>> -> memref<16x128xf32, #tpu.memory_space<vmem>>
    %dma_start3A_54 = arith.constant 0 : i32
    %dma_start3A_55 = tpu.memref_slice %arg4[%dma_start3A_54, %multiple_of3A_41] : memref<16x1000000xf32, #tpu.memory_space<hbm>> -> memref<16x128xf32, #tpu.memory_space<hbm>>
    tpu.enqueue_dma source(%dma_start3A_55 : memref<16x128xf32, #tpu.memory_space<hbm>>) target(%dma_start3A_53 : memref<16x128xf32, #tpu.memory_space<vmem>>) target_semaphore(%arg15 : memref<!tpu.dma_semaphore, #tpu.memory_space<semaphore_mem>>)
    %slice3A_56 = vector.extract_strided_slice %get3A_3 {offsets = [3], sizes = [1], strides = [1]} : vector<16xi32> to vector<1xi32>
    %squeeze3A_57 = vector.extract %slice3A_56[0] : i32 from vector<1xi32>
    %and3A_58 = arith.constant -128 : i32
    %and3A_59 = arith.andi %squeeze3A_57, %and3A_58 : i32
    %multiple_of3A_60 = tpu.assume_multiple %and3A_59, 128 : i32
    %dma_start3A_61 = arith.constant 0 : i32
    %dma_start3A_62 = arith.constant 3 : i32
    %dma_start3A_63 = arith.constant 0 : i32
    %dma_start3A_64 = arith.constant 0 : i32
    %dma_start3A_65 = tpu.memref_slice %arg10[%dma_start3A_61, %dma_start3A_62, %dma_start3A_63, %dma_start3A_64] : memref<2x16x16x128xf32, #tpu.memory_space<vmem>> -> memref<1x1x16x128xf32, #tpu.memory_space<vmem>>
    %dma_start3A_66 = tpu.memref_squeeze %dma_start3A_65 : memref<1x1x16x128xf32, #tpu.memory_space<vmem>> -> memref<16x128xf32, #tpu.memory_space<vmem>>
    %dma_start3A_67 = arith.constant 0 : i32
    %dma_start3A_68 = tpu.memref_slice %arg4[%dma_start3A_67, %multiple_of3A_60] : memref<16x1000000xf32, #tpu.memory_space<hbm>> -> memref<16x128xf32, #tpu.memory_space<hbm>>
    %dma_start3A_69 = arith.constant 0 : i32
    %dma_start3A_70 = arith.constant 0 : i32
    %dma_start3A_71 = tpu.memref_slice %arg10[%dma_start3A_61, %dma_start3A_62, %dma_start3A_69, %dma_start3A_70] : memref<2x16x16x128xf32, #tpu.memory_space<vmem>> -> memref<1x1x16x128xf32, #tpu.memory_space<vmem>>
    %dma_start3A_72 = tpu.memref_squeeze %dma_start3A_71 : memref<1x1x16x128xf32, #tpu.memory_space<vmem>> -> memref<16x128xf32, #tpu.memory_space<vmem>>
    %dma_start3A_73 = arith.constant 0 : i32
    %dma_start3A_74 = tpu.memref_slice %arg4[%dma_start3A_73, %multiple_of3A_60] : memref<16x1000000xf32, #tpu.memory_space<hbm>> -> memref<16x128xf32, #tpu.memory_space<hbm>>
    tpu.enqueue_dma source(%dma_start3A_74 : memref<16x128xf32, #tpu.memory_space<hbm>>) target(%dma_start3A_72 : memref<16x128xf32, #tpu.memory_space<vmem>>) target_semaphore(%arg15 : memref<!tpu.dma_semaphore, #tpu.memory_space<semaphore_mem>>)
    %slice3A_75 = vector.extract_strided_slice %get3A_3 {offsets = [4], sizes = [1], strides = [1]} : vector<16xi32> to vector<1xi32>
    %squeeze3A_76 = vector.extract %slice3A_75[0] : i32 from vector<1xi32>
    %and3A_77 = arith.constant -128 : i32
    %and3A_78 = arith.andi %squeeze3A_76, %and3A_77 : i32
    %multiple_of3A_79 = tpu.assume_multiple %and3A_78, 128 : i32
    %dma_start3A_80 = arith.constant 0 : i32
    %dma_start3A_81 = arith.constant 4 : i32
    %dma_start3A_82 = arith.constant 0 : i32
    %dma_start3A_83 = arith.constant 0 : i32
    %dma_start3A_84 = tpu.memref_slice %arg10[%dma_start3A_80, %dma_start3A_81, %dma_start3A_82, %dma_start3A_83] : memref<2x16x16x128xf32, #tpu.memory_space<vmem>> -> memref<1x1x16x128xf32, #tpu.memory_space<vmem>>
    %dma_start3A_85 = tpu.memref_squeeze %dma_start3A_84 : memref<1x1x16x128xf32, #tpu.memory_space<vmem>> -> memref<16x128xf32, #tpu.memory_space<vmem>>
    %dma_start3A_86 = arith.constant 0 : i32
    %dma_start3A_87 = tpu.memref_slice %arg4[%dma_start3A_86, %multiple_of3A_79] : memref<16x1000000xf32, #tpu.memory_space<hbm>> -> memref<16x128xf32, #tpu.memory_space<hbm>>
    %dma_start3A_88 = arith.constant 0 : i32
    %dma_start3A_89 = arith.constant 0 : i32
    %dma_start3A_90 = tpu.memref_slice %arg10[%dma_start3A_80, %dma_start3A_81, %dma_start3A_88, %dma_start3A_89] : memref<2x16x16x128xf32, #tpu.memory_space<vmem>> -> memref<1x1x16x128xf32, #tpu.memory_space<vmem>>
    %dma_start3A_91 = tpu.memref_squeeze %dma_start3A_90 : memref<1x1x16x128xf32, #tpu.memory_space<vmem>> -> memref<16x128xf32, #tpu.memory_space<vmem>>
    %dma_start3A_92 = arith.constant 0 : i32
    %dma_start3A_93 = tpu.memref_slice %arg4[%dma_start3A_92, %multiple_of3A_79] : memref<16x1000000xf32, #tpu.memory_space<hbm>> -> memref<16x128xf32, #tpu.memory_space<hbm>>
    tpu.enqueue_dma source(%dma_start3A_93 : memref<16x128xf32, #tpu.memory_space<hbm>>) target(%dma_start3A_91 : memref<16x128xf32, #tpu.memory_space<vmem>>) target_semaphore(%arg15 : memref<!tpu.dma_semaphore, #tpu.memory_space<semaphore_mem>>)
    %slice3A_94 = vector.extract_strided_slice %get3A_3 {offsets = [5], sizes = [1], strides = [1]} : vector<16xi32> to vector<1xi32>
    %squeeze3A_95 = vector.extract %slice3A_94[0] : i32 from vector<1xi32>
    %and3A_96 = arith.constant -128 : i32
    %and3A_97 = arith.andi %squeeze3A_95, %and3A_96 : i32
    %multiple_of3A_98 = tpu.assume_multiple %and3A_97, 128 : i32
    %dma_start3A_99 = arith.constant 0 : i32
    %dma_start3A_100 = arith.constant 5 : i32
    %dma_start3A_101 = arith.constant 0 : i32
    %dma_start3A_102 = arith.constant 0 : i32
    %dma_start3A_103 = tpu.memref_slice %arg10[%dma_start3A_99, %dma_start3A_100, %dma_start3A_101, %dma_start3A_102] : memref<2x16x16x128xf32, #tpu.memory_space<vmem>> -> memref<1x1x16x128xf32, #tpu.memory_space<vmem>>
    %dma_start3A_104 = tpu.memref_squeeze %dma_start3A_103 : memref<1x1x16x128xf32, #tpu.memory_space<vmem>> -> memref<16x128xf32, #tpu.memory_space<vmem>>
    %dma_start3A_105 = arith.constant 0 : i32
    %dma_start3A_106 = tpu.memref_slice %arg4[%dma_start3A_105, %multiple_of3A_98] : memref<16x1000000xf32, #tpu.memory_space<hbm>> -> memref<16x128xf32, #tpu.memory_space<hbm>>
    %dma_start3A_107 = arith.constant 0 : i32
    %dma_start3A_108 = arith.constant 0 : i32
    %dma_start3A_109 = tpu.memref_slice %arg10[%dma_start3A_99, %dma_start3A_100, %dma_start3A_107, %dma_start3A_108] : memref<2x16x16x128xf32, #tpu.memory_space<vmem>> -> memref<1x1x16x128xf32, #tpu.memory_space<vmem>>
    %dma_start3A_110 = tpu.memref_squeeze %dma_start3A_109 : memref<1x1x16x128xf32, #tpu.memory_space<vmem>> -> memref<16x128xf32, #tpu.memory_space<vmem>>
    %dma_start3A_111 = arith.constant 0 : i32
    %dma_start3A_112 = tpu.memref_slice %arg4[%dma_start3A_111, %multiple_of3A_98] : memref<16x1000000xf32, #tpu.memory_space<hbm>> -> memref<16x128xf32, #tpu.memory_space<hbm>>
    tpu.enqueue_dma source(%dma_start3A_112 : memref<16x128xf32, #tpu.memory_space<hbm>>) target(%dma_start3A_110 : memref<16x128xf32, #tpu.memory_space<vmem>>) target_semaphore(%arg15 : memref<!tpu.dma_semaphore, #tpu.memory_space<semaphore_mem>>)
    %slice3A_113 = vector.extract_strided_slice %get3A_3 {offsets = [6], sizes = [1], strides = [1]} : vector<16xi32> to vector<1xi32>
    %squeeze3A_114 = vector.extract %slice3A_113[0] : i32 from vector<1xi32>
    %and3A_115 = arith.constant -128 : i32
    %and3A_116 = arith.andi %squeeze3A_114, %and3A_115 : i32
    %multiple_of3A_117 = tpu.assume_multiple %and3A_116, 128 : i32
    %dma_start3A_118 = arith.constant 0 : i32
    %dma_start3A_119 = arith.constant 6 : i32
    %dma_start3A_120 = arith.constant 0 : i32
    %dma_start3A_121 = arith.constant 0 : i32
    %dma_start3A_122 = tpu.memref_slice %arg10[%dma_start3A_118, %dma_start3A_119, %dma_start3A_120, %dma_start3A_121] : memref<2x16x16x128xf32, #tpu.memory_space<vmem>> -> memref<1x1x16x128xf32, #tpu.memory_space<vmem>>
    %dma_start3A_123 = tpu.memref_squeeze %dma_start3A_122 : memref<1x1x16x128xf32, #tpu.memory_space<vmem>> -> memref<16x128xf32, #tpu.memory_space<vmem>>
    %dma_start3A_124 = arith.constant 0 : i32
    %dma_start3A_125 = tpu.memref_slice %arg4[%dma_start3A_124, %multiple_of3A_117] : memref<16x1000000xf32, #tpu.memory_space<hbm>> -> memref<16x128xf32, #tpu.memory_space<hbm>>
    %dma_start3A_126 = arith.constant 0 : i32
    %dma_start3A_127 = arith.constant 0 : i32
    %dma_start3A_128 = tpu.memref_slice %arg10[%dma_start3A_118, %dma_start3A_119, %dma_start3A_126, %dma_start3A_127] : memref<2x16x16x128xf32, #tpu.memory_space<vmem>> -> memref<1x1x16x128xf32, #tpu.memory_space<vmem>>
    %dma_start3A_129 = tpu.memref_squeeze %dma_start3A_128 : memref<1x1x16x128xf32, #tpu.memory_space<vmem>> -> memref<16x128xf32, #tpu.memory_space<vmem>>
    %dma_start3A_130 = arith.constant 0 : i32
    %dma_start3A_131 = tpu.memref_slice %arg4[%dma_start3A_130, %multiple_of3A_117] : memref<16x1000000xf32, #tpu.memory_space<hbm>> -> memref<16x128xf32, #tpu.memory_space<hbm>>
    tpu.enqueue_dma source(%dma_start3A_131 : memref<16x128xf32, #tpu.memory_space<hbm>>) target(%dma_start3A_129 : memref<16x128xf32, #tpu.memory_space<vmem>>) target_semaphore(%arg15 : memref<!tpu.dma_semaphore, #tpu.memory_space<semaphore_mem>>)
    %slice3A_132 = vector.extract_strided_slice %get3A_3 {offsets = [7], sizes = [1], strides = [1]} : vector<16xi32> to vector<1xi32>
    %squeeze3A_133 = vector.extract %slice3A_132[0] : i32 from vector<1xi32>
    %and3A_134 = arith.constant -128 : i32
    %and3A_135 = arith.andi %squeeze3A_133, %and3A_134 : i32
    %multiple_of3A_136 = tpu.assume_multiple %and3A_135, 128 : i32
    %dma_start3A_137 = arith.constant 0 : i32
    %dma_start3A_138 = arith.constant 7 : i32
    %dma_start3A_139 = arith.constant 0 : i32
    %dma_start3A_140 = arith.constant 0 : i32
    %dma_start3A_141 = tpu.memref_slice %arg10[%dma_start3A_137, %dma_start3A_138, %dma_start3A_139, %dma_start3A_140] : memref<2x16x16x128xf32, #tpu.memory_space<vmem>> -> memref<1x1x16x128xf32, #tpu.memory_space<vmem>>
    %dma_start3A_142 = tpu.memref_squeeze %dma_start3A_141 : memref<1x1x16x128xf32, #tpu.memory_space<vmem>> -> memref<16x128xf32, #tpu.memory_space<vmem>>
    %dma_start3A_143 = arith.constant 0 : i32
    %dma_start3A_144 = tpu.memref_slice %arg4[%dma_start3A_143, %multiple_of3A_136] : memref<16x1000000xf32, #tpu.memory_space<hbm>> -> memref<16x128xf32, #tpu.memory_space<hbm>>
    %dma_start3A_145 = arith.constant 0 : i32
    %dma_start3A_146 = arith.constant 0 : i32
    %dma_start3A_147 = tpu.memref_slice %arg10[%dma_start3A_137, %dma_start3A_138, %dma_start3A_145, %dma_start3A_146] : memref<2x16x16x128xf32, #tpu.memory_space<vmem>> -> memref<1x1x16x128xf32, #tpu.memory_space<vmem>>
    %dma_start3A_148 = tpu.memref_squeeze %dma_start3A_147 : memref<1x1x16x128xf32, #tpu.memory_space<vmem>> -> memref<16x128xf32, #tpu.memory_space<vmem>>
    %dma_start3A_149 = arith.constant 0 : i32
    %dma_start3A_150 = tpu.memref_slice %arg4[%dma_start3A_149, %multiple_of3A_136] : memref<16x1000000xf32, #tpu.memory_space<hbm>> -> memref<16x128xf32, #tpu.memory_space<hbm>>
    tpu.enqueue_dma source(%dma_start3A_150 : memref<16x128xf32, #tpu.memory_space<hbm>>) target(%dma_start3A_148 : memref<16x128xf32, #tpu.memory_space<vmem>>) target_semaphore(%arg15 : memref<!tpu.dma_semaphore, #tpu.memory_space<semaphore_mem>>)
    %slice3A_151 = vector.extract_strided_slice %get3A_3 {offsets = [8], sizes = [1], strides = [1]} : vector<16xi32> to vector<1xi32>
    %squeeze3A_152 = vector.extract %slice3A_151[0] : i32 from vector<1xi32>
    %and3A_153 = arith.constant -128 : i32
    %and3A_154 = arith.andi %squeeze3A_152, %and3A_153 : i32
    %multiple_of3A_155 = tpu.assume_multiple %and3A_154, 128 : i32
    %dma_start3A_156 = arith.constant 0 : i32
    %dma_start3A_157 = arith.constant 8 : i32
    %dma_start3A_158 = arith.constant 0 : i32
    %dma_start3A_159 = arith.constant 0 : i32
    %dma_start3A_160 = tpu.memref_slice %arg10[%dma_start3A_156, %dma_start3A_157, %dma_start3A_158, %dma_start3A_159] : memref<2x16x16x128xf32, #tpu.memory_space<vmem>> -> memref<1x1x16x128xf32, #tpu.memory_space<vmem>>
    %dma_start3A_161 = tpu.memref_squeeze %dma_start3A_160 : memref<1x1x16x128xf32, #tpu.memory_space<vmem>> -> memref<16x128xf32, #tpu.memory_space<vmem>>
    %dma_start3A_162 = arith.constant 0 : i32
    %dma_start3A_163 = tpu.memref_slice %arg4[%dma_start3A_162, %multiple_of3A_155] : memref<16x1000000xf32, #tpu.memory_space<hbm>> -> memref<16x128xf32, #tpu.memory_space<hbm>>
    %dma_start3A_164 = arith.constant 0 : i32
    %dma_start3A_165 = arith.constant 0 : i32
    %dma_start3A_166 = tpu.memref_slice %arg10[%dma_start3A_156, %dma_start3A_157, %dma_start3A_164, %dma_start3A_165] : memref<2x16x16x128xf32, #tpu.memory_space<vmem>> -> memref<1x1x16x128xf32, #tpu.memory_space<vmem>>
    %dma_start3A_167 = tpu.memref_squeeze %dma_start3A_166 : memref<1x1x16x128xf32, #tpu.memory_space<vmem>> -> memref<16x128xf32, #tpu.memory_space<vmem>>
    %dma_start3A_168 = arith.constant 0 : i32
    %dma_start3A_169 = tpu.memref_slice %arg4[%dma_start3A_168, %multiple_of3A_155] : memref<16x1000000xf32, #tpu.memory_space<hbm>> -> memref<16x128xf32, #tpu.memory_space<hbm>>
    tpu.enqueue_dma source(%dma_start3A_169 : memref<16x128xf32, #tpu.memory_space<hbm>>) target(%dma_start3A_167 : memref<16x128xf32, #tpu.memory_space<vmem>>) target_semaphore(%arg15 : memref<!tpu.dma_semaphore, #tpu.memory_space<semaphore_mem>>)
    %slice3A_170 = vector.extract_strided_slice %get3A_3 {offsets = [9], sizes = [1], strides = [1]} : vector<16xi32> to vector<1xi32>
    %squeeze3A_171 = vector.extract %slice3A_170[0] : i32 from vector<1xi32>
    %and3A_172 = arith.constant -128 : i32
    %and3A_173 = arith.andi %squeeze3A_171, %and3A_172 : i32
    %multiple_of3A_174 = tpu.assume_multiple %and3A_173, 128 : i32
    %dma_start3A_175 = arith.constant 0 : i32
    %dma_start3A_176 = arith.constant 9 : i32
    %dma_start3A_177 = arith.constant 0 : i32
    %dma_start3A_178 = arith.constant 0 : i32
    %dma_start3A_179 = tpu.memref_slice %arg10[%dma_start3A_175, %dma_start3A_176, %dma_start3A_177, %dma_start3A_178] : memref<2x16x16x128xf32, #tpu.memory_space<vmem>> -> memref<1x1x16x128xf32, #tpu.memory_space<vmem>>
    %dma_start3A_180 = tpu.memref_squeeze %dma_start3A_179 : memref<1x1x16x128xf32, #tpu.memory_space<vmem>> -> memref<16x128xf32, #tpu.memory_space<vmem>>
    %dma_start3A_181 = arith.constant 0 : i32
    %dma_start3A_182 = tpu.memref_slice %arg4[%dma_start3A_181, %multiple_of3A_174] : memref<16x1000000xf32, #tpu.memory_space<hbm>> -> memref<16x128xf32, #tpu.memory_space<hbm>>
    %dma_start3A_183 = arith.constant 0 : i32
    %dma_start3A_184 = arith.constant 0 : i32
    %dma_start3A_185 = tpu.memref_slice %arg10[%dma_start3A_175, %dma_start3A_176, %dma_start3A_183, %dma_start3A_184] : memref<2x16x16x128xf32, #tpu.memory_space<vmem>> -> memref<1x1x16x128xf32, #tpu.memory_space<vmem>>
    %dma_start3A_186 = tpu.memref_squeeze %dma_start3A_185 : memref<1x1x16x128xf32, #tpu.memory_space<vmem>> -> memref<16x128xf32, #tpu.memory_space<vmem>>
    %dma_start3A_187 = arith.constant 0 : i32
    %dma_start3A_188 = tpu.memref_slice %arg4[%dma_start3A_187, %multiple_of3A_174] : memref<16x1000000xf32, #tpu.memory_space<hbm>> -> memref<16x128xf32, #tpu.memory_space<hbm>>
    tpu.enqueue_dma source(%dma_start3A_188 : memref<16x128xf32, #tpu.memory_space<hbm>>) target(%dma_start3A_186 : memref<16x128xf32, #tpu.memory_space<vmem>>) target_semaphore(%arg15 : memref<!tpu.dma_semaphore, #tpu.memory_space<semaphore_mem>>)
    %slice3A_189 = vector.extract_strided_slice %get3A_3 {offsets = [10], sizes = [1], strides = [1]} : vector<16xi32> to vector<1xi32>
    %squeeze3A_190 = vector.extract %slice3A_189[0] : i32 from vector<1xi32>
    %and3A_191 = arith.constant -128 : i32
    %and3A_192 = arith.andi %squeeze3A_190, %and3A_191 : i32
    %multiple_of3A_193 = tpu.assume_multiple %and3A_192, 128 : i32
    %dma_start3A_194 = arith.constant 0 : i32
    %dma_start3A_195 = arith.constant 10 : i32
    %dma_start3A_196 = arith.constant 0 : i32
    %dma_start3A_197 = arith.constant 0 : i32
    %dma_start3A_198 = tpu.memref_slice %arg10[%dma_start3A_194, %dma_start3A_195, %dma_start3A_196, %dma_start3A_197] : memref<2x16x16x128xf32, #tpu.memory_space<vmem>> -> memref<1x1x16x128xf32, #tpu.memory_space<vmem>>
    %dma_start3A_199 = tpu.memref_squeeze %dma_start3A_198 : memref<1x1x16x128xf32, #tpu.memory_space<vmem>> -> memref<16x128xf32, #tpu.memory_space<vmem>>
    %dma_start3A_200 = arith.constant 0 : i32
    %dma_start3A_201 = tpu.memref_slice %arg4[%dma_start3A_200, %multiple_of3A_193] : memref<16x1000000xf32, #tpu.memory_space<hbm>> -> memref<16x128xf32, #tpu.memory_space<hbm>>
    %dma_start3A_202 = arith.constant 0 : i32
    %dma_start3A_203 = arith.constant 0 : i32
    %dma_start3A_204 = tpu.memref_slice %arg10[%dma_start3A_194, %dma_start3A_195, %dma_start3A_202, %dma_start3A_203] : memref<2x16x16x128xf32, #tpu.memory_space<vmem>> -> memref<1x1x16x128xf32, #tpu.memory_space<vmem>>
    %dma_start3A_205 = tpu.memref_squeeze %dma_start3A_204 : memref<1x1x16x128xf32, #tpu.memory_space<vmem>> -> memref<16x128xf32, #tpu.memory_space<vmem>>
    %dma_start3A_206 = arith.constant 0 : i32
    %dma_start3A_207 = tpu.memref_slice %arg4[%dma_start3A_206, %multiple_of3A_193] : memref<16x1000000xf32, #tpu.memory_space<hbm>> -> memref<16x128xf32, #tpu.memory_space<hbm>>
    tpu.enqueue_dma source(%dma_start3A_207 : memref<16x128xf32, #tpu.memory_space<hbm>>) target(%dma_start3A_205 : memref<16x128xf32, #tpu.memory_space<vmem>>) target_semaphore(%arg15 : memref<!tpu.dma_semaphore, #tpu.memory_space<semaphore_mem>>)
    %slice3A_208 = vector.extract_strided_slice %get3A_3 {offsets = [11], sizes = [1], strides = [1]} : vector<16xi32> to vector<1xi32>
    %squeeze3A_209 = vector.extract %slice3A_208[0] : i32 from vector<1xi32>
    %and3A_210 = arith.constant -128 : i32
    %and3A_211 = arith.andi %squeeze3A_209, %and3A_210 : i32
    %multiple_of3A_212 = tpu.assume_multiple %and3A_211, 128 : i32
    %dma_start3A_213 = arith.constant 0 : i32
    %dma_start3A_214 = arith.constant 11 : i32
    %dma_start3A_215 = arith.constant 0 : i32
    %dma_start3A_216 = arith.constant 0 : i32
    %dma_start3A_217 = tpu.memref_slice %arg10[%dma_start3A_213, %dma_start3A_214, %dma_start3A_215, %dma_start3A_216] : memref<2x16x16x128xf32, #tpu.memory_space<vmem>> -> memref<1x1x16x128xf32, #tpu.memory_space<vmem>>
    %dma_start3A_218 = tpu.memref_squeeze %dma_start3A_217 : memref<1x1x16x128xf32, #tpu.memory_space<vmem>> -> memref<16x128xf32, #tpu.memory_space<vmem>>
    %dma_start3A_219 = arith.constant 0 : i32
    %dma_start3A_220 = tpu.memref_slice %arg4[%dma_start3A_219, %multiple_of3A_212] : memref<16x1000000xf32, #tpu.memory_space<hbm>> -> memref<16x128xf32, #tpu.memory_space<hbm>>
    %dma_start3A_221 = arith.constant 0 : i32
    %dma_start3A_222 = arith.constant 0 : i32
    %dma_start3A_223 = tpu.memref_slice %arg10[%dma_start3A_213, %dma_start3A_214, %dma_start3A_221, %dma_start3A_222] : memref<2x16x16x128xf32, #tpu.memory_space<vmem>> -> memref<1x1x16x128xf32, #tpu.memory_space<vmem>>
    %dma_start3A_224 = tpu.memref_squeeze %dma_start3A_223 : memref<1x1x16x128xf32, #tpu.memory_space<vmem>> -> memref<16x128xf32, #tpu.memory_space<vmem>>
    %dma_start3A_225 = arith.constant 0 : i32
    %dma_start3A_226 = tpu.memref_slice %arg4[%dma_start3A_225, %multiple_of3A_212] : memref<16x1000000xf32, #tpu.memory_space<hbm>> -> memref<16x128xf32, #tpu.memory_space<hbm>>
    tpu.enqueue_dma source(%dma_start3A_226 : memref<16x128xf32, #tpu.memory_space<hbm>>) target(%dma_start3A_224 : memref<16x128xf32, #tpu.memory_space<vmem>>) target_semaphore(%arg15 : memref<!tpu.dma_semaphore, #tpu.memory_space<semaphore_mem>>)
    %slice3A_227 = vector.extract_strided_slice %get3A_3 {offsets = [12], sizes = [1], strides = [1]} : vector<16xi32> to vector<1xi32>
    %squeeze3A_228 = vector.extract %slice3A_227[0] : i32 from vector<1xi32>
    %and3A_229 = arith.constant -128 : i32
    %and3A_230 = arith.andi %squeeze3A_228, %and3A_229 : i32
    %multiple_of3A_231 = tpu.assume_multiple %and3A_230, 128 : i32
    %dma_start3A_232 = arith.constant 0 : i32
    %dma_start3A_233 = arith.constant 12 : i32
    %dma_start3A_234 = arith.constant 0 : i32
    %dma_start3A_235 = arith.constant 0 : i32
    %dma_start3A_236 = tpu.memref_slice %arg10[%dma_start3A_232, %dma_start3A_233, %dma_start3A_234, %dma_start3A_235] : memref<2x16x16x128xf32, #tpu.memory_space<vmem>> -> memref<1x1x16x128xf32, #tpu.memory_space<vmem>>
    %dma_start3A_237 = tpu.memref_squeeze %dma_start3A_236 : memref<1x1x16x128xf32, #tpu.memory_space<vmem>> -> memref<16x128xf32, #tpu.memory_space<vmem>>
    %dma_start3A_238 = arith.constant 0 : i32
    %dma_start3A_239 = tpu.memref_slice %arg4[%dma_start3A_238, %multiple_of3A_231] : memref<16x1000000xf32, #tpu.memory_space<hbm>> -> memref<16x128xf32, #tpu.memory_space<hbm>>
    %dma_start3A_240 = arith.constant 0 : i32
    %dma_start3A_241 = arith.constant 0 : i32
    %dma_start3A_242 = tpu.memref_slice %arg10[%dma_start3A_232, %dma_start3A_233, %dma_start3A_240, %dma_start3A_241] : memref<2x16x16x128xf32, #tpu.memory_space<vmem>> -> memref<1x1x16x128xf32, #tpu.memory_space<vmem>>
    %dma_start3A_243 = tpu.memref_squeeze %dma_start3A_242 : memref<1x1x16x128xf32, #tpu.memory_space<vmem>> -> memref<16x128xf32, #tpu.memory_space<vmem>>
    %dma_start3A_244 = arith.constant 0 : i32
    %dma_start3A_245 = tpu.memref_slice %arg4[%dma_start3A_244, %multiple_of3A_231] : memref<16x1000000xf32, #tpu.memory_space<hbm>> -> memref<16x128xf32, #tpu.memory_space<hbm>>
    tpu.enqueue_dma source(%dma_start3A_245 : memref<16x128xf32, #tpu.memory_space<hbm>>) target(%dma_start3A_243 : memref<16x128xf32, #tpu.memory_space<vmem>>) target_semaphore(%arg15 : memref<!tpu.dma_semaphore, #tpu.memory_space<semaphore_mem>>)
    %slice3A_246 = vector.extract_strided_slice %get3A_3 {offsets = [13], sizes = [1], strides = [1]} : vector<16xi32> to vector<1xi32>
    %squeeze3A_247 = vector.extract %slice3A_246[0] : i32 from vector<1xi32>
    %and3A_248 = arith.constant -128 : i32
    %and3A_249 = arith.andi %squeeze3A_247, %and3A_248 : i32
    %multiple_of3A_250 = tpu.assume_multiple %and3A_249, 128 : i32
    %dma_start3A_251 = arith.constant 0 : i32
    %dma_start3A_252 = arith.constant 13 : i32
    %dma_start3A_253 = arith.constant 0 : i32
    %dma_start3A_254 = arith.constant 0 : i32
    %dma_start3A_255 = tpu.memref_slice %arg10[%dma_start3A_251, %dma_start3A_252, %dma_start3A_253, %dma_start3A_254] : memref<2x16x16x128xf32, #tpu.memory_space<vmem>> -> memref<1x1x16x128xf32, #tpu.memory_space<vmem>>
    %dma_start3A_256 = tpu.memref_squeeze %dma_start3A_255 : memref<1x1x16x128xf32, #tpu.memory_space<vmem>> -> memref<16x128xf32, #tpu.memory_space<vmem>>
    %dma_start3A_257 = arith.constant 0 : i32
    %dma_start3A_258 = tpu.memref_slice %arg4[%dma_start3A_257, %multiple_of3A_250] : memref<16x1000000xf32, #tpu.memory_space<hbm>> -> memref<16x128xf32, #tpu.memory_space<hbm>>
    %dma_start3A_259 = arith.constant 0 : i32
    %dma_start3A_260 = arith.constant 0 : i32
    %dma_start3A_261 = tpu.memref_slice %arg10[%dma_start3A_251, %dma_start3A_252, %dma_start3A_259, %dma_start3A_260] : memref<2x16x16x128xf32, #tpu.memory_space<vmem>> -> memref<1x1x16x128xf32, #tpu.memory_space<vmem>>
    %dma_start3A_262 = tpu.memref_squeeze %dma_start3A_261 : memref<1x1x16x128xf32, #tpu.memory_space<vmem>> -> memref<16x128xf32, #tpu.memory_space<vmem>>
    %dma_start3A_263 = arith.constant 0 : i32
    %dma_start3A_264 = tpu.memref_slice %arg4[%dma_start3A_263, %multiple_of3A_250] : memref<16x1000000xf32, #tpu.memory_space<hbm>> -> memref<16x128xf32, #tpu.memory_space<hbm>>
    tpu.enqueue_dma source(%dma_start3A_264 : memref<16x128xf32, #tpu.memory_space<hbm>>) target(%dma_start3A_262 : memref<16x128xf32, #tpu.memory_space<vmem>>) target_semaphore(%arg15 : memref<!tpu.dma_semaphore, #tpu.memory_space<semaphore_mem>>)
    %slice3A_265 = vector.extract_strided_slice %get3A_3 {offsets = [14], sizes = [1], strides = [1]} : vector<16xi32> to vector<1xi32>
    %squeeze3A_266 = vector.extract %slice3A_265[0] : i32 from vector<1xi32>
    %and3A_267 = arith.constant -128 : i32
    %and3A_268 = arith.andi %squeeze3A_266, %and3A_267 : i32
    %multiple_of3A_269 = tpu.assume_multiple %and3A_268, 128 : i32
    %dma_start3A_270 = arith.constant 0 : i32
    %dma_start3A_271 = arith.constant 14 : i32
    %dma_start3A_272 = arith.constant 0 : i32
    %dma_start3A_273 = arith.constant 0 : i32
    %dma_start3A_274 = tpu.memref_slice %arg10[%dma_start3A_270, %dma_start3A_271, %dma_start3A_272, %dma_start3A_273] : memref<2x16x16x128xf32, #tpu.memory_space<vmem>> -> memref<1x1x16x128xf32, #tpu.memory_space<vmem>>
    %dma_start3A_275 = tpu.memref_squeeze %dma_start3A_274 : memref<1x1x16x128xf32, #tpu.memory_space<vmem>> -> memref<16x128xf32, #tpu.memory_space<vmem>>
    %dma_start3A_276 = arith.constant 0 : i32
    %dma_start3A_277 = tpu.memref_slice %arg4[%dma_start3A_276, %multiple_of3A_269] : memref<16x1000000xf32, #tpu.memory_space<hbm>> -> memref<16x128xf32, #tpu.memory_space<hbm>>
    %dma_start3A_278 = arith.constant 0 : i32
    %dma_start3A_279 = arith.constant 0 : i32
    %dma_start3A_280 = tpu.memref_slice %arg10[%dma_start3A_270, %dma_start3A_271, %dma_start3A_278, %dma_start3A_279] : memref<2x16x16x128xf32, #tpu.memory_space<vmem>> -> memref<1x1x16x128xf32, #tpu.memory_space<vmem>>
    %dma_start3A_281 = tpu.memref_squeeze %dma_start3A_280 : memref<1x1x16x128xf32, #tpu.memory_space<vmem>> -> memref<16x128xf32, #tpu.memory_space<vmem>>
    %dma_start3A_282 = arith.constant 0 : i32
    %dma_start3A_283 = tpu.memref_slice %arg4[%dma_start3A_282, %multiple_of3A_269] : memref<16x1000000xf32, #tpu.memory_space<hbm>> -> memref<16x128xf32, #tpu.memory_space<hbm>>
    tpu.enqueue_dma source(%dma_start3A_283 : memref<16x128xf32, #tpu.memory_space<hbm>>) target(%dma_start3A_281 : memref<16x128xf32, #tpu.memory_space<vmem>>) target_semaphore(%arg15 : memref<!tpu.dma_semaphore, #tpu.memory_space<semaphore_mem>>)
    %slice3A_284 = vector.extract_strided_slice %get3A_3 {offsets = [15], sizes = [1], strides = [1]} : vector<16xi32> to vector<1xi32>
    %squeeze3A_285 = vector.extract %slice3A_284[0] : i32 from vector<1xi32>
    %and3A_286 = arith.constant -128 : i32
    %and3A_287 = arith.andi %squeeze3A_285, %and3A_286 : i32
    %multiple_of3A_288 = tpu.assume_multiple %and3A_287, 128 : i32
    %dma_start3A_289 = arith.constant 0 : i32
    %dma_start3A_290 = arith.constant 15 : i32
    %dma_start3A_291 = arith.constant 0 : i32
    %dma_start3A_292 = arith.constant 0 : i32
    %dma_start3A_293 = tpu.memref_slice %arg10[%dma_start3A_289, %dma_start3A_290, %dma_start3A_291, %dma_start3A_292] : memref<2x16x16x128xf32, #tpu.memory_space<vmem>> -> memref<1x1x16x128xf32, #tpu.memory_space<vmem>>
    %dma_start3A_294 = tpu.memref_squeeze %dma_start3A_293 : memref<1x1x16x128xf32, #tpu.memory_space<vmem>> -> memref<16x128xf32, #tpu.memory_space<vmem>>
    %dma_start3A_295 = arith.constant 0 : i32
    %dma_start3A_296 = tpu.memref_slice %arg4[%dma_start3A_295, %multiple_of3A_288] : memref<16x1000000xf32, #tpu.memory_space<hbm>> -> memref<16x128xf32, #tpu.memory_space<hbm>>
    %dma_start3A_297 = arith.constant 0 : i32
    %dma_start3A_298 = arith.constant 0 : i32
    %dma_start3A_299 = tpu.memref_slice %arg10[%dma_start3A_289, %dma_start3A_290, %dma_start3A_297, %dma_start3A_298] : memref<2x16x16x128xf32, #tpu.memory_space<vmem>> -> memref<1x1x16x128xf32, #tpu.memory_space<vmem>>
    %dma_start3A_300 = tpu.memref_squeeze %dma_start3A_299 : memref<1x1x16x128xf32, #tpu.memory_space<vmem>> -> memref<16x128xf32, #tpu.memory_space<vmem>>
    %dma_start3A_301 = arith.constant 0 : i32
    %dma_start3A_302 = tpu.memref_slice %arg4[%dma_start3A_301, %multiple_of3A_288] : memref<16x1000000xf32, #tpu.memory_space<hbm>> -> memref<16x128xf32, #tpu.memory_space<hbm>>
    tpu.enqueue_dma source(%dma_start3A_302 : memref<16x128xf32, #tpu.memory_space<hbm>>) target(%dma_start3A_300 : memref<16x128xf32, #tpu.memory_space<vmem>>) target_semaphore(%arg15 : memref<!tpu.dma_semaphore, #tpu.memory_space<semaphore_mem>>)
    %scan3A = arith.constant 0 : i32
    %scan3A_303 = arith.constant 0 : i32
    %scan3A_304 = arith.constant 32 : i32
    %scan3A_305 = arith.addi %scan3A_303, %scan3A_304 : i32
    %scan3A_306 = arith.constant 1 : i32
    scf.for %scan3A_630 = %scan3A_303 to %scan3A_305 step %scan3A_306  : i32 {
      %jit3A = arith.constant 2 : i32
      %eq3A = arith.constant 0 : i32
      %eq3A_631 = arith.cmpi eq, %jit3A, %eq3A : i32
      %jit3A_632 = arith.constant 1 : i32
      %select_n3A = arith.select %eq3A_631, %jit3A_632, %jit3A : i32
      %rem3A = arith.remsi %scan3A_630, %select_n3A : i32
      %ne3A = arith.constant 0 : i32
      %ne3A_633 = arith.cmpi ne, %rem3A, %ne3A : i32
      %lt3A = arith.constant 0 : i32
      %lt3A_634 = arith.cmpi slt, %rem3A, %lt3A : i32
      %lt3A_635 = arith.constant 0 : i32
      %lt3A_636 = arith.cmpi slt, %select_n3A, %lt3A_635 : i32
      %ne3A_637 = arith.xori %lt3A_634, %lt3A_636 : i1
      %and3A_638 = arith.andi %ne3A_637, %ne3A_633 : i1
      %add3A_639 = arith.addi %rem3A, %select_n3A : i32
      %select_n3A_640 = arith.select %and3A_638, %add3A_639, %rem3A : i32
      %add3A_641 = arith.constant 1 : i32
      %add3A_642 = arith.addi %scan3A_630, %add3A_641 : i32
      %lt3A_643 = arith.constant 32 : i32
      %lt3A_644 = arith.cmpi slt, %add3A_642, %lt3A_643 : i32
      %convert_element_type3A = arith.extui %lt3A_644 : i1 to i32
      %cond3A = arith.constant 0 : i32
      %cond3A_645 = arith.cmpi ne, %convert_element_type3A, %cond3A : i32
      scf.if %cond3A_645 {
        %add3A_774 = arith.constant 1 : i32
        %add3A_775 = arith.addi %scan3A_630, %add3A_774 : i32
        %sub3A = arith.constant 1 : i32
        %sub3A_776 = arith.subi %sub3A, %select_n3A_640 : i32
        %mul3A_777 = arith.constant 16 : i32
        %mul3A_778 = arith.muli %add3A_775, %mul3A_777 : i32
        %get3A_779 = arith.index_cast %mul3A_778 : i32 to index
        %get3A_780 = tpu.vector_load %arg8[%get3A_779] {strides = array<i32>} : memref<512xi32, #tpu.memory_space<vmem>>, vector<16xi32>,
        %slice3A_781 = vector.extract_strided_slice %get3A_780 {offsets = [0], sizes = [1], strides = [1]} : vector<16xi32> to vector<1xi32>
        %squeeze3A_782 = vector.extract %slice3A_781[0] : i32 from vector<1xi32>
        %and3A_783 = arith.constant -128 : i32
        %and3A_784 = arith.andi %squeeze3A_782, %and3A_783 : i32
        %multiple_of3A_785 = tpu.assume_multiple %and3A_784, 128 : i32
        %dma_start3A_786 = arith.constant 0 : i32
        %dma_start3A_787 = arith.constant 0 : i32
        %dma_start3A_788 = arith.constant 0 : i32
        %dma_start3A_789 = tpu.memref_slice %arg10[%sub3A_776, %dma_start3A_786, %dma_start3A_787, %dma_start3A_788] : memref<2x16x16x128xf32, #tpu.memory_space<vmem>> -> memref<1x1x16x128xf32, #tpu.memory_space<vmem>>
        %dma_start3A_790 = tpu.memref_squeeze %dma_start3A_789 : memref<1x1x16x128xf32, #tpu.memory_space<vmem>> -> memref<16x128xf32, #tpu.memory_space<vmem>>
        %dma_start3A_791 = arith.constant 0 : i32
        %dma_start3A_792 = tpu.memref_slice %arg4[%dma_start3A_791, %multiple_of3A_785] : memref<16x1000000xf32, #tpu.memory_space<hbm>> -> memref<16x128xf32, #tpu.memory_space<hbm>>
        %dma_start3A_793 = arith.constant 0 : i32
        %dma_start3A_794 = arith.constant 0 : i32
        %dma_start3A_795 = tpu.memref_slice %arg10[%sub3A_776, %dma_start3A_786, %dma_start3A_793, %dma_start3A_794] : memref<2x16x16x128xf32, #tpu.memory_space<vmem>> -> memref<1x1x16x128xf32, #tpu.memory_space<vmem>>
        %dma_start3A_796 = tpu.memref_squeeze %dma_start3A_795 : memref<1x1x16x128xf32, #tpu.memory_space<vmem>> -> memref<16x128xf32, #tpu.memory_space<vmem>>
        %dma_start3A_797 = arith.constant 0 : i32
        %dma_start3A_798 = tpu.memref_slice %arg4[%dma_start3A_797, %multiple_of3A_785] : memref<16x1000000xf32, #tpu.memory_space<hbm>> -> memref<16x128xf32, #tpu.memory_space<hbm>>
        tpu.enqueue_dma source(%dma_start3A_798 : memref<16x128xf32, #tpu.memory_space<hbm>>) target(%dma_start3A_796 : memref<16x128xf32, #tpu.memory_space<vmem>>) target_semaphore(%arg15 : memref<!tpu.dma_semaphore, #tpu.memory_space<semaphore_mem>>)
        %slice3A_799 = vector.extract_strided_slice %get3A_780 {offsets = [1], sizes = [1], strides = [1]} : vector<16xi32> to vector<1xi32>
        %squeeze3A_800 = vector.extract %slice3A_799[0] : i32 from vector<1xi32>
        %and3A_801 = arith.constant -128 : i32
        %and3A_802 = arith.andi %squeeze3A_800, %and3A_801 : i32
        %multiple_of3A_803 = tpu.assume_multiple %and3A_802, 128 : i32
        %dma_start3A_804 = arith.constant 1 : i32
        %dma_start3A_805 = arith.constant 0 : i32
        %dma_start3A_806 = arith.constant 0 : i32
        %dma_start3A_807 = tpu.memref_slice %arg10[%sub3A_776, %dma_start3A_804, %dma_start3A_805, %dma_start3A_806] : memref<2x16x16x128xf32, #tpu.memory_space<vmem>> -> memref<1x1x16x128xf32, #tpu.memory_space<vmem>>
        %dma_start3A_808 = tpu.memref_squeeze %dma_start3A_807 : memref<1x1x16x128xf32, #tpu.memory_space<vmem>> -> memref<16x128xf32, #tpu.memory_space<vmem>>
        %dma_start3A_809 = arith.constant 0 : i32
        %dma_start3A_810 = tpu.memref_slice %arg4[%dma_start3A_809, %multiple_of3A_803] : memref<16x1000000xf32, #tpu.memory_space<hbm>> -> memref<16x128xf32, #tpu.memory_space<hbm>>
        %dma_start3A_811 = arith.constant 0 : i32
        %dma_start3A_812 = arith.constant 0 : i32
        %dma_start3A_813 = tpu.memref_slice %arg10[%sub3A_776, %dma_start3A_804, %dma_start3A_811, %dma_start3A_812] : memref<2x16x16x128xf32, #tpu.memory_space<vmem>> -> memref<1x1x16x128xf32, #tpu.memory_space<vmem>>
        %dma_start3A_814 = tpu.memref_squeeze %dma_start3A_813 : memref<1x1x16x128xf32, #tpu.memory_space<vmem>> -> memref<16x128xf32, #tpu.memory_space<vmem>>
        %dma_start3A_815 = arith.constant 0 : i32
        %dma_start3A_816 = tpu.memref_slice %arg4[%dma_start3A_815, %multiple_of3A_803] : memref<16x1000000xf32, #tpu.memory_space<hbm>> -> memref<16x128xf32, #tpu.memory_space<hbm>>
        tpu.enqueue_dma source(%dma_start3A_816 : memref<16x128xf32, #tpu.memory_space<hbm>>) target(%dma_start3A_814 : memref<16x128xf32, #tpu.memory_space<vmem>>) target_semaphore(%arg15 : memref<!tpu.dma_semaphore, #tpu.memory_space<semaphore_mem>>)
        %slice3A_817 = vector.extract_strided_slice %get3A_780 {offsets = [2], sizes = [1], strides = [1]} : vector<16xi32> to vector<1xi32>
        %squeeze3A_818 = vector.extract %slice3A_817[0] : i32 from vector<1xi32>
        %and3A_819 = arith.constant -128 : i32
        %and3A_820 = arith.andi %squeeze3A_818, %and3A_819 : i32
        %multiple_of3A_821 = tpu.assume_multiple %and3A_820, 128 : i32
        %dma_start3A_822 = arith.constant 2 : i32
        %dma_start3A_823 = arith.constant 0 : i32
        %dma_start3A_824 = arith.constant 0 : i32
        %dma_start3A_825 = tpu.memref_slice %arg10[%sub3A_776, %dma_start3A_822, %dma_start3A_823, %dma_start3A_824] : memref<2x16x16x128xf32, #tpu.memory_space<vmem>> -> memref<1x1x16x128xf32, #tpu.memory_space<vmem>>
        %dma_start3A_826 = tpu.memref_squeeze %dma_start3A_825 : memref<1x1x16x128xf32, #tpu.memory_space<vmem>> -> memref<16x128xf32, #tpu.memory_space<vmem>>
        %dma_start3A_827 = arith.constant 0 : i32
        %dma_start3A_828 = tpu.memref_slice %arg4[%dma_start3A_827, %multiple_of3A_821] : memref<16x1000000xf32, #tpu.memory_space<hbm>> -> memref<16x128xf32, #tpu.memory_space<hbm>>
        %dma_start3A_829 = arith.constant 0 : i32
        %dma_start3A_830 = arith.constant 0 : i32
        %dma_start3A_831 = tpu.memref_slice %arg10[%sub3A_776, %dma_start3A_822, %dma_start3A_829, %dma_start3A_830] : memref<2x16x16x128xf32, #tpu.memory_space<vmem>> -> memref<1x1x16x128xf32, #tpu.memory_space<vmem>>
        %dma_start3A_832 = tpu.memref_squeeze %dma_start3A_831 : memref<1x1x16x128xf32, #tpu.memory_space<vmem>> -> memref<16x128xf32, #tpu.memory_space<vmem>>
        %dma_start3A_833 = arith.constant 0 : i32
        %dma_start3A_834 = tpu.memref_slice %arg4[%dma_start3A_833, %multiple_of3A_821] : memref<16x1000000xf32, #tpu.memory_space<hbm>> -> memref<16x128xf32, #tpu.memory_space<hbm>>
        tpu.enqueue_dma source(%dma_start3A_834 : memref<16x128xf32, #tpu.memory_space<hbm>>) target(%dma_start3A_832 : memref<16x128xf32, #tpu.memory_space<vmem>>) target_semaphore(%arg15 : memref<!tpu.dma_semaphore, #tpu.memory_space<semaphore_mem>>)
        %slice3A_835 = vector.extract_strided_slice %get3A_780 {offsets = [3], sizes = [1], strides = [1]} : vector<16xi32> to vector<1xi32>
        %squeeze3A_836 = vector.extract %slice3A_835[0] : i32 from vector<1xi32>
        %and3A_837 = arith.constant -128 : i32
        %and3A_838 = arith.andi %squeeze3A_836, %and3A_837 : i32
        %multiple_of3A_839 = tpu.assume_multiple %and3A_838, 128 : i32
        %dma_start3A_840 = arith.constant 3 : i32
        %dma_start3A_841 = arith.constant 0 : i32
        %dma_start3A_842 = arith.constant 0 : i32
        %dma_start3A_843 = tpu.memref_slice %arg10[%sub3A_776, %dma_start3A_840, %dma_start3A_841, %dma_start3A_842] : memref<2x16x16x128xf32, #tpu.memory_space<vmem>> -> memref<1x1x16x128xf32, #tpu.memory_space<vmem>>
        %dma_start3A_844 = tpu.memref_squeeze %dma_start3A_843 : memref<1x1x16x128xf32, #tpu.memory_space<vmem>> -> memref<16x128xf32, #tpu.memory_space<vmem>>
        %dma_start3A_845 = arith.constant 0 : i32
        %dma_start3A_846 = tpu.memref_slice %arg4[%dma_start3A_845, %multiple_of3A_839] : memref<16x1000000xf32, #tpu.memory_space<hbm>> -> memref<16x128xf32, #tpu.memory_space<hbm>>
        %dma_start3A_847 = arith.constant 0 : i32
        %dma_start3A_848 = arith.constant 0 : i32
        %dma_start3A_849 = tpu.memref_slice %arg10[%sub3A_776, %dma_start3A_840, %dma_start3A_847, %dma_start3A_848] : memref<2x16x16x128xf32, #tpu.memory_space<vmem>> -> memref<1x1x16x128xf32, #tpu.memory_space<vmem>>
        %dma_start3A_850 = tpu.memref_squeeze %dma_start3A_849 : memref<1x1x16x128xf32, #tpu.memory_space<vmem>> -> memref<16x128xf32, #tpu.memory_space<vmem>>
        %dma_start3A_851 = arith.constant 0 : i32
        %dma_start3A_852 = tpu.memref_slice %arg4[%dma_start3A_851, %multiple_of3A_839] : memref<16x1000000xf32, #tpu.memory_space<hbm>> -> memref<16x128xf32, #tpu.memory_space<hbm>>
        tpu.enqueue_dma source(%dma_start3A_852 : memref<16x128xf32, #tpu.memory_space<hbm>>) target(%dma_start3A_850 : memref<16x128xf32, #tpu.memory_space<vmem>>) target_semaphore(%arg15 : memref<!tpu.dma_semaphore, #tpu.memory_space<semaphore_mem>>)
        %slice3A_853 = vector.extract_strided_slice %get3A_780 {offsets = [4], sizes = [1], strides = [1]} : vector<16xi32> to vector<1xi32>
        %squeeze3A_854 = vector.extract %slice3A_853[0] : i32 from vector<1xi32>
        %and3A_855 = arith.constant -128 : i32
        %and3A_856 = arith.andi %squeeze3A_854, %and3A_855 : i32
        %multiple_of3A_857 = tpu.assume_multiple %and3A_856, 128 : i32
        %dma_start3A_858 = arith.constant 4 : i32
        %dma_start3A_859 = arith.constant 0 : i32
        %dma_start3A_860 = arith.constant 0 : i32
        %dma_start3A_861 = tpu.memref_slice %arg10[%sub3A_776, %dma_start3A_858, %dma_start3A_859, %dma_start3A_860] : memref<2x16x16x128xf32, #tpu.memory_space<vmem>> -> memref<1x1x16x128xf32, #tpu.memory_space<vmem>>
        %dma_start3A_862 = tpu.memref_squeeze %dma_start3A_861 : memref<1x1x16x128xf32, #tpu.memory_space<vmem>> -> memref<16x128xf32, #tpu.memory_space<vmem>>
        %dma_start3A_863 = arith.constant 0 : i32
        %dma_start3A_864 = tpu.memref_slice %arg4[%dma_start3A_863, %multiple_of3A_857] : memref<16x1000000xf32, #tpu.memory_space<hbm>> -> memref<16x128xf32, #tpu.memory_space<hbm>>
        %dma_start3A_865 = arith.constant 0 : i32
        %dma_start3A_866 = arith.constant 0 : i32
        %dma_start3A_867 = tpu.memref_slice %arg10[%sub3A_776, %dma_start3A_858, %dma_start3A_865, %dma_start3A_866] : memref<2x16x16x128xf32, #tpu.memory_space<vmem>> -> memref<1x1x16x128xf32, #tpu.memory_space<vmem>>
        %dma_start3A_868 = tpu.memref_squeeze %dma_start3A_867 : memref<1x1x16x128xf32, #tpu.memory_space<vmem>> -> memref<16x128xf32, #tpu.memory_space<vmem>>
        %dma_start3A_869 = arith.constant 0 : i32
        %dma_start3A_870 = tpu.memref_slice %arg4[%dma_start3A_869, %multiple_of3A_857] : memref<16x1000000xf32, #tpu.memory_space<hbm>> -> memref<16x128xf32, #tpu.memory_space<hbm>>
        tpu.enqueue_dma source(%dma_start3A_870 : memref<16x128xf32, #tpu.memory_space<hbm>>) target(%dma_start3A_868 : memref<16x128xf32, #tpu.memory_space<vmem>>) target_semaphore(%arg15 : memref<!tpu.dma_semaphore, #tpu.memory_space<semaphore_mem>>)
        %slice3A_871 = vector.extract_strided_slice %get3A_780 {offsets = [5], sizes = [1], strides = [1]} : vector<16xi32> to vector<1xi32>
        %squeeze3A_872 = vector.extract %slice3A_871[0] : i32 from vector<1xi32>
        %and3A_873 = arith.constant -128 : i32
        %and3A_874 = arith.andi %squeeze3A_872, %and3A_873 : i32
        %multiple_of3A_875 = tpu.assume_multiple %and3A_874, 128 : i32
        %dma_start3A_876 = arith.constant 5 : i32
        %dma_start3A_877 = arith.constant 0 : i32
        %dma_start3A_878 = arith.constant 0 : i32
        %dma_start3A_879 = tpu.memref_slice %arg10[%sub3A_776, %dma_start3A_876, %dma_start3A_877, %dma_start3A_878] : memref<2x16x16x128xf32, #tpu.memory_space<vmem>> -> memref<1x1x16x128xf32, #tpu.memory_space<vmem>>
        %dma_start3A_880 = tpu.memref_squeeze %dma_start3A_879 : memref<1x1x16x128xf32, #tpu.memory_space<vmem>> -> memref<16x128xf32, #tpu.memory_space<vmem>>
        %dma_start3A_881 = arith.constant 0 : i32
        %dma_start3A_882 = tpu.memref_slice %arg4[%dma_start3A_881, %multiple_of3A_875] : memref<16x1000000xf32, #tpu.memory_space<hbm>> -> memref<16x128xf32, #tpu.memory_space<hbm>>
        %dma_start3A_883 = arith.constant 0 : i32
        %dma_start3A_884 = arith.constant 0 : i32
        %dma_start3A_885 = tpu.memref_slice %arg10[%sub3A_776, %dma_start3A_876, %dma_start3A_883, %dma_start3A_884] : memref<2x16x16x128xf32, #tpu.memory_space<vmem>> -> memref<1x1x16x128xf32, #tpu.memory_space<vmem>>
        %dma_start3A_886 = tpu.memref_squeeze %dma_start3A_885 : memref<1x1x16x128xf32, #tpu.memory_space<vmem>> -> memref<16x128xf32, #tpu.memory_space<vmem>>
        %dma_start3A_887 = arith.constant 0 : i32
        %dma_start3A_888 = tpu.memref_slice %arg4[%dma_start3A_887, %multiple_of3A_875] : memref<16x1000000xf32, #tpu.memory_space<hbm>> -> memref<16x128xf32, #tpu.memory_space<hbm>>
        tpu.enqueue_dma source(%dma_start3A_888 : memref<16x128xf32, #tpu.memory_space<hbm>>) target(%dma_start3A_886 : memref<16x128xf32, #tpu.memory_space<vmem>>) target_semaphore(%arg15 : memref<!tpu.dma_semaphore, #tpu.memory_space<semaphore_mem>>)
        %slice3A_889 = vector.extract_strided_slice %get3A_780 {offsets = [6], sizes = [1], strides = [1]} : vector<16xi32> to vector<1xi32>
        %squeeze3A_890 = vector.extract %slice3A_889[0] : i32 from vector<1xi32>
        %and3A_891 = arith.constant -128 : i32
        %and3A_892 = arith.andi %squeeze3A_890, %and3A_891 : i32
        %multiple_of3A_893 = tpu.assume_multiple %and3A_892, 128 : i32
        %dma_start3A_894 = arith.constant 6 : i32
        %dma_start3A_895 = arith.constant 0 : i32
        %dma_start3A_896 = arith.constant 0 : i32
        %dma_start3A_897 = tpu.memref_slice %arg10[%sub3A_776, %dma_start3A_894, %dma_start3A_895, %dma_start3A_896] : memref<2x16x16x128xf32, #tpu.memory_space<vmem>> -> memref<1x1x16x128xf32, #tpu.memory_space<vmem>>
        %dma_start3A_898 = tpu.memref_squeeze %dma_start3A_897 : memref<1x1x16x128xf32, #tpu.memory_space<vmem>> -> memref<16x128xf32, #tpu.memory_space<vmem>>
        %dma_start3A_899 = arith.constant 0 : i32
        %dma_start3A_900 = tpu.memref_slice %arg4[%dma_start3A_899, %multiple_of3A_893] : memref<16x1000000xf32, #tpu.memory_space<hbm>> -> memref<16x128xf32, #tpu.memory_space<hbm>>
        %dma_start3A_901 = arith.constant 0 : i32
        %dma_start3A_902 = arith.constant 0 : i32
        %dma_start3A_903 = tpu.memref_slice %arg10[%sub3A_776, %dma_start3A_894, %dma_start3A_901, %dma_start3A_902] : memref<2x16x16x128xf32, #tpu.memory_space<vmem>> -> memref<1x1x16x128xf32, #tpu.memory_space<vmem>>
        %dma_start3A_904 = tpu.memref_squeeze %dma_start3A_903 : memref<1x1x16x128xf32, #tpu.memory_space<vmem>> -> memref<16x128xf32, #tpu.memory_space<vmem>>
        %dma_start3A_905 = arith.constant 0 : i32
        %dma_start3A_906 = tpu.memref_slice %arg4[%dma_start3A_905, %multiple_of3A_893] : memref<16x1000000xf32, #tpu.memory_space<hbm>> -> memref<16x128xf32, #tpu.memory_space<hbm>>
        tpu.enqueue_dma source(%dma_start3A_906 : memref<16x128xf32, #tpu.memory_space<hbm>>) target(%dma_start3A_904 : memref<16x128xf32, #tpu.memory_space<vmem>>) target_semaphore(%arg15 : memref<!tpu.dma_semaphore, #tpu.memory_space<semaphore_mem>>)
        %slice3A_907 = vector.extract_strided_slice %get3A_780 {offsets = [7], sizes = [1], strides = [1]} : vector<16xi32> to vector<1xi32>
        %squeeze3A_908 = vector.extract %slice3A_907[0] : i32 from vector<1xi32>
        %and3A_909 = arith.constant -128 : i32
        %and3A_910 = arith.andi %squeeze3A_908, %and3A_909 : i32
        %multiple_of3A_911 = tpu.assume_multiple %and3A_910, 128 : i32
        %dma_start3A_912 = arith.constant 7 : i32
        %dma_start3A_913 = arith.constant 0 : i32
        %dma_start3A_914 = arith.constant 0 : i32
        %dma_start3A_915 = tpu.memref_slice %arg10[%sub3A_776, %dma_start3A_912, %dma_start3A_913, %dma_start3A_914] : memref<2x16x16x128xf32, #tpu.memory_space<vmem>> -> memref<1x1x16x128xf32, #tpu.memory_space<vmem>>
        %dma_start3A_916 = tpu.memref_squeeze %dma_start3A_915 : memref<1x1x16x128xf32, #tpu.memory_space<vmem>> -> memref<16x128xf32, #tpu.memory_space<vmem>>
        %dma_start3A_917 = arith.constant 0 : i32
        %dma_start3A_918 = tpu.memref_slice %arg4[%dma_start3A_917, %multiple_of3A_911] : memref<16x1000000xf32, #tpu.memory_space<hbm>> -> memref<16x128xf32, #tpu.memory_space<hbm>>
        %dma_start3A_919 = arith.constant 0 : i32
        %dma_start3A_920 = arith.constant 0 : i32
        %dma_start3A_921 = tpu.memref_slice %arg10[%sub3A_776, %dma_start3A_912, %dma_start3A_919, %dma_start3A_920] : memref<2x16x16x128xf32, #tpu.memory_space<vmem>> -> memref<1x1x16x128xf32, #tpu.memory_space<vmem>>
        %dma_start3A_922 = tpu.memref_squeeze %dma_start3A_921 : memref<1x1x16x128xf32, #tpu.memory_space<vmem>> -> memref<16x128xf32, #tpu.memory_space<vmem>>
        %dma_start3A_923 = arith.constant 0 : i32
        %dma_start3A_924 = tpu.memref_slice %arg4[%dma_start3A_923, %multiple_of3A_911] : memref<16x1000000xf32, #tpu.memory_space<hbm>> -> memref<16x128xf32, #tpu.memory_space<hbm>>
        tpu.enqueue_dma source(%dma_start3A_924 : memref<16x128xf32, #tpu.memory_space<hbm>>) target(%dma_start3A_922 : memref<16x128xf32, #tpu.memory_space<vmem>>) target_semaphore(%arg15 : memref<!tpu.dma_semaphore, #tpu.memory_space<semaphore_mem>>)
        %slice3A_925 = vector.extract_strided_slice %get3A_780 {offsets = [8], sizes = [1], strides = [1]} : vector<16xi32> to vector<1xi32>
        %squeeze3A_926 = vector.extract %slice3A_925[0] : i32 from vector<1xi32>
        %and3A_927 = arith.constant -128 : i32
        %and3A_928 = arith.andi %squeeze3A_926, %and3A_927 : i32
        %multiple_of3A_929 = tpu.assume_multiple %and3A_928, 128 : i32
        %dma_start3A_930 = arith.constant 8 : i32
        %dma_start3A_931 = arith.constant 0 : i32
        %dma_start3A_932 = arith.constant 0 : i32
        %dma_start3A_933 = tpu.memref_slice %arg10[%sub3A_776, %dma_start3A_930, %dma_start3A_931, %dma_start3A_932] : memref<2x16x16x128xf32, #tpu.memory_space<vmem>> -> memref<1x1x16x128xf32, #tpu.memory_space<vmem>>
        %dma_start3A_934 = tpu.memref_squeeze %dma_start3A_933 : memref<1x1x16x128xf32, #tpu.memory_space<vmem>> -> memref<16x128xf32, #tpu.memory_space<vmem>>
        %dma_start3A_935 = arith.constant 0 : i32
        %dma_start3A_936 = tpu.memref_slice %arg4[%dma_start3A_935, %multiple_of3A_929] : memref<16x1000000xf32, #tpu.memory_space<hbm>> -> memref<16x128xf32, #tpu.memory_space<hbm>>
        %dma_start3A_937 = arith.constant 0 : i32
        %dma_start3A_938 = arith.constant 0 : i32
        %dma_start3A_939 = tpu.memref_slice %arg10[%sub3A_776, %dma_start3A_930, %dma_start3A_937, %dma_start3A_938] : memref<2x16x16x128xf32, #tpu.memory_space<vmem>> -> memref<1x1x16x128xf32, #tpu.memory_space<vmem>>
        %dma_start3A_940 = tpu.memref_squeeze %dma_start3A_939 : memref<1x1x16x128xf32, #tpu.memory_space<vmem>> -> memref<16x128xf32, #tpu.memory_space<vmem>>
        %dma_start3A_941 = arith.constant 0 : i32
        %dma_start3A_942 = tpu.memref_slice %arg4[%dma_start3A_941, %multiple_of3A_929] : memref<16x1000000xf32, #tpu.memory_space<hbm>> -> memref<16x128xf32, #tpu.memory_space<hbm>>
        tpu.enqueue_dma source(%dma_start3A_942 : memref<16x128xf32, #tpu.memory_space<hbm>>) target(%dma_start3A_940 : memref<16x128xf32, #tpu.memory_space<vmem>>) target_semaphore(%arg15 : memref<!tpu.dma_semaphore, #tpu.memory_space<semaphore_mem>>)
        %slice3A_943 = vector.extract_strided_slice %get3A_780 {offsets = [9], sizes = [1], strides = [1]} : vector<16xi32> to vector<1xi32>
        %squeeze3A_944 = vector.extract %slice3A_943[0] : i32 from vector<1xi32>
        %and3A_945 = arith.constant -128 : i32
        %and3A_946 = arith.andi %squeeze3A_944, %and3A_945 : i32
        %multiple_of3A_947 = tpu.assume_multiple %and3A_946, 128 : i32
        %dma_start3A_948 = arith.constant 9 : i32
        %dma_start3A_949 = arith.constant 0 : i32
        %dma_start3A_950 = arith.constant 0 : i32
        %dma_start3A_951 = tpu.memref_slice %arg10[%sub3A_776, %dma_start3A_948, %dma_start3A_949, %dma_start3A_950] : memref<2x16x16x128xf32, #tpu.memory_space<vmem>> -> memref<1x1x16x128xf32, #tpu.memory_space<vmem>>
        %dma_start3A_952 = tpu.memref_squeeze %dma_start3A_951 : memref<1x1x16x128xf32, #tpu.memory_space<vmem>> -> memref<16x128xf32, #tpu.memory_space<vmem>>
        %dma_start3A_953 = arith.constant 0 : i32
        %dma_start3A_954 = tpu.memref_slice %arg4[%dma_start3A_953, %multiple_of3A_947] : memref<16x1000000xf32, #tpu.memory_space<hbm>> -> memref<16x128xf32, #tpu.memory_space<hbm>>
        %dma_start3A_955 = arith.constant 0 : i32
        %dma_start3A_956 = arith.constant 0 : i32
        %dma_start3A_957 = tpu.memref_slice %arg10[%sub3A_776, %dma_start3A_948, %dma_start3A_955, %dma_start3A_956] : memref<2x16x16x128xf32, #tpu.memory_space<vmem>> -> memref<1x1x16x128xf32, #tpu.memory_space<vmem>>
        %dma_start3A_958 = tpu.memref_squeeze %dma_start3A_957 : memref<1x1x16x128xf32, #tpu.memory_space<vmem>> -> memref<16x128xf32, #tpu.memory_space<vmem>>
        %dma_start3A_959 = arith.constant 0 : i32
        %dma_start3A_960 = tpu.memref_slice %arg4[%dma_start3A_959, %multiple_of3A_947] : memref<16x1000000xf32, #tpu.memory_space<hbm>> -> memref<16x128xf32, #tpu.memory_space<hbm>>
        tpu.enqueue_dma source(%dma_start3A_960 : memref<16x128xf32, #tpu.memory_space<hbm>>) target(%dma_start3A_958 : memref<16x128xf32, #tpu.memory_space<vmem>>) target_semaphore(%arg15 : memref<!tpu.dma_semaphore, #tpu.memory_space<semaphore_mem>>)
        %slice3A_961 = vector.extract_strided_slice %get3A_780 {offsets = [10], sizes = [1], strides = [1]} : vector<16xi32> to vector<1xi32>
        %squeeze3A_962 = vector.extract %slice3A_961[0] : i32 from vector<1xi32>
        %and3A_963 = arith.constant -128 : i32
        %and3A_964 = arith.andi %squeeze3A_962, %and3A_963 : i32
        %multiple_of3A_965 = tpu.assume_multiple %and3A_964, 128 : i32
        %dma_start3A_966 = arith.constant 10 : i32
        %dma_start3A_967 = arith.constant 0 : i32
        %dma_start3A_968 = arith.constant 0 : i32
        %dma_start3A_969 = tpu.memref_slice %arg10[%sub3A_776, %dma_start3A_966, %dma_start3A_967, %dma_start3A_968] : memref<2x16x16x128xf32, #tpu.memory_space<vmem>> -> memref<1x1x16x128xf32, #tpu.memory_space<vmem>>
        %dma_start3A_970 = tpu.memref_squeeze %dma_start3A_969 : memref<1x1x16x128xf32, #tpu.memory_space<vmem>> -> memref<16x128xf32, #tpu.memory_space<vmem>>
        %dma_start3A_971 = arith.constant 0 : i32
        %dma_start3A_972 = tpu.memref_slice %arg4[%dma_start3A_971, %multiple_of3A_965] : memref<16x1000000xf32, #tpu.memory_space<hbm>> -> memref<16x128xf32, #tpu.memory_space<hbm>>
        %dma_start3A_973 = arith.constant 0 : i32
        %dma_start3A_974 = arith.constant 0 : i32
        %dma_start3A_975 = tpu.memref_slice %arg10[%sub3A_776, %dma_start3A_966, %dma_start3A_973, %dma_start3A_974] : memref<2x16x16x128xf32, #tpu.memory_space<vmem>> -> memref<1x1x16x128xf32, #tpu.memory_space<vmem>>
        %dma_start3A_976 = tpu.memref_squeeze %dma_start3A_975 : memref<1x1x16x128xf32, #tpu.memory_space<vmem>> -> memref<16x128xf32, #tpu.memory_space<vmem>>
        %dma_start3A_977 = arith.constant 0 : i32
        %dma_start3A_978 = tpu.memref_slice %arg4[%dma_start3A_977, %multiple_of3A_965] : memref<16x1000000xf32, #tpu.memory_space<hbm>> -> memref<16x128xf32, #tpu.memory_space<hbm>>
        tpu.enqueue_dma source(%dma_start3A_978 : memref<16x128xf32, #tpu.memory_space<hbm>>) target(%dma_start3A_976 : memref<16x128xf32, #tpu.memory_space<vmem>>) target_semaphore(%arg15 : memref<!tpu.dma_semaphore, #tpu.memory_space<semaphore_mem>>)
        %slice3A_979 = vector.extract_strided_slice %get3A_780 {offsets = [11], sizes = [1], strides = [1]} : vector<16xi32> to vector<1xi32>
        %squeeze3A_980 = vector.extract %slice3A_979[0] : i32 from vector<1xi32>
        %and3A_981 = arith.constant -128 : i32
        %and3A_982 = arith.andi %squeeze3A_980, %and3A_981 : i32
        %multiple_of3A_983 = tpu.assume_multiple %and3A_982, 128 : i32
        %dma_start3A_984 = arith.constant 11 : i32
        %dma_start3A_985 = arith.constant 0 : i32
        %dma_start3A_986 = arith.constant 0 : i32
        %dma_start3A_987 = tpu.memref_slice %arg10[%sub3A_776, %dma_start3A_984, %dma_start3A_985, %dma_start3A_986] : memref<2x16x16x128xf32, #tpu.memory_space<vmem>> -> memref<1x1x16x128xf32, #tpu.memory_space<vmem>>
        %dma_start3A_988 = tpu.memref_squeeze %dma_start3A_987 : memref<1x1x16x128xf32, #tpu.memory_space<vmem>> -> memref<16x128xf32, #tpu.memory_space<vmem>>
        %dma_start3A_989 = arith.constant 0 : i32
        %dma_start3A_990 = tpu.memref_slice %arg4[%dma_start3A_989, %multiple_of3A_983] : memref<16x1000000xf32, #tpu.memory_space<hbm>> -> memref<16x128xf32, #tpu.memory_space<hbm>>
        %dma_start3A_991 = arith.constant 0 : i32
        %dma_start3A_992 = arith.constant 0 : i32
        %dma_start3A_993 = tpu.memref_slice %arg10[%sub3A_776, %dma_start3A_984, %dma_start3A_991, %dma_start3A_992] : memref<2x16x16x128xf32, #tpu.memory_space<vmem>> -> memref<1x1x16x128xf32, #tpu.memory_space<vmem>>
        %dma_start3A_994 = tpu.memref_squeeze %dma_start3A_993 : memref<1x1x16x128xf32, #tpu.memory_space<vmem>> -> memref<16x128xf32, #tpu.memory_space<vmem>>
        %dma_start3A_995 = arith.constant 0 : i32
        %dma_start3A_996 = tpu.memref_slice %arg4[%dma_start3A_995, %multiple_of3A_983] : memref<16x1000000xf32, #tpu.memory_space<hbm>> -> memref<16x128xf32, #tpu.memory_space<hbm>>
        tpu.enqueue_dma source(%dma_start3A_996 : memref<16x128xf32, #tpu.memory_space<hbm>>) target(%dma_start3A_994 : memref<16x128xf32, #tpu.memory_space<vmem>>) target_semaphore(%arg15 : memref<!tpu.dma_semaphore, #tpu.memory_space<semaphore_mem>>)
        %slice3A_997 = vector.extract_strided_slice %get3A_780 {offsets = [12], sizes = [1], strides = [1]} : vector<16xi32> to vector<1xi32>
        %squeeze3A_998 = vector.extract %slice3A_997[0] : i32 from vector<1xi32>
        %and3A_999 = arith.constant -128 : i32
        %and3A_1000 = arith.andi %squeeze3A_998, %and3A_999 : i32
        %multiple_of3A_1001 = tpu.assume_multiple %and3A_1000, 128 : i32
        %dma_start3A_1002 = arith.constant 12 : i32
        %dma_start3A_1003 = arith.constant 0 : i32
        %dma_start3A_1004 = arith.constant 0 : i32
        %dma_start3A_1005 = tpu.memref_slice %arg10[%sub3A_776, %dma_start3A_1002, %dma_start3A_1003, %dma_start3A_1004] : memref<2x16x16x128xf32, #tpu.memory_space<vmem>> -> memref<1x1x16x128xf32, #tpu.memory_space<vmem>>
        %dma_start3A_1006 = tpu.memref_squeeze %dma_start3A_1005 : memref<1x1x16x128xf32, #tpu.memory_space<vmem>> -> memref<16x128xf32, #tpu.memory_space<vmem>>
        %dma_start3A_1007 = arith.constant 0 : i32
        %dma_start3A_1008 = tpu.memref_slice %arg4[%dma_start3A_1007, %multiple_of3A_1001] : memref<16x1000000xf32, #tpu.memory_space<hbm>> -> memref<16x128xf32, #tpu.memory_space<hbm>>
        %dma_start3A_1009 = arith.constant 0 : i32
        %dma_start3A_1010 = arith.constant 0 : i32
        %dma_start3A_1011 = tpu.memref_slice %arg10[%sub3A_776, %dma_start3A_1002, %dma_start3A_1009, %dma_start3A_1010] : memref<2x16x16x128xf32, #tpu.memory_space<vmem>> -> memref<1x1x16x128xf32, #tpu.memory_space<vmem>>
        %dma_start3A_1012 = tpu.memref_squeeze %dma_start3A_1011 : memref<1x1x16x128xf32, #tpu.memory_space<vmem>> -> memref<16x128xf32, #tpu.memory_space<vmem>>
        %dma_start3A_1013 = arith.constant 0 : i32
        %dma_start3A_1014 = tpu.memref_slice %arg4[%dma_start3A_1013, %multiple_of3A_1001] : memref<16x1000000xf32, #tpu.memory_space<hbm>> -> memref<16x128xf32, #tpu.memory_space<hbm>>
        tpu.enqueue_dma source(%dma_start3A_1014 : memref<16x128xf32, #tpu.memory_space<hbm>>) target(%dma_start3A_1012 : memref<16x128xf32, #tpu.memory_space<vmem>>) target_semaphore(%arg15 : memref<!tpu.dma_semaphore, #tpu.memory_space<semaphore_mem>>)
        %slice3A_1015 = vector.extract_strided_slice %get3A_780 {offsets = [13], sizes = [1], strides = [1]} : vector<16xi32> to vector<1xi32>
        %squeeze3A_1016 = vector.extract %slice3A_1015[0] : i32 from vector<1xi32>
        %and3A_1017 = arith.constant -128 : i32
        %and3A_1018 = arith.andi %squeeze3A_1016, %and3A_1017 : i32
        %multiple_of3A_1019 = tpu.assume_multiple %and3A_1018, 128 : i32
        %dma_start3A_1020 = arith.constant 13 : i32
        %dma_start3A_1021 = arith.constant 0 : i32
        %dma_start3A_1022 = arith.constant 0 : i32
        %dma_start3A_1023 = tpu.memref_slice %arg10[%sub3A_776, %dma_start3A_1020, %dma_start3A_1021, %dma_start3A_1022] : memref<2x16x16x128xf32, #tpu.memory_space<vmem>> -> memref<1x1x16x128xf32, #tpu.memory_space<vmem>>
        %dma_start3A_1024 = tpu.memref_squeeze %dma_start3A_1023 : memref<1x1x16x128xf32, #tpu.memory_space<vmem>> -> memref<16x128xf32, #tpu.memory_space<vmem>>
        %dma_start3A_1025 = arith.constant 0 : i32
        %dma_start3A_1026 = tpu.memref_slice %arg4[%dma_start3A_1025, %multiple_of3A_1019] : memref<16x1000000xf32, #tpu.memory_space<hbm>> -> memref<16x128xf32, #tpu.memory_space<hbm>>
        %dma_start3A_1027 = arith.constant 0 : i32
        %dma_start3A_1028 = arith.constant 0 : i32
        %dma_start3A_1029 = tpu.memref_slice %arg10[%sub3A_776, %dma_start3A_1020, %dma_start3A_1027, %dma_start3A_1028] : memref<2x16x16x128xf32, #tpu.memory_space<vmem>> -> memref<1x1x16x128xf32, #tpu.memory_space<vmem>>
        %dma_start3A_1030 = tpu.memref_squeeze %dma_start3A_1029 : memref<1x1x16x128xf32, #tpu.memory_space<vmem>> -> memref<16x128xf32, #tpu.memory_space<vmem>>
        %dma_start3A_1031 = arith.constant 0 : i32
        %dma_start3A_1032 = tpu.memref_slice %arg4[%dma_start3A_1031, %multiple_of3A_1019] : memref<16x1000000xf32, #tpu.memory_space<hbm>> -> memref<16x128xf32, #tpu.memory_space<hbm>>
        tpu.enqueue_dma source(%dma_start3A_1032 : memref<16x128xf32, #tpu.memory_space<hbm>>) target(%dma_start3A_1030 : memref<16x128xf32, #tpu.memory_space<vmem>>) target_semaphore(%arg15 : memref<!tpu.dma_semaphore, #tpu.memory_space<semaphore_mem>>)
        %slice3A_1033 = vector.extract_strided_slice %get3A_780 {offsets = [14], sizes = [1], strides = [1]} : vector<16xi32> to vector<1xi32>
        %squeeze3A_1034 = vector.extract %slice3A_1033[0] : i32 from vector<1xi32>
        %and3A_1035 = arith.constant -128 : i32
        %and3A_1036 = arith.andi %squeeze3A_1034, %and3A_1035 : i32
        %multiple_of3A_1037 = tpu.assume_multiple %and3A_1036, 128 : i32
        %dma_start3A_1038 = arith.constant 14 : i32
        %dma_start3A_1039 = arith.constant 0 : i32
        %dma_start3A_1040 = arith.constant 0 : i32
        %dma_start3A_1041 = tpu.memref_slice %arg10[%sub3A_776, %dma_start3A_1038, %dma_start3A_1039, %dma_start3A_1040] : memref<2x16x16x128xf32, #tpu.memory_space<vmem>> -> memref<1x1x16x128xf32, #tpu.memory_space<vmem>>
        %dma_start3A_1042 = tpu.memref_squeeze %dma_start3A_1041 : memref<1x1x16x128xf32, #tpu.memory_space<vmem>> -> memref<16x128xf32, #tpu.memory_space<vmem>>
        %dma_start3A_1043 = arith.constant 0 : i32
        %dma_start3A_1044 = tpu.memref_slice %arg4[%dma_start3A_1043, %multiple_of3A_1037] : memref<16x1000000xf32, #tpu.memory_space<hbm>> -> memref<16x128xf32, #tpu.memory_space<hbm>>
        %dma_start3A_1045 = arith.constant 0 : i32
        %dma_start3A_1046 = arith.constant 0 : i32
        %dma_start3A_1047 = tpu.memref_slice %arg10[%sub3A_776, %dma_start3A_1038, %dma_start3A_1045, %dma_start3A_1046] : memref<2x16x16x128xf32, #tpu.memory_space<vmem>> -> memref<1x1x16x128xf32, #tpu.memory_space<vmem>>
        %dma_start3A_1048 = tpu.memref_squeeze %dma_start3A_1047 : memref<1x1x16x128xf32, #tpu.memory_space<vmem>> -> memref<16x128xf32, #tpu.memory_space<vmem>>
        %dma_start3A_1049 = arith.constant 0 : i32
        %dma_start3A_1050 = tpu.memref_slice %arg4[%dma_start3A_1049, %multiple_of3A_1037] : memref<16x1000000xf32, #tpu.memory_space<hbm>> -> memref<16x128xf32, #tpu.memory_space<hbm>>
        tpu.enqueue_dma source(%dma_start3A_1050 : memref<16x128xf32, #tpu.memory_space<hbm>>) target(%dma_start3A_1048 : memref<16x128xf32, #tpu.memory_space<vmem>>) target_semaphore(%arg15 : memref<!tpu.dma_semaphore, #tpu.memory_space<semaphore_mem>>)
        %slice3A_1051 = vector.extract_strided_slice %get3A_780 {offsets = [15], sizes = [1], strides = [1]} : vector<16xi32> to vector<1xi32>
        %squeeze3A_1052 = vector.extract %slice3A_1051[0] : i32 from vector<1xi32>
        %and3A_1053 = arith.constant -128 : i32
        %and3A_1054 = arith.andi %squeeze3A_1052, %and3A_1053 : i32
        %multiple_of3A_1055 = tpu.assume_multiple %and3A_1054, 128 : i32
        %dma_start3A_1056 = arith.constant 15 : i32
        %dma_start3A_1057 = arith.constant 0 : i32
        %dma_start3A_1058 = arith.constant 0 : i32
        %dma_start3A_1059 = tpu.memref_slice %arg10[%sub3A_776, %dma_start3A_1056, %dma_start3A_1057, %dma_start3A_1058] : memref<2x16x16x128xf32, #tpu.memory_space<vmem>> -> memref<1x1x16x128xf32, #tpu.memory_space<vmem>>
        %dma_start3A_1060 = tpu.memref_squeeze %dma_start3A_1059 : memref<1x1x16x128xf32, #tpu.memory_space<vmem>> -> memref<16x128xf32, #tpu.memory_space<vmem>>
        %dma_start3A_1061 = arith.constant 0 : i32
        %dma_start3A_1062 = tpu.memref_slice %arg4[%dma_start3A_1061, %multiple_of3A_1055] : memref<16x1000000xf32, #tpu.memory_space<hbm>> -> memref<16x128xf32, #tpu.memory_space<hbm>>
        %dma_start3A_1063 = arith.constant 0 : i32
        %dma_start3A_1064 = arith.constant 0 : i32
        %dma_start3A_1065 = tpu.memref_slice %arg10[%sub3A_776, %dma_start3A_1056, %dma_start3A_1063, %dma_start3A_1064] : memref<2x16x16x128xf32, #tpu.memory_space<vmem>> -> memref<1x1x16x128xf32, #tpu.memory_space<vmem>>
        %dma_start3A_1066 = tpu.memref_squeeze %dma_start3A_1065 : memref<1x1x16x128xf32, #tpu.memory_space<vmem>> -> memref<16x128xf32, #tpu.memory_space<vmem>>
        %dma_start3A_1067 = arith.constant 0 : i32
        %dma_start3A_1068 = tpu.memref_slice %arg4[%dma_start3A_1067, %multiple_of3A_1055] : memref<16x1000000xf32, #tpu.memory_space<hbm>> -> memref<16x128xf32, #tpu.memory_space<hbm>>
        tpu.enqueue_dma source(%dma_start3A_1068 : memref<16x128xf32, #tpu.memory_space<hbm>>) target(%dma_start3A_1066 : memref<16x128xf32, #tpu.memory_space<vmem>>) target_semaphore(%arg15 : memref<!tpu.dma_semaphore, #tpu.memory_space<semaphore_mem>>)
      } else {
      }
      %scan3A_646 = arith.constant 0 : i32
      %scan3A_647 = arith.constant 0 : i32
      %scan3A_648 = arith.constant 16 : i32
      %scan3A_649 = arith.addi %scan3A_647, %scan3A_648 : i32
      %scan3A_650 = arith.constant 1 : i32
      scf.for %scan3A_774 = %scan3A_647 to %scan3A_649 step %scan3A_650  : i32 {
        %dma_wait3A = arith.constant 0 : i32
        %dma_wait3A_775 = arith.constant 0 : i32
        %dma_wait3A_776 = arith.constant 0 : i32
        %dma_wait3A_777 = arith.constant 0 : i32
        %dma_wait3A_778 = tpu.memref_slice %arg10[%dma_wait3A, %dma_wait3A_775, %dma_wait3A_776, %dma_wait3A_777] : memref<2x16x16x128xf32, #tpu.memory_space<vmem>> -> memref<1x1x16x128xf32, #tpu.memory_space<vmem>>
        %dma_wait3A_779 = tpu.memref_squeeze %dma_wait3A_778 : memref<1x1x16x128xf32, #tpu.memory_space<vmem>> -> memref<16x128xf32, #tpu.memory_space<vmem>>
        %dma_wait3A_780 = arith.constant 0 : i32
        %dma_wait3A_781 = arith.constant 0 : i32
        %dma_wait3A_782 = tpu.memref_slice %arg4[%dma_wait3A_780, %dma_wait3A_781] : memref<16x1000000xf32, #tpu.memory_space<hbm>> -> memref<16x128xf32, #tpu.memory_space<hbm>>
        %dma_wait3A_783 = arith.constant 0 : i32
        %dma_wait3A_784 = arith.constant 0 : i32
        %dma_wait3A_785 = tpu.memref_slice %arg10[%dma_wait3A, %dma_wait3A_775, %dma_wait3A_783, %dma_wait3A_784] : memref<2x16x16x128xf32, #tpu.memory_space<vmem>> -> memref<1x1x16x128xf32, #tpu.memory_space<vmem>>
        %dma_wait3A_786 = tpu.memref_squeeze %dma_wait3A_785 : memref<1x1x16x128xf32, #tpu.memory_space<vmem>> -> memref<16x128xf32, #tpu.memory_space<vmem>>
        %dma_wait3A_787 = arith.constant 0 : i32
        %dma_wait3A_788 = arith.constant 0 : i32
        %dma_wait3A_789 = tpu.memref_slice %arg4[%dma_wait3A_787, %dma_wait3A_788] : memref<16x1000000xf32, #tpu.memory_space<hbm>> -> memref<16x128xf32, #tpu.memory_space<hbm>>
        tpu.wait_dma2 semaphore(%arg15 : memref<!tpu.dma_semaphore, #tpu.memory_space<semaphore_mem>>) src(%dma_wait3A_789 : memref<16x128xf32, #tpu.memory_space<hbm>>) dst(%dma_wait3A_786 : memref<16x128xf32, #tpu.memory_space<vmem>>)
      }
      %scan3A_651 = arith.constant 16 : i32
      %mul3A_652 = arith.constant 16 : i32
      %mul3A_653 = arith.muli %scan3A_630, %mul3A_652 : i32
      %get3A_654 = arith.index_cast %mul3A_653 : i32 to index
      %get3A_655 = tpu.vector_load %arg8[%get3A_654] {strides = array<i32>} : memref<512xi32, #tpu.memory_space<vmem>>, vector<16xi32>,
      %and3A_656 = arith.constant 127 : i32
      %and3A_657 = vector.broadcast %and3A_656 : i32 to vector<16xi32>
      %and3A_658 = arith.andi %get3A_655, %and3A_657 : vector<16xi32>
      %broadcast_in_dim3A = vector.broadcast %select_n3A_640 : i32 to vector<16xi32>
      %mul3A_659 = arith.constant 16 : i32
      %mul3A_660 = arith.muli %scan3A_630, %mul3A_659 : i32
      %broadcast_in_dim3A_661 = vector.broadcast %mul3A_660 : i32 to vector<16xi32>
      %add3A_662 = arith.addi %broadcast_in_dim3A_661, %iota3A : vector<16xi32>
      %broadcast_in_dim3A_663 = arith.constant 0 : i32
      %broadcast_in_dim3A_664 = vector.broadcast %broadcast_in_dim3A_663 : i32 to vector<16xi32>
      %gather3A = tpu.vector_load_idx %arg10[%broadcast_in_dim3A, %iota3A, %broadcast_in_dim3A_664, %and3A_658] : memref<2x16x16x128xf32, #tpu.memory_space<vmem>>[vector<16xi32>, vector<16xi32>, vector<16xi32>, vector<16xi32>], vector<16xf32>,
      %mul3A_665 = arith.constant 16 : i32
      %mul3A_666 = vector.broadcast %mul3A_665 : i32 to vector<16xi32>
      %mul3A_667 = arith.muli %add3A_662, %mul3A_666 : vector<16xi32>
      %add3A_668 = arith.addi %mul3A_667, %broadcast_in_dim3A_664 : vector<16xi32>
      tpu.vector_store_idx %arg11[%add3A_668], %gather3A : memref<8192xf32, #tpu.memory_space<vmem>>[vector<16xi32>], vector<16xf32>,
      %broadcast_in_dim3A_669 = arith.constant 1 : i32
      %broadcast_in_dim3A_670 = vector.broadcast %broadcast_in_dim3A_669 : i32 to vector<16xi32>
      %gather3A_671 = tpu.vector_load_idx %arg10[%broadcast_in_dim3A, %iota3A, %broadcast_in_dim3A_670, %and3A_658] : memref<2x16x16x128xf32, #tpu.memory_space<vmem>>[vector<16xi32>, vector<16xi32>, vector<16xi32>, vector<16xi32>], vector<16xf32>,
      %mul3A_672 = arith.constant 16 : i32
      %mul3A_673 = vector.broadcast %mul3A_672 : i32 to vector<16xi32>
      %mul3A_674 = arith.muli %add3A_662, %mul3A_673 : vector<16xi32>
      %add3A_675 = arith.addi %mul3A_674, %broadcast_in_dim3A_670 : vector<16xi32>
      tpu.vector_store_idx %arg11[%add3A_675], %gather3A_671 : memref<8192xf32, #tpu.memory_space<vmem>>[vector<16xi32>], vector<16xf32>,
      %broadcast_in_dim3A_676 = arith.constant 2 : i32
      %broadcast_in_dim3A_677 = vector.broadcast %broadcast_in_dim3A_676 : i32 to vector<16xi32>
      %gather3A_678 = tpu.vector_load_idx %arg10[%broadcast_in_dim3A, %iota3A, %broadcast_in_dim3A_677, %and3A_658] : memref<2x16x16x128xf32, #tpu.memory_space<vmem>>[vector<16xi32>, vector<16xi32>, vector<16xi32>, vector<16xi32>], vector<16xf32>,
      %mul3A_679 = arith.constant 16 : i32
      %mul3A_680 = vector.broadcast %mul3A_679 : i32 to vector<16xi32>
      %mul3A_681 = arith.muli %add3A_662, %mul3A_680 : vector<16xi32>
      %add3A_682 = arith.addi %mul3A_681, %broadcast_in_dim3A_677 : vector<16xi32>
      tpu.vector_store_idx %arg11[%add3A_682], %gather3A_678 : memref<8192xf32, #tpu.memory_space<vmem>>[vector<16xi32>], vector<16xf32>,
      %broadcast_in_dim3A_683 = arith.constant 3 : i32
      %broadcast_in_dim3A_684 = vector.broadcast %broadcast_in_dim3A_683 : i32 to vector<16xi32>
      %gather3A_685 = tpu.vector_load_idx %arg10[%broadcast_in_dim3A, %iota3A, %broadcast_in_dim3A_684, %and3A_658] : memref<2x16x16x128xf32, #tpu.memory_space<vmem>>[vector<16xi32>, vector<16xi32>, vector<16xi32>, vector<16xi32>], vector<16xf32>,
      %mul3A_686 = arith.constant 16 : i32
      %mul3A_687 = vector.broadcast %mul3A_686 : i32 to vector<16xi32>
      %mul3A_688 = arith.muli %add3A_662, %mul3A_687 : vector<16xi32>
      %add3A_689 = arith.addi %mul3A_688, %broadcast_in_dim3A_684 : vector<16xi32>
      tpu.vector_store_idx %arg11[%add3A_689], %gather3A_685 : memref<8192xf32, #tpu.memory_space<vmem>>[vector<16xi32>], vector<16xf32>,
      %broadcast_in_dim3A_690 = arith.constant 4 : i32
      %broadcast_in_dim3A_691 = vector.broadcast %broadcast_in_dim3A_690 : i32 to vector<16xi32>
      %gather3A_692 = tpu.vector_load_idx %arg10[%broadcast_in_dim3A, %iota3A, %broadcast_in_dim3A_691, %and3A_658] : memref<2x16x16x128xf32, #tpu.memory_space<vmem>>[vector<16xi32>, vector<16xi32>, vector<16xi32>, vector<16xi32>], vector<16xf32>,
      %mul3A_693 = arith.constant 16 : i32
      %mul3A_694 = vector.broadcast %mul3A_693 : i32 to vector<16xi32>
      %mul3A_695 = arith.muli %add3A_662, %mul3A_694 : vector<16xi32>
      %add3A_696 = arith.addi %mul3A_695, %broadcast_in_dim3A_691 : vector<16xi32>
      tpu.vector_store_idx %arg11[%add3A_696], %gather3A_692 : memref<8192xf32, #tpu.memory_space<vmem>>[vector<16xi32>], vector<16xf32>,
      %broadcast_in_dim3A_697 = arith.constant 5 : i32
      %broadcast_in_dim3A_698 = vector.broadcast %broadcast_in_dim3A_697 : i32 to vector<16xi32>
      %gather3A_699 = tpu.vector_load_idx %arg10[%broadcast_in_dim3A, %iota3A, %broadcast_in_dim3A_698, %and3A_658] : memref<2x16x16x128xf32, #tpu.memory_space<vmem>>[vector<16xi32>, vector<16xi32>, vector<16xi32>, vector<16xi32>], vector<16xf32>,
      %mul3A_700 = arith.constant 16 : i32
      %mul3A_701 = vector.broadcast %mul3A_700 : i32 to vector<16xi32>
      %mul3A_702 = arith.muli %add3A_662, %mul3A_701 : vector<16xi32>
      %add3A_703 = arith.addi %mul3A_702, %broadcast_in_dim3A_698 : vector<16xi32>
      tpu.vector_store_idx %arg11[%add3A_703], %gather3A_699 : memref<8192xf32, #tpu.memory_space<vmem>>[vector<16xi32>], vector<16xf32>,
      %broadcast_in_dim3A_704 = arith.constant 6 : i32
      %broadcast_in_dim3A_705 = vector.broadcast %broadcast_in_dim3A_704 : i32 to vector<16xi32>
      %gather3A_706 = tpu.vector_load_idx %arg10[%broadcast_in_dim3A, %iota3A, %broadcast_in_dim3A_705, %and3A_658] : memref<2x16x16x128xf32, #tpu.memory_space<vmem>>[vector<16xi32>, vector<16xi32>, vector<16xi32>, vector<16xi32>], vector<16xf32>,
      %mul3A_707 = arith.constant 16 : i32
      %mul3A_708 = vector.broadcast %mul3A_707 : i32 to vector<16xi32>
      %mul3A_709 = arith.muli %add3A_662, %mul3A_708 : vector<16xi32>
      %add3A_710 = arith.addi %mul3A_709, %broadcast_in_dim3A_705 : vector<16xi32>
      tpu.vector_store_idx %arg11[%add3A_710], %gather3A_706 : memref<8192xf32, #tpu.memory_space<vmem>>[vector<16xi32>], vector<16xf32>,
      %broadcast_in_dim3A_711 = arith.constant 7 : i32
      %broadcast_in_dim3A_712 = vector.broadcast %broadcast_in_dim3A_711 : i32 to vector<16xi32>
      %gather3A_713 = tpu.vector_load_idx %arg10[%broadcast_in_dim3A, %iota3A, %broadcast_in_dim3A_712, %and3A_658] : memref<2x16x16x128xf32, #tpu.memory_space<vmem>>[vector<16xi32>, vector<16xi32>, vector<16xi32>, vector<16xi32>], vector<16xf32>,
      %mul3A_714 = arith.constant 16 : i32
      %mul3A_715 = vector.broadcast %mul3A_714 : i32 to vector<16xi32>
      %mul3A_716 = arith.muli %add3A_662, %mul3A_715 : vector<16xi32>
      %add3A_717 = arith.addi %mul3A_716, %broadcast_in_dim3A_712 : vector<16xi32>
      tpu.vector_store_idx %arg11[%add3A_717], %gather3A_713 : memref<8192xf32, #tpu.memory_space<vmem>>[vector<16xi32>], vector<16xf32>,
      %broadcast_in_dim3A_718 = arith.constant 8 : i32
      %broadcast_in_dim3A_719 = vector.broadcast %broadcast_in_dim3A_718 : i32 to vector<16xi32>
      %gather3A_720 = tpu.vector_load_idx %arg10[%broadcast_in_dim3A, %iota3A, %broadcast_in_dim3A_719, %and3A_658] : memref<2x16x16x128xf32, #tpu.memory_space<vmem>>[vector<16xi32>, vector<16xi32>, vector<16xi32>, vector<16xi32>], vector<16xf32>,
      %mul3A_721 = arith.constant 16 : i32
      %mul3A_722 = vector.broadcast %mul3A_721 : i32 to vector<16xi32>
      %mul3A_723 = arith.muli %add3A_662, %mul3A_722 : vector<16xi32>
      %add3A_724 = arith.addi %mul3A_723, %broadcast_in_dim3A_719 : vector<16xi32>
      tpu.vector_store_idx %arg11[%add3A_724], %gather3A_720 : memref<8192xf32, #tpu.memory_space<vmem>>[vector<16xi32>], vector<16xf32>,
      %broadcast_in_dim3A_725 = arith.constant 9 : i32
      %broadcast_in_dim3A_726 = vector.broadcast %broadcast_in_dim3A_725 : i32 to vector<16xi32>
      %gather3A_727 = tpu.vector_load_idx %arg10[%broadcast_in_dim3A, %iota3A, %broadcast_in_dim3A_726, %and3A_658] : memref<2x16x16x128xf32, #tpu.memory_space<vmem>>[vector<16xi32>, vector<16xi32>, vector<16xi32>, vector<16xi32>], vector<16xf32>,
      %mul3A_728 = arith.constant 16 : i32
      %mul3A_729 = vector.broadcast %mul3A_728 : i32 to vector<16xi32>
      %mul3A_730 = arith.muli %add3A_662, %mul3A_729 : vector<16xi32>
      %add3A_731 = arith.addi %mul3A_730, %broadcast_in_dim3A_726 : vector<16xi32>
      tpu.vector_store_idx %arg11[%add3A_731], %gather3A_727 : memref<8192xf32, #tpu.memory_space<vmem>>[vector<16xi32>], vector<16xf32>,
      %broadcast_in_dim3A_732 = arith.constant 10 : i32
      %broadcast_in_dim3A_733 = vector.broadcast %broadcast_in_dim3A_732 : i32 to vector<16xi32>
      %gather3A_734 = tpu.vector_load_idx %arg10[%broadcast_in_dim3A, %iota3A, %broadcast_in_dim3A_733, %and3A_658] : memref<2x16x16x128xf32, #tpu.memory_space<vmem>>[vector<16xi32>, vector<16xi32>, vector<16xi32>, vector<16xi32>], vector<16xf32>,
      %mul3A_735 = arith.constant 16 : i32
      %mul3A_736 = vector.broadcast %mul3A_735 : i32 to vector<16xi32>
      %mul3A_737 = arith.muli %add3A_662, %mul3A_736 : vector<16xi32>
      %add3A_738 = arith.addi %mul3A_737, %broadcast_in_dim3A_733 : vector<16xi32>
      tpu.vector_store_idx %arg11[%add3A_738], %gather3A_734 : memref<8192xf32, #tpu.memory_space<vmem>>[vector<16xi32>], vector<16xf32>,
      %broadcast_in_dim3A_739 = arith.constant 11 : i32
      %broadcast_in_dim3A_740 = vector.broadcast %broadcast_in_dim3A_739 : i32 to vector<16xi32>
      %gather3A_741 = tpu.vector_load_idx %arg10[%broadcast_in_dim3A, %iota3A, %broadcast_in_dim3A_740, %and3A_658] : memref<2x16x16x128xf32, #tpu.memory_space<vmem>>[vector<16xi32>, vector<16xi32>, vector<16xi32>, vector<16xi32>], vector<16xf32>,
      %mul3A_742 = arith.constant 16 : i32
      %mul3A_743 = vector.broadcast %mul3A_742 : i32 to vector<16xi32>
      %mul3A_744 = arith.muli %add3A_662, %mul3A_743 : vector<16xi32>
      %add3A_745 = arith.addi %mul3A_744, %broadcast_in_dim3A_740 : vector<16xi32>
      tpu.vector_store_idx %arg11[%add3A_745], %gather3A_741 : memref<8192xf32, #tpu.memory_space<vmem>>[vector<16xi32>], vector<16xf32>,
      %broadcast_in_dim3A_746 = arith.constant 12 : i32
      %broadcast_in_dim3A_747 = vector.broadcast %broadcast_in_dim3A_746 : i32 to vector<16xi32>
      %gather3A_748 = tpu.vector_load_idx %arg10[%broadcast_in_dim3A, %iota3A, %broadcast_in_dim3A_747, %and3A_658] : memref<2x16x16x128xf32, #tpu.memory_space<vmem>>[vector<16xi32>, vector<16xi32>, vector<16xi32>, vector<16xi32>], vector<16xf32>,
      %mul3A_749 = arith.constant 16 : i32
      %mul3A_750 = vector.broadcast %mul3A_749 : i32 to vector<16xi32>
      %mul3A_751 = arith.muli %add3A_662, %mul3A_750 : vector<16xi32>
      %add3A_752 = arith.addi %mul3A_751, %broadcast_in_dim3A_747 : vector<16xi32>
      tpu.vector_store_idx %arg11[%add3A_752], %gather3A_748 : memref<8192xf32, #tpu.memory_space<vmem>>[vector<16xi32>], vector<16xf32>,
      %broadcast_in_dim3A_753 = arith.constant 13 : i32
      %broadcast_in_dim3A_754 = vector.broadcast %broadcast_in_dim3A_753 : i32 to vector<16xi32>
      %gather3A_755 = tpu.vector_load_idx %arg10[%broadcast_in_dim3A, %iota3A, %broadcast_in_dim3A_754, %and3A_658] : memref<2x16x16x128xf32, #tpu.memory_space<vmem>>[vector<16xi32>, vector<16xi32>, vector<16xi32>, vector<16xi32>], vector<16xf32>,
      %mul3A_756 = arith.constant 16 : i32
      %mul3A_757 = vector.broadcast %mul3A_756 : i32 to vector<16xi32>
      %mul3A_758 = arith.muli %add3A_662, %mul3A_757 : vector<16xi32>
      %add3A_759 = arith.addi %mul3A_758, %broadcast_in_dim3A_754 : vector<16xi32>
      tpu.vector_store_idx %arg11[%add3A_759], %gather3A_755 : memref<8192xf32, #tpu.memory_space<vmem>>[vector<16xi32>], vector<16xf32>,
      %broadcast_in_dim3A_760 = arith.constant 14 : i32
      %broadcast_in_dim3A_761 = vector.broadcast %broadcast_in_dim3A_760 : i32 to vector<16xi32>
      %gather3A_762 = tpu.vector_load_idx %arg10[%broadcast_in_dim3A, %iota3A, %broadcast_in_dim3A_761, %and3A_658] : memref<2x16x16x128xf32, #tpu.memory_space<vmem>>[vector<16xi32>, vector<16xi32>, vector<16xi32>, vector<16xi32>], vector<16xf32>,
      %mul3A_763 = arith.constant 16 : i32
      %mul3A_764 = vector.broadcast %mul3A_763 : i32 to vector<16xi32>
      %mul3A_765 = arith.muli %add3A_662, %mul3A_764 : vector<16xi32>
      %add3A_766 = arith.addi %mul3A_765, %broadcast_in_dim3A_761 : vector<16xi32>
      tpu.vector_store_idx %arg11[%add3A_766], %gather3A_762 : memref<8192xf32, #tpu.memory_space<vmem>>[vector<16xi32>], vector<16xf32>,
      %broadcast_in_dim3A_767 = arith.constant 15 : i32
      %broadcast_in_dim3A_768 = vector.broadcast %broadcast_in_dim3A_767 : i32 to vector<16xi32>
      %gather3A_769 = tpu.vector_load_idx %arg10[%broadcast_in_dim3A, %iota3A, %broadcast_in_dim3A_768, %and3A_658] : memref<2x16x16x128xf32, #tpu.memory_space<vmem>>[vector<16xi32>, vector<16xi32>, vector<16xi32>, vector<16xi32>], vector<16xf32>,
      %mul3A_770 = arith.constant 16 : i32
      %mul3A_771 = vector.broadcast %mul3A_770 : i32 to vector<16xi32>
      %mul3A_772 = arith.muli %add3A_662, %mul3A_771 : vector<16xi32>
      %add3A_773 = arith.addi %mul3A_772, %broadcast_in_dim3A_768 : vector<16xi32>
      tpu.vector_store_idx %arg11[%add3A_773], %gather3A_769 : memref<8192xf32, #tpu.memory_space<vmem>>[vector<16xi32>], vector<16xf32>,
    }
    %scan3A_307 = arith.constant 32 : i32
    %get3A_308 = arith.constant 0 : index
    %get3A_309 = tpu.vector_load %arg9[%get3A_308] {strides = array<i32>} : memref<512xi32, #tpu.memory_space<vmem>>, vector<16xi32>,
    %slice3A_310 = vector.extract_strided_slice %get3A_309 {offsets = [0], sizes = [1], strides = [1]} : vector<16xi32> to vector<1xi32>
    %squeeze3A_311 = vector.extract %slice3A_310[0] : i32 from vector<1xi32>
    %and3A_312 = arith.constant -128 : i32
    %and3A_313 = arith.andi %squeeze3A_311, %and3A_312 : i32
    %multiple_of3A_314 = tpu.assume_multiple %and3A_313, 128 : i32
    %dma_start3A_315 = arith.constant 0 : i32
    %dma_start3A_316 = arith.constant 0 : i32
    %dma_start3A_317 = arith.constant 0 : i32
    %dma_start3A_318 = arith.constant 0 : i32
    %dma_start3A_319 = tpu.memref_slice %arg10[%dma_start3A_315, %dma_start3A_316, %dma_start3A_317, %dma_start3A_318] : memref<2x16x16x128xf32, #tpu.memory_space<vmem>> -> memref<1x1x16x128xf32, #tpu.memory_space<vmem>>
    %dma_start3A_320 = tpu.memref_squeeze %dma_start3A_319 : memref<1x1x16x128xf32, #tpu.memory_space<vmem>> -> memref<16x128xf32, #tpu.memory_space<vmem>>
    %dma_start3A_321 = arith.constant 0 : i32
    %dma_start3A_322 = tpu.memref_slice %arg5[%dma_start3A_321, %multiple_of3A_314] : memref<16x1000000xf32, #tpu.memory_space<hbm>> -> memref<16x128xf32, #tpu.memory_space<hbm>>
    %dma_start3A_323 = arith.constant 0 : i32
    %dma_start3A_324 = arith.constant 0 : i32
    %dma_start3A_325 = tpu.memref_slice %arg10[%dma_start3A_315, %dma_start3A_316, %dma_start3A_323, %dma_start3A_324] : memref<2x16x16x128xf32, #tpu.memory_space<vmem>> -> memref<1x1x16x128xf32, #tpu.memory_space<vmem>>
    %dma_start3A_326 = tpu.memref_squeeze %dma_start3A_325 : memref<1x1x16x128xf32, #tpu.memory_space<vmem>> -> memref<16x128xf32, #tpu.memory_space<vmem>>
    %dma_start3A_327 = arith.constant 0 : i32
    %dma_start3A_328 = tpu.memref_slice %arg5[%dma_start3A_327, %multiple_of3A_314] : memref<16x1000000xf32, #tpu.memory_space<hbm>> -> memref<16x128xf32, #tpu.memory_space<hbm>>
    tpu.enqueue_dma source(%dma_start3A_328 : memref<16x128xf32, #tpu.memory_space<hbm>>) target(%dma_start3A_326 : memref<16x128xf32, #tpu.memory_space<vmem>>) target_semaphore(%arg15 : memref<!tpu.dma_semaphore, #tpu.memory_space<semaphore_mem>>)
    %slice3A_329 = vector.extract_strided_slice %get3A_309 {offsets = [1], sizes = [1], strides = [1]} : vector<16xi32> to vector<1xi32>
    %squeeze3A_330 = vector.extract %slice3A_329[0] : i32 from vector<1xi32>
    %and3A_331 = arith.constant -128 : i32
    %and3A_332 = arith.andi %squeeze3A_330, %and3A_331 : i32
    %multiple_of3A_333 = tpu.assume_multiple %and3A_332, 128 : i32
    %dma_start3A_334 = arith.constant 0 : i32
    %dma_start3A_335 = arith.constant 1 : i32
    %dma_start3A_336 = arith.constant 0 : i32
    %dma_start3A_337 = arith.constant 0 : i32
    %dma_start3A_338 = tpu.memref_slice %arg10[%dma_start3A_334, %dma_start3A_335, %dma_start3A_336, %dma_start3A_337] : memref<2x16x16x128xf32, #tpu.memory_space<vmem>> -> memref<1x1x16x128xf32, #tpu.memory_space<vmem>>
    %dma_start3A_339 = tpu.memref_squeeze %dma_start3A_338 : memref<1x1x16x128xf32, #tpu.memory_space<vmem>> -> memref<16x128xf32, #tpu.memory_space<vmem>>
    %dma_start3A_340 = arith.constant 0 : i32
    %dma_start3A_341 = tpu.memref_slice %arg5[%dma_start3A_340, %multiple_of3A_333] : memref<16x1000000xf32, #tpu.memory_space<hbm>> -> memref<16x128xf32, #tpu.memory_space<hbm>>
    %dma_start3A_342 = arith.constant 0 : i32
    %dma_start3A_343 = arith.constant 0 : i32
    %dma_start3A_344 = tpu.memref_slice %arg10[%dma_start3A_334, %dma_start3A_335, %dma_start3A_342, %dma_start3A_343] : memref<2x16x16x128xf32, #tpu.memory_space<vmem>> -> memref<1x1x16x128xf32, #tpu.memory_space<vmem>>
    %dma_start3A_345 = tpu.memref_squeeze %dma_start3A_344 : memref<1x1x16x128xf32, #tpu.memory_space<vmem>> -> memref<16x128xf32, #tpu.memory_space<vmem>>
    %dma_start3A_346 = arith.constant 0 : i32
    %dma_start3A_347 = tpu.memref_slice %arg5[%dma_start3A_346, %multiple_of3A_333] : memref<16x1000000xf32, #tpu.memory_space<hbm>> -> memref<16x128xf32, #tpu.memory_space<hbm>>
    tpu.enqueue_dma source(%dma_start3A_347 : memref<16x128xf32, #tpu.memory_space<hbm>>) target(%dma_start3A_345 : memref<16x128xf32, #tpu.memory_space<vmem>>) target_semaphore(%arg15 : memref<!tpu.dma_semaphore, #tpu.memory_space<semaphore_mem>>)
    %slice3A_348 = vector.extract_strided_slice %get3A_309 {offsets = [2], sizes = [1], strides = [1]} : vector<16xi32> to vector<1xi32>
    %squeeze3A_349 = vector.extract %slice3A_348[0] : i32 from vector<1xi32>
    %and3A_350 = arith.constant -128 : i32
    %and3A_351 = arith.andi %squeeze3A_349, %and3A_350 : i32
    %multiple_of3A_352 = tpu.assume_multiple %and3A_351, 128 : i32
    %dma_start3A_353 = arith.constant 0 : i32
    %dma_start3A_354 = arith.constant 2 : i32
    %dma_start3A_355 = arith.constant 0 : i32
    %dma_start3A_356 = arith.constant 0 : i32
    %dma_start3A_357 = tpu.memref_slice %arg10[%dma_start3A_353, %dma_start3A_354, %dma_start3A_355, %dma_start3A_356] : memref<2x16x16x128xf32, #tpu.memory_space<vmem>> -> memref<1x1x16x128xf32, #tpu.memory_space<vmem>>
    %dma_start3A_358 = tpu.memref_squeeze %dma_start3A_357 : memref<1x1x16x128xf32, #tpu.memory_space<vmem>> -> memref<16x128xf32, #tpu.memory_space<vmem>>
    %dma_start3A_359 = arith.constant 0 : i32
    %dma_start3A_360 = tpu.memref_slice %arg5[%dma_start3A_359, %multiple_of3A_352] : memref<16x1000000xf32, #tpu.memory_space<hbm>> -> memref<16x128xf32, #tpu.memory_space<hbm>>
    %dma_start3A_361 = arith.constant 0 : i32
    %dma_start3A_362 = arith.constant 0 : i32
    %dma_start3A_363 = tpu.memref_slice %arg10[%dma_start3A_353, %dma_start3A_354, %dma_start3A_361, %dma_start3A_362] : memref<2x16x16x128xf32, #tpu.memory_space<vmem>> -> memref<1x1x16x128xf32, #tpu.memory_space<vmem>>
    %dma_start3A_364 = tpu.memref_squeeze %dma_start3A_363 : memref<1x1x16x128xf32, #tpu.memory_space<vmem>> -> memref<16x128xf32, #tpu.memory_space<vmem>>
    %dma_start3A_365 = arith.constant 0 : i32
    %dma_start3A_366 = tpu.memref_slice %arg5[%dma_start3A_365, %multiple_of3A_352] : memref<16x1000000xf32, #tpu.memory_space<hbm>> -> memref<16x128xf32, #tpu.memory_space<hbm>>
    tpu.enqueue_dma source(%dma_start3A_366 : memref<16x128xf32, #tpu.memory_space<hbm>>) target(%dma_start3A_364 : memref<16x128xf32, #tpu.memory_space<vmem>>) target_semaphore(%arg15 : memref<!tpu.dma_semaphore, #tpu.memory_space<semaphore_mem>>)
    %slice3A_367 = vector.extract_strided_slice %get3A_309 {offsets = [3], sizes = [1], strides = [1]} : vector<16xi32> to vector<1xi32>
    %squeeze3A_368 = vector.extract %slice3A_367[0] : i32 from vector<1xi32>
    %and3A_369 = arith.constant -128 : i32
    %and3A_370 = arith.andi %squeeze3A_368, %and3A_369 : i32
    %multiple_of3A_371 = tpu.assume_multiple %and3A_370, 128 : i32
    %dma_start3A_372 = arith.constant 0 : i32
    %dma_start3A_373 = arith.constant 3 : i32
    %dma_start3A_374 = arith.constant 0 : i32
    %dma_start3A_375 = arith.constant 0 : i32
    %dma_start3A_376 = tpu.memref_slice %arg10[%dma_start3A_372, %dma_start3A_373, %dma_start3A_374, %dma_start3A_375] : memref<2x16x16x128xf32, #tpu.memory_space<vmem>> -> memref<1x1x16x128xf32, #tpu.memory_space<vmem>>
    %dma_start3A_377 = tpu.memref_squeeze %dma_start3A_376 : memref<1x1x16x128xf32, #tpu.memory_space<vmem>> -> memref<16x128xf32, #tpu.memory_space<vmem>>
    %dma_start3A_378 = arith.constant 0 : i32
    %dma_start3A_379 = tpu.memref_slice %arg5[%dma_start3A_378, %multiple_of3A_371] : memref<16x1000000xf32, #tpu.memory_space<hbm>> -> memref<16x128xf32, #tpu.memory_space<hbm>>
    %dma_start3A_380 = arith.constant 0 : i32
    %dma_start3A_381 = arith.constant 0 : i32
    %dma_start3A_382 = tpu.memref_slice %arg10[%dma_start3A_372, %dma_start3A_373, %dma_start3A_380, %dma_start3A_381] : memref<2x16x16x128xf32, #tpu.memory_space<vmem>> -> memref<1x1x16x128xf32, #tpu.memory_space<vmem>>
    %dma_start3A_383 = tpu.memref_squeeze %dma_start3A_382 : memref<1x1x16x128xf32, #tpu.memory_space<vmem>> -> memref<16x128xf32, #tpu.memory_space<vmem>>
    %dma_start3A_384 = arith.constant 0 : i32
    %dma_start3A_385 = tpu.memref_slice %arg5[%dma_start3A_384, %multiple_of3A_371] : memref<16x1000000xf32, #tpu.memory_space<hbm>> -> memref<16x128xf32, #tpu.memory_space<hbm>>
    tpu.enqueue_dma source(%dma_start3A_385 : memref<16x128xf32, #tpu.memory_space<hbm>>) target(%dma_start3A_383 : memref<16x128xf32, #tpu.memory_space<vmem>>) target_semaphore(%arg15 : memref<!tpu.dma_semaphore, #tpu.memory_space<semaphore_mem>>)
    %slice3A_386 = vector.extract_strided_slice %get3A_309 {offsets = [4], sizes = [1], strides = [1]} : vector<16xi32> to vector<1xi32>
    %squeeze3A_387 = vector.extract %slice3A_386[0] : i32 from vector<1xi32>
    %and3A_388 = arith.constant -128 : i32
    %and3A_389 = arith.andi %squeeze3A_387, %and3A_388 : i32
    %multiple_of3A_390 = tpu.assume_multiple %and3A_389, 128 : i32
    %dma_start3A_391 = arith.constant 0 : i32
    %dma_start3A_392 = arith.constant 4 : i32
    %dma_start3A_393 = arith.constant 0 : i32
    %dma_start3A_394 = arith.constant 0 : i32
    %dma_start3A_395 = tpu.memref_slice %arg10[%dma_start3A_391, %dma_start3A_392, %dma_start3A_393, %dma_start3A_394] : memref<2x16x16x128xf32, #tpu.memory_space<vmem>> -> memref<1x1x16x128xf32, #tpu.memory_space<vmem>>
    %dma_start3A_396 = tpu.memref_squeeze %dma_start3A_395 : memref<1x1x16x128xf32, #tpu.memory_space<vmem>> -> memref<16x128xf32, #tpu.memory_space<vmem>>
    %dma_start3A_397 = arith.constant 0 : i32
    %dma_start3A_398 = tpu.memref_slice %arg5[%dma_start3A_397, %multiple_of3A_390] : memref<16x1000000xf32, #tpu.memory_space<hbm>> -> memref<16x128xf32, #tpu.memory_space<hbm>>
    %dma_start3A_399 = arith.constant 0 : i32
    %dma_start3A_400 = arith.constant 0 : i32
    %dma_start3A_401 = tpu.memref_slice %arg10[%dma_start3A_391, %dma_start3A_392, %dma_start3A_399, %dma_start3A_400] : memref<2x16x16x128xf32, #tpu.memory_space<vmem>> -> memref<1x1x16x128xf32, #tpu.memory_space<vmem>>
    %dma_start3A_402 = tpu.memref_squeeze %dma_start3A_401 : memref<1x1x16x128xf32, #tpu.memory_space<vmem>> -> memref<16x128xf32, #tpu.memory_space<vmem>>
    %dma_start3A_403 = arith.constant 0 : i32
    %dma_start3A_404 = tpu.memref_slice %arg5[%dma_start3A_403, %multiple_of3A_390] : memref<16x1000000xf32, #tpu.memory_space<hbm>> -> memref<16x128xf32, #tpu.memory_space<hbm>>
    tpu.enqueue_dma source(%dma_start3A_404 : memref<16x128xf32, #tpu.memory_space<hbm>>) target(%dma_start3A_402 : memref<16x128xf32, #tpu.memory_space<vmem>>) target_semaphore(%arg15 : memref<!tpu.dma_semaphore, #tpu.memory_space<semaphore_mem>>)
    %slice3A_405 = vector.extract_strided_slice %get3A_309 {offsets = [5], sizes = [1], strides = [1]} : vector<16xi32> to vector<1xi32>
    %squeeze3A_406 = vector.extract %slice3A_405[0] : i32 from vector<1xi32>
    %and3A_407 = arith.constant -128 : i32
    %and3A_408 = arith.andi %squeeze3A_406, %and3A_407 : i32
    %multiple_of3A_409 = tpu.assume_multiple %and3A_408, 128 : i32
    %dma_start3A_410 = arith.constant 0 : i32
    %dma_start3A_411 = arith.constant 5 : i32
    %dma_start3A_412 = arith.constant 0 : i32
    %dma_start3A_413 = arith.constant 0 : i32
    %dma_start3A_414 = tpu.memref_slice %arg10[%dma_start3A_410, %dma_start3A_411, %dma_start3A_412, %dma_start3A_413] : memref<2x16x16x128xf32, #tpu.memory_space<vmem>> -> memref<1x1x16x128xf32, #tpu.memory_space<vmem>>
    %dma_start3A_415 = tpu.memref_squeeze %dma_start3A_414 : memref<1x1x16x128xf32, #tpu.memory_space<vmem>> -> memref<16x128xf32, #tpu.memory_space<vmem>>
    %dma_start3A_416 = arith.constant 0 : i32
    %dma_start3A_417 = tpu.memref_slice %arg5[%dma_start3A_416, %multiple_of3A_409] : memref<16x1000000xf32, #tpu.memory_space<hbm>> -> memref<16x128xf32, #tpu.memory_space<hbm>>
    %dma_start3A_418 = arith.constant 0 : i32
    %dma_start3A_419 = arith.constant 0 : i32
    %dma_start3A_420 = tpu.memref_slice %arg10[%dma_start3A_410, %dma_start3A_411, %dma_start3A_418, %dma_start3A_419] : memref<2x16x16x128xf32, #tpu.memory_space<vmem>> -> memref<1x1x16x128xf32, #tpu.memory_space<vmem>>
    %dma_start3A_421 = tpu.memref_squeeze %dma_start3A_420 : memref<1x1x16x128xf32, #tpu.memory_space<vmem>> -> memref<16x128xf32, #tpu.memory_space<vmem>>
    %dma_start3A_422 = arith.constant 0 : i32
    %dma_start3A_423 = tpu.memref_slice %arg5[%dma_start3A_422, %multiple_of3A_409] : memref<16x1000000xf32, #tpu.memory_space<hbm>> -> memref<16x128xf32, #tpu.memory_space<hbm>>
    tpu.enqueue_dma source(%dma_start3A_423 : memref<16x128xf32, #tpu.memory_space<hbm>>) target(%dma_start3A_421 : memref<16x128xf32, #tpu.memory_space<vmem>>) target_semaphore(%arg15 : memref<!tpu.dma_semaphore, #tpu.memory_space<semaphore_mem>>)
    %slice3A_424 = vector.extract_strided_slice %get3A_309 {offsets = [6], sizes = [1], strides = [1]} : vector<16xi32> to vector<1xi32>
    %squeeze3A_425 = vector.extract %slice3A_424[0] : i32 from vector<1xi32>
    %and3A_426 = arith.constant -128 : i32
    %and3A_427 = arith.andi %squeeze3A_425, %and3A_426 : i32
    %multiple_of3A_428 = tpu.assume_multiple %and3A_427, 128 : i32
    %dma_start3A_429 = arith.constant 0 : i32
    %dma_start3A_430 = arith.constant 6 : i32
    %dma_start3A_431 = arith.constant 0 : i32
    %dma_start3A_432 = arith.constant 0 : i32
    %dma_start3A_433 = tpu.memref_slice %arg10[%dma_start3A_429, %dma_start3A_430, %dma_start3A_431, %dma_start3A_432] : memref<2x16x16x128xf32, #tpu.memory_space<vmem>> -> memref<1x1x16x128xf32, #tpu.memory_space<vmem>>
    %dma_start3A_434 = tpu.memref_squeeze %dma_start3A_433 : memref<1x1x16x128xf32, #tpu.memory_space<vmem>> -> memref<16x128xf32, #tpu.memory_space<vmem>>
    %dma_start3A_435 = arith.constant 0 : i32
    %dma_start3A_436 = tpu.memref_slice %arg5[%dma_start3A_435, %multiple_of3A_428] : memref<16x1000000xf32, #tpu.memory_space<hbm>> -> memref<16x128xf32, #tpu.memory_space<hbm>>
    %dma_start3A_437 = arith.constant 0 : i32
    %dma_start3A_438 = arith.constant 0 : i32
    %dma_start3A_439 = tpu.memref_slice %arg10[%dma_start3A_429, %dma_start3A_430, %dma_start3A_437, %dma_start3A_438] : memref<2x16x16x128xf32, #tpu.memory_space<vmem>> -> memref<1x1x16x128xf32, #tpu.memory_space<vmem>>
    %dma_start3A_440 = tpu.memref_squeeze %dma_start3A_439 : memref<1x1x16x128xf32, #tpu.memory_space<vmem>> -> memref<16x128xf32, #tpu.memory_space<vmem>>
    %dma_start3A_441 = arith.constant 0 : i32
    %dma_start3A_442 = tpu.memref_slice %arg5[%dma_start3A_441, %multiple_of3A_428] : memref<16x1000000xf32, #tpu.memory_space<hbm>> -> memref<16x128xf32, #tpu.memory_space<hbm>>
    tpu.enqueue_dma source(%dma_start3A_442 : memref<16x128xf32, #tpu.memory_space<hbm>>) target(%dma_start3A_440 : memref<16x128xf32, #tpu.memory_space<vmem>>) target_semaphore(%arg15 : memref<!tpu.dma_semaphore, #tpu.memory_space<semaphore_mem>>)
    %slice3A_443 = vector.extract_strided_slice %get3A_309 {offsets = [7], sizes = [1], strides = [1]} : vector<16xi32> to vector<1xi32>
    %squeeze3A_444 = vector.extract %slice3A_443[0] : i32 from vector<1xi32>
    %and3A_445 = arith.constant -128 : i32
    %and3A_446 = arith.andi %squeeze3A_444, %and3A_445 : i32
    %multiple_of3A_447 = tpu.assume_multiple %and3A_446, 128 : i32
    %dma_start3A_448 = arith.constant 0 : i32
    %dma_start3A_449 = arith.constant 7 : i32
    %dma_start3A_450 = arith.constant 0 : i32
    %dma_start3A_451 = arith.constant 0 : i32
    %dma_start3A_452 = tpu.memref_slice %arg10[%dma_start3A_448, %dma_start3A_449, %dma_start3A_450, %dma_start3A_451] : memref<2x16x16x128xf32, #tpu.memory_space<vmem>> -> memref<1x1x16x128xf32, #tpu.memory_space<vmem>>
    %dma_start3A_453 = tpu.memref_squeeze %dma_start3A_452 : memref<1x1x16x128xf32, #tpu.memory_space<vmem>> -> memref<16x128xf32, #tpu.memory_space<vmem>>
    %dma_start3A_454 = arith.constant 0 : i32
    %dma_start3A_455 = tpu.memref_slice %arg5[%dma_start3A_454, %multiple_of3A_447] : memref<16x1000000xf32, #tpu.memory_space<hbm>> -> memref<16x128xf32, #tpu.memory_space<hbm>>
    %dma_start3A_456 = arith.constant 0 : i32
    %dma_start3A_457 = arith.constant 0 : i32
    %dma_start3A_458 = tpu.memref_slice %arg10[%dma_start3A_448, %dma_start3A_449, %dma_start3A_456, %dma_start3A_457] : memref<2x16x16x128xf32, #tpu.memory_space<vmem>> -> memref<1x1x16x128xf32, #tpu.memory_space<vmem>>
    %dma_start3A_459 = tpu.memref_squeeze %dma_start3A_458 : memref<1x1x16x128xf32, #tpu.memory_space<vmem>> -> memref<16x128xf32, #tpu.memory_space<vmem>>
    %dma_start3A_460 = arith.constant 0 : i32
    %dma_start3A_461 = tpu.memref_slice %arg5[%dma_start3A_460, %multiple_of3A_447] : memref<16x1000000xf32, #tpu.memory_space<hbm>> -> memref<16x128xf32, #tpu.memory_space<hbm>>
    tpu.enqueue_dma source(%dma_start3A_461 : memref<16x128xf32, #tpu.memory_space<hbm>>) target(%dma_start3A_459 : memref<16x128xf32, #tpu.memory_space<vmem>>) target_semaphore(%arg15 : memref<!tpu.dma_semaphore, #tpu.memory_space<semaphore_mem>>)
    %slice3A_462 = vector.extract_strided_slice %get3A_309 {offsets = [8], sizes = [1], strides = [1]} : vector<16xi32> to vector<1xi32>
    %squeeze3A_463 = vector.extract %slice3A_462[0] : i32 from vector<1xi32>
    %and3A_464 = arith.constant -128 : i32
    %and3A_465 = arith.andi %squeeze3A_463, %and3A_464 : i32
    %multiple_of3A_466 = tpu.assume_multiple %and3A_465, 128 : i32
    %dma_start3A_467 = arith.constant 0 : i32
    %dma_start3A_468 = arith.constant 8 : i32
    %dma_start3A_469 = arith.constant 0 : i32
    %dma_start3A_470 = arith.constant 0 : i32
    %dma_start3A_471 = tpu.memref_slice %arg10[%dma_start3A_467, %dma_start3A_468, %dma_start3A_469, %dma_start3A_470] : memref<2x16x16x128xf32, #tpu.memory_space<vmem>> -> memref<1x1x16x128xf32, #tpu.memory_space<vmem>>
    %dma_start3A_472 = tpu.memref_squeeze %dma_start3A_471 : memref<1x1x16x128xf32, #tpu.memory_space<vmem>> -> memref<16x128xf32, #tpu.memory_space<vmem>>
    %dma_start3A_473 = arith.constant 0 : i32
    %dma_start3A_474 = tpu.memref_slice %arg5[%dma_start3A_473, %multiple_of3A_466] : memref<16x1000000xf32, #tpu.memory_space<hbm>> -> memref<16x128xf32, #tpu.memory_space<hbm>>
    %dma_start3A_475 = arith.constant 0 : i32
    %dma_start3A_476 = arith.constant 0 : i32
    %dma_start3A_477 = tpu.memref_slice %arg10[%dma_start3A_467, %dma_start3A_468, %dma_start3A_475, %dma_start3A_476] : memref<2x16x16x128xf32, #tpu.memory_space<vmem>> -> memref<1x1x16x128xf32, #tpu.memory_space<vmem>>
    %dma_start3A_478 = tpu.memref_squeeze %dma_start3A_477 : memref<1x1x16x128xf32, #tpu.memory_space<vmem>> -> memref<16x128xf32, #tpu.memory_space<vmem>>
    %dma_start3A_479 = arith.constant 0 : i32
    %dma_start3A_480 = tpu.memref_slice %arg5[%dma_start3A_479, %multiple_of3A_466] : memref<16x1000000xf32, #tpu.memory_space<hbm>> -> memref<16x128xf32, #tpu.memory_space<hbm>>
    tpu.enqueue_dma source(%dma_start3A_480 : memref<16x128xf32, #tpu.memory_space<hbm>>) target(%dma_start3A_478 : memref<16x128xf32, #tpu.memory_space<vmem>>) target_semaphore(%arg15 : memref<!tpu.dma_semaphore, #tpu.memory_space<semaphore_mem>>)
    %slice3A_481 = vector.extract_strided_slice %get3A_309 {offsets = [9], sizes = [1], strides = [1]} : vector<16xi32> to vector<1xi32>
    %squeeze3A_482 = vector.extract %slice3A_481[0] : i32 from vector<1xi32>
    %and3A_483 = arith.constant -128 : i32
    %and3A_484 = arith.andi %squeeze3A_482, %and3A_483 : i32
    %multiple_of3A_485 = tpu.assume_multiple %and3A_484, 128 : i32
    %dma_start3A_486 = arith.constant 0 : i32
    %dma_start3A_487 = arith.constant 9 : i32
    %dma_start3A_488 = arith.constant 0 : i32
    %dma_start3A_489 = arith.constant 0 : i32
    %dma_start3A_490 = tpu.memref_slice %arg10[%dma_start3A_486, %dma_start3A_487, %dma_start3A_488, %dma_start3A_489] : memref<2x16x16x128xf32, #tpu.memory_space<vmem>> -> memref<1x1x16x128xf32, #tpu.memory_space<vmem>>
    %dma_start3A_491 = tpu.memref_squeeze %dma_start3A_490 : memref<1x1x16x128xf32, #tpu.memory_space<vmem>> -> memref<16x128xf32, #tpu.memory_space<vmem>>
    %dma_start3A_492 = arith.constant 0 : i32
    %dma_start3A_493 = tpu.memref_slice %arg5[%dma_start3A_492, %multiple_of3A_485] : memref<16x1000000xf32, #tpu.memory_space<hbm>> -> memref<16x128xf32, #tpu.memory_space<hbm>>
    %dma_start3A_494 = arith.constant 0 : i32
    %dma_start3A_495 = arith.constant 0 : i32
    %dma_start3A_496 = tpu.memref_slice %arg10[%dma_start3A_486, %dma_start3A_487, %dma_start3A_494, %dma_start3A_495] : memref<2x16x16x128xf32, #tpu.memory_space<vmem>> -> memref<1x1x16x128xf32, #tpu.memory_space<vmem>>
    %dma_start3A_497 = tpu.memref_squeeze %dma_start3A_496 : memref<1x1x16x128xf32, #tpu.memory_space<vmem>> -> memref<16x128xf32, #tpu.memory_space<vmem>>
    %dma_start3A_498 = arith.constant 0 : i32
    %dma_start3A_499 = tpu.memref_slice %arg5[%dma_start3A_498, %multiple_of3A_485] : memref<16x1000000xf32, #tpu.memory_space<hbm>> -> memref<16x128xf32, #tpu.memory_space<hbm>>
    tpu.enqueue_dma source(%dma_start3A_499 : memref<16x128xf32, #tpu.memory_space<hbm>>) target(%dma_start3A_497 : memref<16x128xf32, #tpu.memory_space<vmem>>) target_semaphore(%arg15 : memref<!tpu.dma_semaphore, #tpu.memory_space<semaphore_mem>>)
    %slice3A_500 = vector.extract_strided_slice %get3A_309 {offsets = [10], sizes = [1], strides = [1]} : vector<16xi32> to vector<1xi32>
    %squeeze3A_501 = vector.extract %slice3A_500[0] : i32 from vector<1xi32>
    %and3A_502 = arith.constant -128 : i32
    %and3A_503 = arith.andi %squeeze3A_501, %and3A_502 : i32
    %multiple_of3A_504 = tpu.assume_multiple %and3A_503, 128 : i32
    %dma_start3A_505 = arith.constant 0 : i32
    %dma_start3A_506 = arith.constant 10 : i32
    %dma_start3A_507 = arith.constant 0 : i32
    %dma_start3A_508 = arith.constant 0 : i32
    %dma_start3A_509 = tpu.memref_slice %arg10[%dma_start3A_505, %dma_start3A_506, %dma_start3A_507, %dma_start3A_508] : memref<2x16x16x128xf32, #tpu.memory_space<vmem>> -> memref<1x1x16x128xf32, #tpu.memory_space<vmem>>
    %dma_start3A_510 = tpu.memref_squeeze %dma_start3A_509 : memref<1x1x16x128xf32, #tpu.memory_space<vmem>> -> memref<16x128xf32, #tpu.memory_space<vmem>>
    %dma_start3A_511 = arith.constant 0 : i32
    %dma_start3A_512 = tpu.memref_slice %arg5[%dma_start3A_511, %multiple_of3A_504] : memref<16x1000000xf32, #tpu.memory_space<hbm>> -> memref<16x128xf32, #tpu.memory_space<hbm>>
    %dma_start3A_513 = arith.constant 0 : i32
    %dma_start3A_514 = arith.constant 0 : i32
    %dma_start3A_515 = tpu.memref_slice %arg10[%dma_start3A_505, %dma_start3A_506, %dma_start3A_513, %dma_start3A_514] : memref<2x16x16x128xf32, #tpu.memory_space<vmem>> -> memref<1x1x16x128xf32, #tpu.memory_space<vmem>>
    %dma_start3A_516 = tpu.memref_squeeze %dma_start3A_515 : memref<1x1x16x128xf32, #tpu.memory_space<vmem>> -> memref<16x128xf32, #tpu.memory_space<vmem>>
    %dma_start3A_517 = arith.constant 0 : i32
    %dma_start3A_518 = tpu.memref_slice %arg5[%dma_start3A_517, %multiple_of3A_504] : memref<16x1000000xf32, #tpu.memory_space<hbm>> -> memref<16x128xf32, #tpu.memory_space<hbm>>
    tpu.enqueue_dma source(%dma_start3A_518 : memref<16x128xf32, #tpu.memory_space<hbm>>) target(%dma_start3A_516 : memref<16x128xf32, #tpu.memory_space<vmem>>) target_semaphore(%arg15 : memref<!tpu.dma_semaphore, #tpu.memory_space<semaphore_mem>>)
    %slice3A_519 = vector.extract_strided_slice %get3A_309 {offsets = [11], sizes = [1], strides = [1]} : vector<16xi32> to vector<1xi32>
    %squeeze3A_520 = vector.extract %slice3A_519[0] : i32 from vector<1xi32>
    %and3A_521 = arith.constant -128 : i32
    %and3A_522 = arith.andi %squeeze3A_520, %and3A_521 : i32
    %multiple_of3A_523 = tpu.assume_multiple %and3A_522, 128 : i32
    %dma_start3A_524 = arith.constant 0 : i32
    %dma_start3A_525 = arith.constant 11 : i32
    %dma_start3A_526 = arith.constant 0 : i32
    %dma_start3A_527 = arith.constant 0 : i32
    %dma_start3A_528 = tpu.memref_slice %arg10[%dma_start3A_524, %dma_start3A_525, %dma_start3A_526, %dma_start3A_527] : memref<2x16x16x128xf32, #tpu.memory_space<vmem>> -> memref<1x1x16x128xf32, #tpu.memory_space<vmem>>
    %dma_start3A_529 = tpu.memref_squeeze %dma_start3A_528 : memref<1x1x16x128xf32, #tpu.memory_space<vmem>> -> memref<16x128xf32, #tpu.memory_space<vmem>>
    %dma_start3A_530 = arith.constant 0 : i32
    %dma_start3A_531 = tpu.memref_slice %arg5[%dma_start3A_530, %multiple_of3A_523] : memref<16x1000000xf32, #tpu.memory_space<hbm>> -> memref<16x128xf32, #tpu.memory_space<hbm>>
    %dma_start3A_532 = arith.constant 0 : i32
    %dma_start3A_533 = arith.constant 0 : i32
    %dma_start3A_534 = tpu.memref_slice %arg10[%dma_start3A_524, %dma_start3A_525, %dma_start3A_532, %dma_start3A_533] : memref<2x16x16x128xf32, #tpu.memory_space<vmem>> -> memref<1x1x16x128xf32, #tpu.memory_space<vmem>>
    %dma_start3A_535 = tpu.memref_squeeze %dma_start3A_534 : memref<1x1x16x128xf32, #tpu.memory_space<vmem>> -> memref<16x128xf32, #tpu.memory_space<vmem>>
    %dma_start3A_536 = arith.constant 0 : i32
    %dma_start3A_537 = tpu.memref_slice %arg5[%dma_start3A_536, %multiple_of3A_523] : memref<16x1000000xf32, #tpu.memory_space<hbm>> -> memref<16x128xf32, #tpu.memory_space<hbm>>
    tpu.enqueue_dma source(%dma_start3A_537 : memref<16x128xf32, #tpu.memory_space<hbm>>) target(%dma_start3A_535 : memref<16x128xf32, #tpu.memory_space<vmem>>) target_semaphore(%arg15 : memref<!tpu.dma_semaphore, #tpu.memory_space<semaphore_mem>>)
    %slice3A_538 = vector.extract_strided_slice %get3A_309 {offsets = [12], sizes = [1], strides = [1]} : vector<16xi32> to vector<1xi32>
    %squeeze3A_539 = vector.extract %slice3A_538[0] : i32 from vector<1xi32>
    %and3A_540 = arith.constant -128 : i32
    %and3A_541 = arith.andi %squeeze3A_539, %and3A_540 : i32
    %multiple_of3A_542 = tpu.assume_multiple %and3A_541, 128 : i32
    %dma_start3A_543 = arith.constant 0 : i32
    %dma_start3A_544 = arith.constant 12 : i32
    %dma_start3A_545 = arith.constant 0 : i32
    %dma_start3A_546 = arith.constant 0 : i32
    %dma_start3A_547 = tpu.memref_slice %arg10[%dma_start3A_543, %dma_start3A_544, %dma_start3A_545, %dma_start3A_546] : memref<2x16x16x128xf32, #tpu.memory_space<vmem>> -> memref<1x1x16x128xf32, #tpu.memory_space<vmem>>
    %dma_start3A_548 = tpu.memref_squeeze %dma_start3A_547 : memref<1x1x16x128xf32, #tpu.memory_space<vmem>> -> memref<16x128xf32, #tpu.memory_space<vmem>>
    %dma_start3A_549 = arith.constant 0 : i32
    %dma_start3A_550 = tpu.memref_slice %arg5[%dma_start3A_549, %multiple_of3A_542] : memref<16x1000000xf32, #tpu.memory_space<hbm>> -> memref<16x128xf32, #tpu.memory_space<hbm>>
    %dma_start3A_551 = arith.constant 0 : i32
    %dma_start3A_552 = arith.constant 0 : i32
    %dma_start3A_553 = tpu.memref_slice %arg10[%dma_start3A_543, %dma_start3A_544, %dma_start3A_551, %dma_start3A_552] : memref<2x16x16x128xf32, #tpu.memory_space<vmem>> -> memref<1x1x16x128xf32, #tpu.memory_space<vmem>>
    %dma_start3A_554 = tpu.memref_squeeze %dma_start3A_553 : memref<1x1x16x128xf32, #tpu.memory_space<vmem>> -> memref<16x128xf32, #tpu.memory_space<vmem>>
    %dma_start3A_555 = arith.constant 0 : i32
    %dma_start3A_556 = tpu.memref_slice %arg5[%dma_start3A_555, %multiple_of3A_542] : memref<16x1000000xf32, #tpu.memory_space<hbm>> -> memref<16x128xf32, #tpu.memory_space<hbm>>
    tpu.enqueue_dma source(%dma_start3A_556 : memref<16x128xf32, #tpu.memory_space<hbm>>) target(%dma_start3A_554 : memref<16x128xf32, #tpu.memory_space<vmem>>) target_semaphore(%arg15 : memref<!tpu.dma_semaphore, #tpu.memory_space<semaphore_mem>>)
    %slice3A_557 = vector.extract_strided_slice %get3A_309 {offsets = [13], sizes = [1], strides = [1]} : vector<16xi32> to vector<1xi32>
    %squeeze3A_558 = vector.extract %slice3A_557[0] : i32 from vector<1xi32>
    %and3A_559 = arith.constant -128 : i32
    %and3A_560 = arith.andi %squeeze3A_558, %and3A_559 : i32
    %multiple_of3A_561 = tpu.assume_multiple %and3A_560, 128 : i32
    %dma_start3A_562 = arith.constant 0 : i32
    %dma_start3A_563 = arith.constant 13 : i32
    %dma_start3A_564 = arith.constant 0 : i32
    %dma_start3A_565 = arith.constant 0 : i32
    %dma_start3A_566 = tpu.memref_slice %arg10[%dma_start3A_562, %dma_start3A_563, %dma_start3A_564, %dma_start3A_565] : memref<2x16x16x128xf32, #tpu.memory_space<vmem>> -> memref<1x1x16x128xf32, #tpu.memory_space<vmem>>
    %dma_start3A_567 = tpu.memref_squeeze %dma_start3A_566 : memref<1x1x16x128xf32, #tpu.memory_space<vmem>> -> memref<16x128xf32, #tpu.memory_space<vmem>>
    %dma_start3A_568 = arith.constant 0 : i32
    %dma_start3A_569 = tpu.memref_slice %arg5[%dma_start3A_568, %multiple_of3A_561] : memref<16x1000000xf32, #tpu.memory_space<hbm>> -> memref<16x128xf32, #tpu.memory_space<hbm>>
    %dma_start3A_570 = arith.constant 0 : i32
    %dma_start3A_571 = arith.constant 0 : i32
    %dma_start3A_572 = tpu.memref_slice %arg10[%dma_start3A_562, %dma_start3A_563, %dma_start3A_570, %dma_start3A_571] : memref<2x16x16x128xf32, #tpu.memory_space<vmem>> -> memref<1x1x16x128xf32, #tpu.memory_space<vmem>>
    %dma_start3A_573 = tpu.memref_squeeze %dma_start3A_572 : memref<1x1x16x128xf32, #tpu.memory_space<vmem>> -> memref<16x128xf32, #tpu.memory_space<vmem>>
    %dma_start3A_574 = arith.constant 0 : i32
    %dma_start3A_575 = tpu.memref_slice %arg5[%dma_start3A_574, %multiple_of3A_561] : memref<16x1000000xf32, #tpu.memory_space<hbm>> -> memref<16x128xf32, #tpu.memory_space<hbm>>
    tpu.enqueue_dma source(%dma_start3A_575 : memref<16x128xf32, #tpu.memory_space<hbm>>) target(%dma_start3A_573 : memref<16x128xf32, #tpu.memory_space<vmem>>) target_semaphore(%arg15 : memref<!tpu.dma_semaphore, #tpu.memory_space<semaphore_mem>>)
    %slice3A_576 = vector.extract_strided_slice %get3A_309 {offsets = [14], sizes = [1], strides = [1]} : vector<16xi32> to vector<1xi32>
    %squeeze3A_577 = vector.extract %slice3A_576[0] : i32 from vector<1xi32>
    %and3A_578 = arith.constant -128 : i32
    %and3A_579 = arith.andi %squeeze3A_577, %and3A_578 : i32
    %multiple_of3A_580 = tpu.assume_multiple %and3A_579, 128 : i32
    %dma_start3A_581 = arith.constant 0 : i32
    %dma_start3A_582 = arith.constant 14 : i32
    %dma_start3A_583 = arith.constant 0 : i32
    %dma_start3A_584 = arith.constant 0 : i32
    %dma_start3A_585 = tpu.memref_slice %arg10[%dma_start3A_581, %dma_start3A_582, %dma_start3A_583, %dma_start3A_584] : memref<2x16x16x128xf32, #tpu.memory_space<vmem>> -> memref<1x1x16x128xf32, #tpu.memory_space<vmem>>
    %dma_start3A_586 = tpu.memref_squeeze %dma_start3A_585 : memref<1x1x16x128xf32, #tpu.memory_space<vmem>> -> memref<16x128xf32, #tpu.memory_space<vmem>>
    %dma_start3A_587 = arith.constant 0 : i32
    %dma_start3A_588 = tpu.memref_slice %arg5[%dma_start3A_587, %multiple_of3A_580] : memref<16x1000000xf32, #tpu.memory_space<hbm>> -> memref<16x128xf32, #tpu.memory_space<hbm>>
    %dma_start3A_589 = arith.constant 0 : i32
    %dma_start3A_590 = arith.constant 0 : i32
    %dma_start3A_591 = tpu.memref_slice %arg10[%dma_start3A_581, %dma_start3A_582, %dma_start3A_589, %dma_start3A_590] : memref<2x16x16x128xf32, #tpu.memory_space<vmem>> -> memref<1x1x16x128xf32, #tpu.memory_space<vmem>>
    %dma_start3A_592 = tpu.memref_squeeze %dma_start3A_591 : memref<1x1x16x128xf32, #tpu.memory_space<vmem>> -> memref<16x128xf32, #tpu.memory_space<vmem>>
    %dma_start3A_593 = arith.constant 0 : i32
    %dma_start3A_594 = tpu.memref_slice %arg5[%dma_start3A_593, %multiple_of3A_580] : memref<16x1000000xf32, #tpu.memory_space<hbm>> -> memref<16x128xf32, #tpu.memory_space<hbm>>
    tpu.enqueue_dma source(%dma_start3A_594 : memref<16x128xf32, #tpu.memory_space<hbm>>) target(%dma_start3A_592 : memref<16x128xf32, #tpu.memory_space<vmem>>) target_semaphore(%arg15 : memref<!tpu.dma_semaphore, #tpu.memory_space<semaphore_mem>>)
    %slice3A_595 = vector.extract_strided_slice %get3A_309 {offsets = [15], sizes = [1], strides = [1]} : vector<16xi32> to vector<1xi32>
    %squeeze3A_596 = vector.extract %slice3A_595[0] : i32 from vector<1xi32>
    %and3A_597 = arith.constant -128 : i32
    %and3A_598 = arith.andi %squeeze3A_596, %and3A_597 : i32
    %multiple_of3A_599 = tpu.assume_multiple %and3A_598, 128 : i32
    %dma_start3A_600 = arith.constant 0 : i32
    %dma_start3A_601 = arith.constant 15 : i32
    %dma_start3A_602 = arith.constant 0 : i32
    %dma_start3A_603 = arith.constant 0 : i32
    %dma_start3A_604 = tpu.memref_slice %arg10[%dma_start3A_600, %dma_start3A_601, %dma_start3A_602, %dma_start3A_603] : memref<2x16x16x128xf32, #tpu.memory_space<vmem>> -> memref<1x1x16x128xf32, #tpu.memory_space<vmem>>
    %dma_start3A_605 = tpu.memref_squeeze %dma_start3A_604 : memref<1x1x16x128xf32, #tpu.memory_space<vmem>> -> memref<16x128xf32, #tpu.memory_space<vmem>>
    %dma_start3A_606 = arith.constant 0 : i32
    %dma_start3A_607 = tpu.memref_slice %arg5[%dma_start3A_606, %multiple_of3A_599] : memref<16x1000000xf32, #tpu.memory_space<hbm>> -> memref<16x128xf32, #tpu.memory_space<hbm>>
    %dma_start3A_608 = arith.constant 0 : i32
    %dma_start3A_609 = arith.constant 0 : i32
    %dma_start3A_610 = tpu.memref_slice %arg10[%dma_start3A_600, %dma_start3A_601, %dma_start3A_608, %dma_start3A_609] : memref<2x16x16x128xf32, #tpu.memory_space<vmem>> -> memref<1x1x16x128xf32, #tpu.memory_space<vmem>>
    %dma_start3A_611 = tpu.memref_squeeze %dma_start3A_610 : memref<1x1x16x128xf32, #tpu.memory_space<vmem>> -> memref<16x128xf32, #tpu.memory_space<vmem>>
    %dma_start3A_612 = arith.constant 0 : i32
    %dma_start3A_613 = tpu.memref_slice %arg5[%dma_start3A_612, %multiple_of3A_599] : memref<16x1000000xf32, #tpu.memory_space<hbm>> -> memref<16x128xf32, #tpu.memory_space<hbm>>
    tpu.enqueue_dma source(%dma_start3A_613 : memref<16x128xf32, #tpu.memory_space<hbm>>) target(%dma_start3A_611 : memref<16x128xf32, #tpu.memory_space<vmem>>) target_semaphore(%arg15 : memref<!tpu.dma_semaphore, #tpu.memory_space<semaphore_mem>>)
    %scan3A_614 = arith.constant 0 : i32
    %scan3A_615 = arith.constant 0 : i32
    %scan3A_616 = arith.constant 32 : i32
    %scan3A_617 = arith.addi %scan3A_615, %scan3A_616 : i32
    %scan3A_618 = arith.constant 1 : i32
    scf.for %scan3A_630 = %scan3A_615 to %scan3A_617 step %scan3A_618  : i32 {
      %jit3A = arith.constant 2 : i32
      %eq3A = arith.constant 0 : i32
      %eq3A_631 = arith.cmpi eq, %jit3A, %eq3A : i32
      %jit3A_632 = arith.constant 1 : i32
      %select_n3A = arith.select %eq3A_631, %jit3A_632, %jit3A : i32
      %rem3A = arith.remsi %scan3A_630, %select_n3A : i32
      %ne3A = arith.constant 0 : i32
      %ne3A_633 = arith.cmpi ne, %rem3A, %ne3A : i32
      %lt3A = arith.constant 0 : i32
      %lt3A_634 = arith.cmpi slt, %rem3A, %lt3A : i32
      %lt3A_635 = arith.constant 0 : i32
      %lt3A_636 = arith.cmpi slt, %select_n3A, %lt3A_635 : i32
      %ne3A_637 = arith.xori %lt3A_634, %lt3A_636 : i1
      %and3A_638 = arith.andi %ne3A_637, %ne3A_633 : i1
      %add3A_639 = arith.addi %rem3A, %select_n3A : i32
      %select_n3A_640 = arith.select %and3A_638, %add3A_639, %rem3A : i32
      %add3A_641 = arith.constant 1 : i32
      %add3A_642 = arith.addi %scan3A_630, %add3A_641 : i32
      %lt3A_643 = arith.constant 32 : i32
      %lt3A_644 = arith.cmpi slt, %add3A_642, %lt3A_643 : i32
      %convert_element_type3A = arith.extui %lt3A_644 : i1 to i32
      %cond3A = arith.constant 0 : i32
      %cond3A_645 = arith.cmpi ne, %convert_element_type3A, %cond3A : i32
      scf.if %cond3A_645 {
        %add3A_774 = arith.constant 1 : i32
        %add3A_775 = arith.addi %scan3A_630, %add3A_774 : i32
        %sub3A = arith.constant 1 : i32
        %sub3A_776 = arith.subi %sub3A, %select_n3A_640 : i32
        %mul3A_777 = arith.constant 16 : i32
        %mul3A_778 = arith.muli %add3A_775, %mul3A_777 : i32
        %get3A_779 = arith.index_cast %mul3A_778 : i32 to index
        %get3A_780 = tpu.vector_load %arg9[%get3A_779] {strides = array<i32>} : memref<512xi32, #tpu.memory_space<vmem>>, vector<16xi32>,
        %slice3A_781 = vector.extract_strided_slice %get3A_780 {offsets = [0], sizes = [1], strides = [1]} : vector<16xi32> to vector<1xi32>
        %squeeze3A_782 = vector.extract %slice3A_781[0] : i32 from vector<1xi32>
        %and3A_783 = arith.constant -128 : i32
        %and3A_784 = arith.andi %squeeze3A_782, %and3A_783 : i32
        %multiple_of3A_785 = tpu.assume_multiple %and3A_784, 128 : i32
        %dma_start3A_786 = arith.constant 0 : i32
        %dma_start3A_787 = arith.constant 0 : i32
        %dma_start3A_788 = arith.constant 0 : i32
        %dma_start3A_789 = tpu.memref_slice %arg10[%sub3A_776, %dma_start3A_786, %dma_start3A_787, %dma_start3A_788] : memref<2x16x16x128xf32, #tpu.memory_space<vmem>> -> memref<1x1x16x128xf32, #tpu.memory_space<vmem>>
        %dma_start3A_790 = tpu.memref_squeeze %dma_start3A_789 : memref<1x1x16x128xf32, #tpu.memory_space<vmem>> -> memref<16x128xf32, #tpu.memory_space<vmem>>
        %dma_start3A_791 = arith.constant 0 : i32
        %dma_start3A_792 = tpu.memref_slice %arg5[%dma_start3A_791, %multiple_of3A_785] : memref<16x1000000xf32, #tpu.memory_space<hbm>> -> memref<16x128xf32, #tpu.memory_space<hbm>>
        %dma_start3A_793 = arith.constant 0 : i32
        %dma_start3A_794 = arith.constant 0 : i32
        %dma_start3A_795 = tpu.memref_slice %arg10[%sub3A_776, %dma_start3A_786, %dma_start3A_793, %dma_start3A_794] : memref<2x16x16x128xf32, #tpu.memory_space<vmem>> -> memref<1x1x16x128xf32, #tpu.memory_space<vmem>>
        %dma_start3A_796 = tpu.memref_squeeze %dma_start3A_795 : memref<1x1x16x128xf32, #tpu.memory_space<vmem>> -> memref<16x128xf32, #tpu.memory_space<vmem>>
        %dma_start3A_797 = arith.constant 0 : i32
        %dma_start3A_798 = tpu.memref_slice %arg5[%dma_start3A_797, %multiple_of3A_785] : memref<16x1000000xf32, #tpu.memory_space<hbm>> -> memref<16x128xf32, #tpu.memory_space<hbm>>
        tpu.enqueue_dma source(%dma_start3A_798 : memref<16x128xf32, #tpu.memory_space<hbm>>) target(%dma_start3A_796 : memref<16x128xf32, #tpu.memory_space<vmem>>) target_semaphore(%arg15 : memref<!tpu.dma_semaphore, #tpu.memory_space<semaphore_mem>>)
        %slice3A_799 = vector.extract_strided_slice %get3A_780 {offsets = [1], sizes = [1], strides = [1]} : vector<16xi32> to vector<1xi32>
        %squeeze3A_800 = vector.extract %slice3A_799[0] : i32 from vector<1xi32>
        %and3A_801 = arith.constant -128 : i32
        %and3A_802 = arith.andi %squeeze3A_800, %and3A_801 : i32
        %multiple_of3A_803 = tpu.assume_multiple %and3A_802, 128 : i32
        %dma_start3A_804 = arith.constant 1 : i32
        %dma_start3A_805 = arith.constant 0 : i32
        %dma_start3A_806 = arith.constant 0 : i32
        %dma_start3A_807 = tpu.memref_slice %arg10[%sub3A_776, %dma_start3A_804, %dma_start3A_805, %dma_start3A_806] : memref<2x16x16x128xf32, #tpu.memory_space<vmem>> -> memref<1x1x16x128xf32, #tpu.memory_space<vmem>>
        %dma_start3A_808 = tpu.memref_squeeze %dma_start3A_807 : memref<1x1x16x128xf32, #tpu.memory_space<vmem>> -> memref<16x128xf32, #tpu.memory_space<vmem>>
        %dma_start3A_809 = arith.constant 0 : i32
        %dma_start3A_810 = tpu.memref_slice %arg5[%dma_start3A_809, %multiple_of3A_803] : memref<16x1000000xf32, #tpu.memory_space<hbm>> -> memref<16x128xf32, #tpu.memory_space<hbm>>
        %dma_start3A_811 = arith.constant 0 : i32
        %dma_start3A_812 = arith.constant 0 : i32
        %dma_start3A_813 = tpu.memref_slice %arg10[%sub3A_776, %dma_start3A_804, %dma_start3A_811, %dma_start3A_812] : memref<2x16x16x128xf32, #tpu.memory_space<vmem>> -> memref<1x1x16x128xf32, #tpu.memory_space<vmem>>
        %dma_start3A_814 = tpu.memref_squeeze %dma_start3A_813 : memref<1x1x16x128xf32, #tpu.memory_space<vmem>> -> memref<16x128xf32, #tpu.memory_space<vmem>>
        %dma_start3A_815 = arith.constant 0 : i32
        %dma_start3A_816 = tpu.memref_slice %arg5[%dma_start3A_815, %multiple_of3A_803] : memref<16x1000000xf32, #tpu.memory_space<hbm>> -> memref<16x128xf32, #tpu.memory_space<hbm>>
        tpu.enqueue_dma source(%dma_start3A_816 : memref<16x128xf32, #tpu.memory_space<hbm>>) target(%dma_start3A_814 : memref<16x128xf32, #tpu.memory_space<vmem>>) target_semaphore(%arg15 : memref<!tpu.dma_semaphore, #tpu.memory_space<semaphore_mem>>)
        %slice3A_817 = vector.extract_strided_slice %get3A_780 {offsets = [2], sizes = [1], strides = [1]} : vector<16xi32> to vector<1xi32>
        %squeeze3A_818 = vector.extract %slice3A_817[0] : i32 from vector<1xi32>
        %and3A_819 = arith.constant -128 : i32
        %and3A_820 = arith.andi %squeeze3A_818, %and3A_819 : i32
        %multiple_of3A_821 = tpu.assume_multiple %and3A_820, 128 : i32
        %dma_start3A_822 = arith.constant 2 : i32
        %dma_start3A_823 = arith.constant 0 : i32
        %dma_start3A_824 = arith.constant 0 : i32
        %dma_start3A_825 = tpu.memref_slice %arg10[%sub3A_776, %dma_start3A_822, %dma_start3A_823, %dma_start3A_824] : memref<2x16x16x128xf32, #tpu.memory_space<vmem>> -> memref<1x1x16x128xf32, #tpu.memory_space<vmem>>
        %dma_start3A_826 = tpu.memref_squeeze %dma_start3A_825 : memref<1x1x16x128xf32, #tpu.memory_space<vmem>> -> memref<16x128xf32, #tpu.memory_space<vmem>>
        %dma_start3A_827 = arith.constant 0 : i32
        %dma_start3A_828 = tpu.memref_slice %arg5[%dma_start3A_827, %multiple_of3A_821] : memref<16x1000000xf32, #tpu.memory_space<hbm>> -> memref<16x128xf32, #tpu.memory_space<hbm>>
        %dma_start3A_829 = arith.constant 0 : i32
        %dma_start3A_830 = arith.constant 0 : i32
        %dma_start3A_831 = tpu.memref_slice %arg10[%sub3A_776, %dma_start3A_822, %dma_start3A_829, %dma_start3A_830] : memref<2x16x16x128xf32, #tpu.memory_space<vmem>> -> memref<1x1x16x128xf32, #tpu.memory_space<vmem>>
        %dma_start3A_832 = tpu.memref_squeeze %dma_start3A_831 : memref<1x1x16x128xf32, #tpu.memory_space<vmem>> -> memref<16x128xf32, #tpu.memory_space<vmem>>
        %dma_start3A_833 = arith.constant 0 : i32
        %dma_start3A_834 = tpu.memref_slice %arg5[%dma_start3A_833, %multiple_of3A_821] : memref<16x1000000xf32, #tpu.memory_space<hbm>> -> memref<16x128xf32, #tpu.memory_space<hbm>>
        tpu.enqueue_dma source(%dma_start3A_834 : memref<16x128xf32, #tpu.memory_space<hbm>>) target(%dma_start3A_832 : memref<16x128xf32, #tpu.memory_space<vmem>>) target_semaphore(%arg15 : memref<!tpu.dma_semaphore, #tpu.memory_space<semaphore_mem>>)
        %slice3A_835 = vector.extract_strided_slice %get3A_780 {offsets = [3], sizes = [1], strides = [1]} : vector<16xi32> to vector<1xi32>
        %squeeze3A_836 = vector.extract %slice3A_835[0] : i32 from vector<1xi32>
        %and3A_837 = arith.constant -128 : i32
        %and3A_838 = arith.andi %squeeze3A_836, %and3A_837 : i32
        %multiple_of3A_839 = tpu.assume_multiple %and3A_838, 128 : i32
        %dma_start3A_840 = arith.constant 3 : i32
        %dma_start3A_841 = arith.constant 0 : i32
        %dma_start3A_842 = arith.constant 0 : i32
        %dma_start3A_843 = tpu.memref_slice %arg10[%sub3A_776, %dma_start3A_840, %dma_start3A_841, %dma_start3A_842] : memref<2x16x16x128xf32, #tpu.memory_space<vmem>> -> memref<1x1x16x128xf32, #tpu.memory_space<vmem>>
        %dma_start3A_844 = tpu.memref_squeeze %dma_start3A_843 : memref<1x1x16x128xf32, #tpu.memory_space<vmem>> -> memref<16x128xf32, #tpu.memory_space<vmem>>
        %dma_start3A_845 = arith.constant 0 : i32
        %dma_start3A_846 = tpu.memref_slice %arg5[%dma_start3A_845, %multiple_of3A_839] : memref<16x1000000xf32, #tpu.memory_space<hbm>> -> memref<16x128xf32, #tpu.memory_space<hbm>>
        %dma_start3A_847 = arith.constant 0 : i32
        %dma_start3A_848 = arith.constant 0 : i32
        %dma_start3A_849 = tpu.memref_slice %arg10[%sub3A_776, %dma_start3A_840, %dma_start3A_847, %dma_start3A_848] : memref<2x16x16x128xf32, #tpu.memory_space<vmem>> -> memref<1x1x16x128xf32, #tpu.memory_space<vmem>>
        %dma_start3A_850 = tpu.memref_squeeze %dma_start3A_849 : memref<1x1x16x128xf32, #tpu.memory_space<vmem>> -> memref<16x128xf32, #tpu.memory_space<vmem>>
        %dma_start3A_851 = arith.constant 0 : i32
        %dma_start3A_852 = tpu.memref_slice %arg5[%dma_start3A_851, %multiple_of3A_839] : memref<16x1000000xf32, #tpu.memory_space<hbm>> -> memref<16x128xf32, #tpu.memory_space<hbm>>
        tpu.enqueue_dma source(%dma_start3A_852 : memref<16x128xf32, #tpu.memory_space<hbm>>) target(%dma_start3A_850 : memref<16x128xf32, #tpu.memory_space<vmem>>) target_semaphore(%arg15 : memref<!tpu.dma_semaphore, #tpu.memory_space<semaphore_mem>>)
        %slice3A_853 = vector.extract_strided_slice %get3A_780 {offsets = [4], sizes = [1], strides = [1]} : vector<16xi32> to vector<1xi32>
        %squeeze3A_854 = vector.extract %slice3A_853[0] : i32 from vector<1xi32>
        %and3A_855 = arith.constant -128 : i32
        %and3A_856 = arith.andi %squeeze3A_854, %and3A_855 : i32
        %multiple_of3A_857 = tpu.assume_multiple %and3A_856, 128 : i32
        %dma_start3A_858 = arith.constant 4 : i32
        %dma_start3A_859 = arith.constant 0 : i32
        %dma_start3A_860 = arith.constant 0 : i32
        %dma_start3A_861 = tpu.memref_slice %arg10[%sub3A_776, %dma_start3A_858, %dma_start3A_859, %dma_start3A_860] : memref<2x16x16x128xf32, #tpu.memory_space<vmem>> -> memref<1x1x16x128xf32, #tpu.memory_space<vmem>>
        %dma_start3A_862 = tpu.memref_squeeze %dma_start3A_861 : memref<1x1x16x128xf32, #tpu.memory_space<vmem>> -> memref<16x128xf32, #tpu.memory_space<vmem>>
        %dma_start3A_863 = arith.constant 0 : i32
        %dma_start3A_864 = tpu.memref_slice %arg5[%dma_start3A_863, %multiple_of3A_857] : memref<16x1000000xf32, #tpu.memory_space<hbm>> -> memref<16x128xf32, #tpu.memory_space<hbm>>
        %dma_start3A_865 = arith.constant 0 : i32
        %dma_start3A_866 = arith.constant 0 : i32
        %dma_start3A_867 = tpu.memref_slice %arg10[%sub3A_776, %dma_start3A_858, %dma_start3A_865, %dma_start3A_866] : memref<2x16x16x128xf32, #tpu.memory_space<vmem>> -> memref<1x1x16x128xf32, #tpu.memory_space<vmem>>
        %dma_start3A_868 = tpu.memref_squeeze %dma_start3A_867 : memref<1x1x16x128xf32, #tpu.memory_space<vmem>> -> memref<16x128xf32, #tpu.memory_space<vmem>>
        %dma_start3A_869 = arith.constant 0 : i32
        %dma_start3A_870 = tpu.memref_slice %arg5[%dma_start3A_869, %multiple_of3A_857] : memref<16x1000000xf32, #tpu.memory_space<hbm>> -> memref<16x128xf32, #tpu.memory_space<hbm>>
        tpu.enqueue_dma source(%dma_start3A_870 : memref<16x128xf32, #tpu.memory_space<hbm>>) target(%dma_start3A_868 : memref<16x128xf32, #tpu.memory_space<vmem>>) target_semaphore(%arg15 : memref<!tpu.dma_semaphore, #tpu.memory_space<semaphore_mem>>)
        %slice3A_871 = vector.extract_strided_slice %get3A_780 {offsets = [5], sizes = [1], strides = [1]} : vector<16xi32> to vector<1xi32>
        %squeeze3A_872 = vector.extract %slice3A_871[0] : i32 from vector<1xi32>
        %and3A_873 = arith.constant -128 : i32
        %and3A_874 = arith.andi %squeeze3A_872, %and3A_873 : i32
        %multiple_of3A_875 = tpu.assume_multiple %and3A_874, 128 : i32
        %dma_start3A_876 = arith.constant 5 : i32
        %dma_start3A_877 = arith.constant 0 : i32
        %dma_start3A_878 = arith.constant 0 : i32
        %dma_start3A_879 = tpu.memref_slice %arg10[%sub3A_776, %dma_start3A_876, %dma_start3A_877, %dma_start3A_878] : memref<2x16x16x128xf32, #tpu.memory_space<vmem>> -> memref<1x1x16x128xf32, #tpu.memory_space<vmem>>
        %dma_start3A_880 = tpu.memref_squeeze %dma_start3A_879 : memref<1x1x16x128xf32, #tpu.memory_space<vmem>> -> memref<16x128xf32, #tpu.memory_space<vmem>>
        %dma_start3A_881 = arith.constant 0 : i32
        %dma_start3A_882 = tpu.memref_slice %arg5[%dma_start3A_881, %multiple_of3A_875] : memref<16x1000000xf32, #tpu.memory_space<hbm>> -> memref<16x128xf32, #tpu.memory_space<hbm>>
        %dma_start3A_883 = arith.constant 0 : i32
        %dma_start3A_884 = arith.constant 0 : i32
        %dma_start3A_885 = tpu.memref_slice %arg10[%sub3A_776, %dma_start3A_876, %dma_start3A_883, %dma_start3A_884] : memref<2x16x16x128xf32, #tpu.memory_space<vmem>> -> memref<1x1x16x128xf32, #tpu.memory_space<vmem>>
        %dma_start3A_886 = tpu.memref_squeeze %dma_start3A_885 : memref<1x1x16x128xf32, #tpu.memory_space<vmem>> -> memref<16x128xf32, #tpu.memory_space<vmem>>
        %dma_start3A_887 = arith.constant 0 : i32
        %dma_start3A_888 = tpu.memref_slice %arg5[%dma_start3A_887, %multiple_of3A_875] : memref<16x1000000xf32, #tpu.memory_space<hbm>> -> memref<16x128xf32, #tpu.memory_space<hbm>>
        tpu.enqueue_dma source(%dma_start3A_888 : memref<16x128xf32, #tpu.memory_space<hbm>>) target(%dma_start3A_886 : memref<16x128xf32, #tpu.memory_space<vmem>>) target_semaphore(%arg15 : memref<!tpu.dma_semaphore, #tpu.memory_space<semaphore_mem>>)
        %slice3A_889 = vector.extract_strided_slice %get3A_780 {offsets = [6], sizes = [1], strides = [1]} : vector<16xi32> to vector<1xi32>
        %squeeze3A_890 = vector.extract %slice3A_889[0] : i32 from vector<1xi32>
        %and3A_891 = arith.constant -128 : i32
        %and3A_892 = arith.andi %squeeze3A_890, %and3A_891 : i32
        %multiple_of3A_893 = tpu.assume_multiple %and3A_892, 128 : i32
        %dma_start3A_894 = arith.constant 6 : i32
        %dma_start3A_895 = arith.constant 0 : i32
        %dma_start3A_896 = arith.constant 0 : i32
        %dma_start3A_897 = tpu.memref_slice %arg10[%sub3A_776, %dma_start3A_894, %dma_start3A_895, %dma_start3A_896] : memref<2x16x16x128xf32, #tpu.memory_space<vmem>> -> memref<1x1x16x128xf32, #tpu.memory_space<vmem>>
        %dma_start3A_898 = tpu.memref_squeeze %dma_start3A_897 : memref<1x1x16x128xf32, #tpu.memory_space<vmem>> -> memref<16x128xf32, #tpu.memory_space<vmem>>
        %dma_start3A_899 = arith.constant 0 : i32
        %dma_start3A_900 = tpu.memref_slice %arg5[%dma_start3A_899, %multiple_of3A_893] : memref<16x1000000xf32, #tpu.memory_space<hbm>> -> memref<16x128xf32, #tpu.memory_space<hbm>>
        %dma_start3A_901 = arith.constant 0 : i32
        %dma_start3A_902 = arith.constant 0 : i32
        %dma_start3A_903 = tpu.memref_slice %arg10[%sub3A_776, %dma_start3A_894, %dma_start3A_901, %dma_start3A_902] : memref<2x16x16x128xf32, #tpu.memory_space<vmem>> -> memref<1x1x16x128xf32, #tpu.memory_space<vmem>>
        %dma_start3A_904 = tpu.memref_squeeze %dma_start3A_903 : memref<1x1x16x128xf32, #tpu.memory_space<vmem>> -> memref<16x128xf32, #tpu.memory_space<vmem>>
        %dma_start3A_905 = arith.constant 0 : i32
        %dma_start3A_906 = tpu.memref_slice %arg5[%dma_start3A_905, %multiple_of3A_893] : memref<16x1000000xf32, #tpu.memory_space<hbm>> -> memref<16x128xf32, #tpu.memory_space<hbm>>
        tpu.enqueue_dma source(%dma_start3A_906 : memref<16x128xf32, #tpu.memory_space<hbm>>) target(%dma_start3A_904 : memref<16x128xf32, #tpu.memory_space<vmem>>) target_semaphore(%arg15 : memref<!tpu.dma_semaphore, #tpu.memory_space<semaphore_mem>>)
        %slice3A_907 = vector.extract_strided_slice %get3A_780 {offsets = [7], sizes = [1], strides = [1]} : vector<16xi32> to vector<1xi32>
        %squeeze3A_908 = vector.extract %slice3A_907[0] : i32 from vector<1xi32>
        %and3A_909 = arith.constant -128 : i32
        %and3A_910 = arith.andi %squeeze3A_908, %and3A_909 : i32
        %multiple_of3A_911 = tpu.assume_multiple %and3A_910, 128 : i32
        %dma_start3A_912 = arith.constant 7 : i32
        %dma_start3A_913 = arith.constant 0 : i32
        %dma_start3A_914 = arith.constant 0 : i32
        %dma_start3A_915 = tpu.memref_slice %arg10[%sub3A_776, %dma_start3A_912, %dma_start3A_913, %dma_start3A_914] : memref<2x16x16x128xf32, #tpu.memory_space<vmem>> -> memref<1x1x16x128xf32, #tpu.memory_space<vmem>>
        %dma_start3A_916 = tpu.memref_squeeze %dma_start3A_915 : memref<1x1x16x128xf32, #tpu.memory_space<vmem>> -> memref<16x128xf32, #tpu.memory_space<vmem>>
        %dma_start3A_917 = arith.constant 0 : i32
        %dma_start3A_918 = tpu.memref_slice %arg5[%dma_start3A_917, %multiple_of3A_911] : memref<16x1000000xf32, #tpu.memory_space<hbm>> -> memref<16x128xf32, #tpu.memory_space<hbm>>
        %dma_start3A_919 = arith.constant 0 : i32
        %dma_start3A_920 = arith.constant 0 : i32
        %dma_start3A_921 = tpu.memref_slice %arg10[%sub3A_776, %dma_start3A_912, %dma_start3A_919, %dma_start3A_920] : memref<2x16x16x128xf32, #tpu.memory_space<vmem>> -> memref<1x1x16x128xf32, #tpu.memory_space<vmem>>
        %dma_start3A_922 = tpu.memref_squeeze %dma_start3A_921 : memref<1x1x16x128xf32, #tpu.memory_space<vmem>> -> memref<16x128xf32, #tpu.memory_space<vmem>>
        %dma_start3A_923 = arith.constant 0 : i32
        %dma_start3A_924 = tpu.memref_slice %arg5[%dma_start3A_923, %multiple_of3A_911] : memref<16x1000000xf32, #tpu.memory_space<hbm>> -> memref<16x128xf32, #tpu.memory_space<hbm>>
        tpu.enqueue_dma source(%dma_start3A_924 : memref<16x128xf32, #tpu.memory_space<hbm>>) target(%dma_start3A_922 : memref<16x128xf32, #tpu.memory_space<vmem>>) target_semaphore(%arg15 : memref<!tpu.dma_semaphore, #tpu.memory_space<semaphore_mem>>)
        %slice3A_925 = vector.extract_strided_slice %get3A_780 {offsets = [8], sizes = [1], strides = [1]} : vector<16xi32> to vector<1xi32>
        %squeeze3A_926 = vector.extract %slice3A_925[0] : i32 from vector<1xi32>
        %and3A_927 = arith.constant -128 : i32
        %and3A_928 = arith.andi %squeeze3A_926, %and3A_927 : i32
        %multiple_of3A_929 = tpu.assume_multiple %and3A_928, 128 : i32
        %dma_start3A_930 = arith.constant 8 : i32
        %dma_start3A_931 = arith.constant 0 : i32
        %dma_start3A_932 = arith.constant 0 : i32
        %dma_start3A_933 = tpu.memref_slice %arg10[%sub3A_776, %dma_start3A_930, %dma_start3A_931, %dma_start3A_932] : memref<2x16x16x128xf32, #tpu.memory_space<vmem>> -> memref<1x1x16x128xf32, #tpu.memory_space<vmem>>
        %dma_start3A_934 = tpu.memref_squeeze %dma_start3A_933 : memref<1x1x16x128xf32, #tpu.memory_space<vmem>> -> memref<16x128xf32, #tpu.memory_space<vmem>>
        %dma_start3A_935 = arith.constant 0 : i32
        %dma_start3A_936 = tpu.memref_slice %arg5[%dma_start3A_935, %multiple_of3A_929] : memref<16x1000000xf32, #tpu.memory_space<hbm>> -> memref<16x128xf32, #tpu.memory_space<hbm>>
        %dma_start3A_937 = arith.constant 0 : i32
        %dma_start3A_938 = arith.constant 0 : i32
        %dma_start3A_939 = tpu.memref_slice %arg10[%sub3A_776, %dma_start3A_930, %dma_start3A_937, %dma_start3A_938] : memref<2x16x16x128xf32, #tpu.memory_space<vmem>> -> memref<1x1x16x128xf32, #tpu.memory_space<vmem>>
        %dma_start3A_940 = tpu.memref_squeeze %dma_start3A_939 : memref<1x1x16x128xf32, #tpu.memory_space<vmem>> -> memref<16x128xf32, #tpu.memory_space<vmem>>
        %dma_start3A_941 = arith.constant 0 : i32
        %dma_start3A_942 = tpu.memref_slice %arg5[%dma_start3A_941, %multiple_of3A_929] : memref<16x1000000xf32, #tpu.memory_space<hbm>> -> memref<16x128xf32, #tpu.memory_space<hbm>>
        tpu.enqueue_dma source(%dma_start3A_942 : memref<16x128xf32, #tpu.memory_space<hbm>>) target(%dma_start3A_940 : memref<16x128xf32, #tpu.memory_space<vmem>>) target_semaphore(%arg15 : memref<!tpu.dma_semaphore, #tpu.memory_space<semaphore_mem>>)
        %slice3A_943 = vector.extract_strided_slice %get3A_780 {offsets = [9], sizes = [1], strides = [1]} : vector<16xi32> to vector<1xi32>
        %squeeze3A_944 = vector.extract %slice3A_943[0] : i32 from vector<1xi32>
        %and3A_945 = arith.constant -128 : i32
        %and3A_946 = arith.andi %squeeze3A_944, %and3A_945 : i32
        %multiple_of3A_947 = tpu.assume_multiple %and3A_946, 128 : i32
        %dma_start3A_948 = arith.constant 9 : i32
        %dma_start3A_949 = arith.constant 0 : i32
        %dma_start3A_950 = arith.constant 0 : i32
        %dma_start3A_951 = tpu.memref_slice %arg10[%sub3A_776, %dma_start3A_948, %dma_start3A_949, %dma_start3A_950] : memref<2x16x16x128xf32, #tpu.memory_space<vmem>> -> memref<1x1x16x128xf32, #tpu.memory_space<vmem>>
        %dma_start3A_952 = tpu.memref_squeeze %dma_start3A_951 : memref<1x1x16x128xf32, #tpu.memory_space<vmem>> -> memref<16x128xf32, #tpu.memory_space<vmem>>
        %dma_start3A_953 = arith.constant 0 : i32
        %dma_start3A_954 = tpu.memref_slice %arg5[%dma_start3A_953, %multiple_of3A_947] : memref<16x1000000xf32, #tpu.memory_space<hbm>> -> memref<16x128xf32, #tpu.memory_space<hbm>>
        %dma_start3A_955 = arith.constant 0 : i32
        %dma_start3A_956 = arith.constant 0 : i32
        %dma_start3A_957 = tpu.memref_slice %arg10[%sub3A_776, %dma_start3A_948, %dma_start3A_955, %dma_start3A_956] : memref<2x16x16x128xf32, #tpu.memory_space<vmem>> -> memref<1x1x16x128xf32, #tpu.memory_space<vmem>>
        %dma_start3A_958 = tpu.memref_squeeze %dma_start3A_957 : memref<1x1x16x128xf32, #tpu.memory_space<vmem>> -> memref<16x128xf32, #tpu.memory_space<vmem>>
        %dma_start3A_959 = arith.constant 0 : i32
        %dma_start3A_960 = tpu.memref_slice %arg5[%dma_start3A_959, %multiple_of3A_947] : memref<16x1000000xf32, #tpu.memory_space<hbm>> -> memref<16x128xf32, #tpu.memory_space<hbm>>
        tpu.enqueue_dma source(%dma_start3A_960 : memref<16x128xf32, #tpu.memory_space<hbm>>) target(%dma_start3A_958 : memref<16x128xf32, #tpu.memory_space<vmem>>) target_semaphore(%arg15 : memref<!tpu.dma_semaphore, #tpu.memory_space<semaphore_mem>>)
        %slice3A_961 = vector.extract_strided_slice %get3A_780 {offsets = [10], sizes = [1], strides = [1]} : vector<16xi32> to vector<1xi32>
        %squeeze3A_962 = vector.extract %slice3A_961[0] : i32 from vector<1xi32>
        %and3A_963 = arith.constant -128 : i32
        %and3A_964 = arith.andi %squeeze3A_962, %and3A_963 : i32
        %multiple_of3A_965 = tpu.assume_multiple %and3A_964, 128 : i32
        %dma_start3A_966 = arith.constant 10 : i32
        %dma_start3A_967 = arith.constant 0 : i32
        %dma_start3A_968 = arith.constant 0 : i32
        %dma_start3A_969 = tpu.memref_slice %arg10[%sub3A_776, %dma_start3A_966, %dma_start3A_967, %dma_start3A_968] : memref<2x16x16x128xf32, #tpu.memory_space<vmem>> -> memref<1x1x16x128xf32, #tpu.memory_space<vmem>>
        %dma_start3A_970 = tpu.memref_squeeze %dma_start3A_969 : memref<1x1x16x128xf32, #tpu.memory_space<vmem>> -> memref<16x128xf32, #tpu.memory_space<vmem>>
        %dma_start3A_971 = arith.constant 0 : i32
        %dma_start3A_972 = tpu.memref_slice %arg5[%dma_start3A_971, %multiple_of3A_965] : memref<16x1000000xf32, #tpu.memory_space<hbm>> -> memref<16x128xf32, #tpu.memory_space<hbm>>
        %dma_start3A_973 = arith.constant 0 : i32
        %dma_start3A_974 = arith.constant 0 : i32
        %dma_start3A_975 = tpu.memref_slice %arg10[%sub3A_776, %dma_start3A_966, %dma_start3A_973, %dma_start3A_974] : memref<2x16x16x128xf32, #tpu.memory_space<vmem>> -> memref<1x1x16x128xf32, #tpu.memory_space<vmem>>
        %dma_start3A_976 = tpu.memref_squeeze %dma_start3A_975 : memref<1x1x16x128xf32, #tpu.memory_space<vmem>> -> memref<16x128xf32, #tpu.memory_space<vmem>>
        %dma_start3A_977 = arith.constant 0 : i32
        %dma_start3A_978 = tpu.memref_slice %arg5[%dma_start3A_977, %multiple_of3A_965] : memref<16x1000000xf32, #tpu.memory_space<hbm>> -> memref<16x128xf32, #tpu.memory_space<hbm>>
        tpu.enqueue_dma source(%dma_start3A_978 : memref<16x128xf32, #tpu.memory_space<hbm>>) target(%dma_start3A_976 : memref<16x128xf32, #tpu.memory_space<vmem>>) target_semaphore(%arg15 : memref<!tpu.dma_semaphore, #tpu.memory_space<semaphore_mem>>)
        %slice3A_979 = vector.extract_strided_slice %get3A_780 {offsets = [11], sizes = [1], strides = [1]} : vector<16xi32> to vector<1xi32>
        %squeeze3A_980 = vector.extract %slice3A_979[0] : i32 from vector<1xi32>
        %and3A_981 = arith.constant -128 : i32
        %and3A_982 = arith.andi %squeeze3A_980, %and3A_981 : i32
        %multiple_of3A_983 = tpu.assume_multiple %and3A_982, 128 : i32
        %dma_start3A_984 = arith.constant 11 : i32
        %dma_start3A_985 = arith.constant 0 : i32
        %dma_start3A_986 = arith.constant 0 : i32
        %dma_start3A_987 = tpu.memref_slice %arg10[%sub3A_776, %dma_start3A_984, %dma_start3A_985, %dma_start3A_986] : memref<2x16x16x128xf32, #tpu.memory_space<vmem>> -> memref<1x1x16x128xf32, #tpu.memory_space<vmem>>
        %dma_start3A_988 = tpu.memref_squeeze %dma_start3A_987 : memref<1x1x16x128xf32, #tpu.memory_space<vmem>> -> memref<16x128xf32, #tpu.memory_space<vmem>>
        %dma_start3A_989 = arith.constant 0 : i32
        %dma_start3A_990 = tpu.memref_slice %arg5[%dma_start3A_989, %multiple_of3A_983] : memref<16x1000000xf32, #tpu.memory_space<hbm>> -> memref<16x128xf32, #tpu.memory_space<hbm>>
        %dma_start3A_991 = arith.constant 0 : i32
        %dma_start3A_992 = arith.constant 0 : i32
        %dma_start3A_993 = tpu.memref_slice %arg10[%sub3A_776, %dma_start3A_984, %dma_start3A_991, %dma_start3A_992] : memref<2x16x16x128xf32, #tpu.memory_space<vmem>> -> memref<1x1x16x128xf32, #tpu.memory_space<vmem>>
        %dma_start3A_994 = tpu.memref_squeeze %dma_start3A_993 : memref<1x1x16x128xf32, #tpu.memory_space<vmem>> -> memref<16x128xf32, #tpu.memory_space<vmem>>
        %dma_start3A_995 = arith.constant 0 : i32
        %dma_start3A_996 = tpu.memref_slice %arg5[%dma_start3A_995, %multiple_of3A_983] : memref<16x1000000xf32, #tpu.memory_space<hbm>> -> memref<16x128xf32, #tpu.memory_space<hbm>>
        tpu.enqueue_dma source(%dma_start3A_996 : memref<16x128xf32, #tpu.memory_space<hbm>>) target(%dma_start3A_994 : memref<16x128xf32, #tpu.memory_space<vmem>>) target_semaphore(%arg15 : memref<!tpu.dma_semaphore, #tpu.memory_space<semaphore_mem>>)
        %slice3A_997 = vector.extract_strided_slice %get3A_780 {offsets = [12], sizes = [1], strides = [1]} : vector<16xi32> to vector<1xi32>
        %squeeze3A_998 = vector.extract %slice3A_997[0] : i32 from vector<1xi32>
        %and3A_999 = arith.constant -128 : i32
        %and3A_1000 = arith.andi %squeeze3A_998, %and3A_999 : i32
        %multiple_of3A_1001 = tpu.assume_multiple %and3A_1000, 128 : i32
        %dma_start3A_1002 = arith.constant 12 : i32
        %dma_start3A_1003 = arith.constant 0 : i32
        %dma_start3A_1004 = arith.constant 0 : i32
        %dma_start3A_1005 = tpu.memref_slice %arg10[%sub3A_776, %dma_start3A_1002, %dma_start3A_1003, %dma_start3A_1004] : memref<2x16x16x128xf32, #tpu.memory_space<vmem>> -> memref<1x1x16x128xf32, #tpu.memory_space<vmem>>
        %dma_start3A_1006 = tpu.memref_squeeze %dma_start3A_1005 : memref<1x1x16x128xf32, #tpu.memory_space<vmem>> -> memref<16x128xf32, #tpu.memory_space<vmem>>
        %dma_start3A_1007 = arith.constant 0 : i32
        %dma_start3A_1008 = tpu.memref_slice %arg5[%dma_start3A_1007, %multiple_of3A_1001] : memref<16x1000000xf32, #tpu.memory_space<hbm>> -> memref<16x128xf32, #tpu.memory_space<hbm>>
        %dma_start3A_1009 = arith.constant 0 : i32
        %dma_start3A_1010 = arith.constant 0 : i32
        %dma_start3A_1011 = tpu.memref_slice %arg10[%sub3A_776, %dma_start3A_1002, %dma_start3A_1009, %dma_start3A_1010] : memref<2x16x16x128xf32, #tpu.memory_space<vmem>> -> memref<1x1x16x128xf32, #tpu.memory_space<vmem>>
        %dma_start3A_1012 = tpu.memref_squeeze %dma_start3A_1011 : memref<1x1x16x128xf32, #tpu.memory_space<vmem>> -> memref<16x128xf32, #tpu.memory_space<vmem>>
        %dma_start3A_1013 = arith.constant 0 : i32
        %dma_start3A_1014 = tpu.memref_slice %arg5[%dma_start3A_1013, %multiple_of3A_1001] : memref<16x1000000xf32, #tpu.memory_space<hbm>> -> memref<16x128xf32, #tpu.memory_space<hbm>>
        tpu.enqueue_dma source(%dma_start3A_1014 : memref<16x128xf32, #tpu.memory_space<hbm>>) target(%dma_start3A_1012 : memref<16x128xf32, #tpu.memory_space<vmem>>) target_semaphore(%arg15 : memref<!tpu.dma_semaphore, #tpu.memory_space<semaphore_mem>>)
        %slice3A_1015 = vector.extract_strided_slice %get3A_780 {offsets = [13], sizes = [1], strides = [1]} : vector<16xi32> to vector<1xi32>
        %squeeze3A_1016 = vector.extract %slice3A_1015[0] : i32 from vector<1xi32>
        %and3A_1017 = arith.constant -128 : i32
        %and3A_1018 = arith.andi %squeeze3A_1016, %and3A_1017 : i32
        %multiple_of3A_1019 = tpu.assume_multiple %and3A_1018, 128 : i32
        %dma_start3A_1020 = arith.constant 13 : i32
        %dma_start3A_1021 = arith.constant 0 : i32
        %dma_start3A_1022 = arith.constant 0 : i32
        %dma_start3A_1023 = tpu.memref_slice %arg10[%sub3A_776, %dma_start3A_1020, %dma_start3A_1021, %dma_start3A_1022] : memref<2x16x16x128xf32, #tpu.memory_space<vmem>> -> memref<1x1x16x128xf32, #tpu.memory_space<vmem>>
        %dma_start3A_1024 = tpu.memref_squeeze %dma_start3A_1023 : memref<1x1x16x128xf32, #tpu.memory_space<vmem>> -> memref<16x128xf32, #tpu.memory_space<vmem>>
        %dma_start3A_1025 = arith.constant 0 : i32
        %dma_start3A_1026 = tpu.memref_slice %arg5[%dma_start3A_1025, %multiple_of3A_1019] : memref<16x1000000xf32, #tpu.memory_space<hbm>> -> memref<16x128xf32, #tpu.memory_space<hbm>>
        %dma_start3A_1027 = arith.constant 0 : i32
        %dma_start3A_1028 = arith.constant 0 : i32
        %dma_start3A_1029 = tpu.memref_slice %arg10[%sub3A_776, %dma_start3A_1020, %dma_start3A_1027, %dma_start3A_1028] : memref<2x16x16x128xf32, #tpu.memory_space<vmem>> -> memref<1x1x16x128xf32, #tpu.memory_space<vmem>>
        %dma_start3A_1030 = tpu.memref_squeeze %dma_start3A_1029 : memref<1x1x16x128xf32, #tpu.memory_space<vmem>> -> memref<16x128xf32, #tpu.memory_space<vmem>>
        %dma_start3A_1031 = arith.constant 0 : i32
        %dma_start3A_1032 = tpu.memref_slice %arg5[%dma_start3A_1031, %multiple_of3A_1019] : memref<16x1000000xf32, #tpu.memory_space<hbm>> -> memref<16x128xf32, #tpu.memory_space<hbm>>
        tpu.enqueue_dma source(%dma_start3A_1032 : memref<16x128xf32, #tpu.memory_space<hbm>>) target(%dma_start3A_1030 : memref<16x128xf32, #tpu.memory_space<vmem>>) target_semaphore(%arg15 : memref<!tpu.dma_semaphore, #tpu.memory_space<semaphore_mem>>)
        %slice3A_1033 = vector.extract_strided_slice %get3A_780 {offsets = [14], sizes = [1], strides = [1]} : vector<16xi32> to vector<1xi32>
        %squeeze3A_1034 = vector.extract %slice3A_1033[0] : i32 from vector<1xi32>
        %and3A_1035 = arith.constant -128 : i32
        %and3A_1036 = arith.andi %squeeze3A_1034, %and3A_1035 : i32
        %multiple_of3A_1037 = tpu.assume_multiple %and3A_1036, 128 : i32
        %dma_start3A_1038 = arith.constant 14 : i32
        %dma_start3A_1039 = arith.constant 0 : i32
        %dma_start3A_1040 = arith.constant 0 : i32
        %dma_start3A_1041 = tpu.memref_slice %arg10[%sub3A_776, %dma_start3A_1038, %dma_start3A_1039, %dma_start3A_1040] : memref<2x16x16x128xf32, #tpu.memory_space<vmem>> -> memref<1x1x16x128xf32, #tpu.memory_space<vmem>>
        %dma_start3A_1042 = tpu.memref_squeeze %dma_start3A_1041 : memref<1x1x16x128xf32, #tpu.memory_space<vmem>> -> memref<16x128xf32, #tpu.memory_space<vmem>>
        %dma_start3A_1043 = arith.constant 0 : i32
        %dma_start3A_1044 = tpu.memref_slice %arg5[%dma_start3A_1043, %multiple_of3A_1037] : memref<16x1000000xf32, #tpu.memory_space<hbm>> -> memref<16x128xf32, #tpu.memory_space<hbm>>
        %dma_start3A_1045 = arith.constant 0 : i32
        %dma_start3A_1046 = arith.constant 0 : i32
        %dma_start3A_1047 = tpu.memref_slice %arg10[%sub3A_776, %dma_start3A_1038, %dma_start3A_1045, %dma_start3A_1046] : memref<2x16x16x128xf32, #tpu.memory_space<vmem>> -> memref<1x1x16x128xf32, #tpu.memory_space<vmem>>
        %dma_start3A_1048 = tpu.memref_squeeze %dma_start3A_1047 : memref<1x1x16x128xf32, #tpu.memory_space<vmem>> -> memref<16x128xf32, #tpu.memory_space<vmem>>
        %dma_start3A_1049 = arith.constant 0 : i32
        %dma_start3A_1050 = tpu.memref_slice %arg5[%dma_start3A_1049, %multiple_of3A_1037] : memref<16x1000000xf32, #tpu.memory_space<hbm>> -> memref<16x128xf32, #tpu.memory_space<hbm>>
        tpu.enqueue_dma source(%dma_start3A_1050 : memref<16x128xf32, #tpu.memory_space<hbm>>) target(%dma_start3A_1048 : memref<16x128xf32, #tpu.memory_space<vmem>>) target_semaphore(%arg15 : memref<!tpu.dma_semaphore, #tpu.memory_space<semaphore_mem>>)
        %slice3A_1051 = vector.extract_strided_slice %get3A_780 {offsets = [15], sizes = [1], strides = [1]} : vector<16xi32> to vector<1xi32>
        %squeeze3A_1052 = vector.extract %slice3A_1051[0] : i32 from vector<1xi32>
        %and3A_1053 = arith.constant -128 : i32
        %and3A_1054 = arith.andi %squeeze3A_1052, %and3A_1053 : i32
        %multiple_of3A_1055 = tpu.assume_multiple %and3A_1054, 128 : i32
        %dma_start3A_1056 = arith.constant 15 : i32
        %dma_start3A_1057 = arith.constant 0 : i32
        %dma_start3A_1058 = arith.constant 0 : i32
        %dma_start3A_1059 = tpu.memref_slice %arg10[%sub3A_776, %dma_start3A_1056, %dma_start3A_1057, %dma_start3A_1058] : memref<2x16x16x128xf32, #tpu.memory_space<vmem>> -> memref<1x1x16x128xf32, #tpu.memory_space<vmem>>
        %dma_start3A_1060 = tpu.memref_squeeze %dma_start3A_1059 : memref<1x1x16x128xf32, #tpu.memory_space<vmem>> -> memref<16x128xf32, #tpu.memory_space<vmem>>
        %dma_start3A_1061 = arith.constant 0 : i32
        %dma_start3A_1062 = tpu.memref_slice %arg5[%dma_start3A_1061, %multiple_of3A_1055] : memref<16x1000000xf32, #tpu.memory_space<hbm>> -> memref<16x128xf32, #tpu.memory_space<hbm>>
        %dma_start3A_1063 = arith.constant 0 : i32
        %dma_start3A_1064 = arith.constant 0 : i32
        %dma_start3A_1065 = tpu.memref_slice %arg10[%sub3A_776, %dma_start3A_1056, %dma_start3A_1063, %dma_start3A_1064] : memref<2x16x16x128xf32, #tpu.memory_space<vmem>> -> memref<1x1x16x128xf32, #tpu.memory_space<vmem>>
        %dma_start3A_1066 = tpu.memref_squeeze %dma_start3A_1065 : memref<1x1x16x128xf32, #tpu.memory_space<vmem>> -> memref<16x128xf32, #tpu.memory_space<vmem>>
        %dma_start3A_1067 = arith.constant 0 : i32
        %dma_start3A_1068 = tpu.memref_slice %arg5[%dma_start3A_1067, %multiple_of3A_1055] : memref<16x1000000xf32, #tpu.memory_space<hbm>> -> memref<16x128xf32, #tpu.memory_space<hbm>>
        tpu.enqueue_dma source(%dma_start3A_1068 : memref<16x128xf32, #tpu.memory_space<hbm>>) target(%dma_start3A_1066 : memref<16x128xf32, #tpu.memory_space<vmem>>) target_semaphore(%arg15 : memref<!tpu.dma_semaphore, #tpu.memory_space<semaphore_mem>>)
      } else {
      }
      %scan3A_646 = arith.constant 0 : i32
      %scan3A_647 = arith.constant 0 : i32
      %scan3A_648 = arith.constant 16 : i32
      %scan3A_649 = arith.addi %scan3A_647, %scan3A_648 : i32
      %scan3A_650 = arith.constant 1 : i32
      scf.for %scan3A_774 = %scan3A_647 to %scan3A_649 step %scan3A_650  : i32 {
        %dma_wait3A = arith.constant 0 : i32
        %dma_wait3A_775 = arith.constant 0 : i32
        %dma_wait3A_776 = arith.constant 0 : i32
        %dma_wait3A_777 = arith.constant 0 : i32
        %dma_wait3A_778 = tpu.memref_slice %arg10[%dma_wait3A, %dma_wait3A_775, %dma_wait3A_776, %dma_wait3A_777] : memref<2x16x16x128xf32, #tpu.memory_space<vmem>> -> memref<1x1x16x128xf32, #tpu.memory_space<vmem>>
        %dma_wait3A_779 = tpu.memref_squeeze %dma_wait3A_778 : memref<1x1x16x128xf32, #tpu.memory_space<vmem>> -> memref<16x128xf32, #tpu.memory_space<vmem>>
        %dma_wait3A_780 = arith.constant 0 : i32
        %dma_wait3A_781 = arith.constant 0 : i32
        %dma_wait3A_782 = tpu.memref_slice %arg5[%dma_wait3A_780, %dma_wait3A_781] : memref<16x1000000xf32, #tpu.memory_space<hbm>> -> memref<16x128xf32, #tpu.memory_space<hbm>>
        %dma_wait3A_783 = arith.constant 0 : i32
        %dma_wait3A_784 = arith.constant 0 : i32
        %dma_wait3A_785 = tpu.memref_slice %arg10[%dma_wait3A, %dma_wait3A_775, %dma_wait3A_783, %dma_wait3A_784] : memref<2x16x16x128xf32, #tpu.memory_space<vmem>> -> memref<1x1x16x128xf32, #tpu.memory_space<vmem>>
        %dma_wait3A_786 = tpu.memref_squeeze %dma_wait3A_785 : memref<1x1x16x128xf32, #tpu.memory_space<vmem>> -> memref<16x128xf32, #tpu.memory_space<vmem>>
        %dma_wait3A_787 = arith.constant 0 : i32
        %dma_wait3A_788 = arith.constant 0 : i32
        %dma_wait3A_789 = tpu.memref_slice %arg5[%dma_wait3A_787, %dma_wait3A_788] : memref<16x1000000xf32, #tpu.memory_space<hbm>> -> memref<16x128xf32, #tpu.memory_space<hbm>>
        tpu.wait_dma2 semaphore(%arg15 : memref<!tpu.dma_semaphore, #tpu.memory_space<semaphore_mem>>) src(%dma_wait3A_789 : memref<16x128xf32, #tpu.memory_space<hbm>>) dst(%dma_wait3A_786 : memref<16x128xf32, #tpu.memory_space<vmem>>)
      }
      %scan3A_651 = arith.constant 16 : i32
      %mul3A_652 = arith.constant 16 : i32
      %mul3A_653 = arith.muli %scan3A_630, %mul3A_652 : i32
      %get3A_654 = arith.index_cast %mul3A_653 : i32 to index
      %get3A_655 = tpu.vector_load %arg9[%get3A_654] {strides = array<i32>} : memref<512xi32, #tpu.memory_space<vmem>>, vector<16xi32>,
      %and3A_656 = arith.constant 127 : i32
      %and3A_657 = vector.broadcast %and3A_656 : i32 to vector<16xi32>
      %and3A_658 = arith.andi %get3A_655, %and3A_657 : vector<16xi32>
      %broadcast_in_dim3A = vector.broadcast %select_n3A_640 : i32 to vector<16xi32>
      %mul3A_659 = arith.constant 16 : i32
      %mul3A_660 = arith.muli %scan3A_630, %mul3A_659 : i32
      %broadcast_in_dim3A_661 = vector.broadcast %mul3A_660 : i32 to vector<16xi32>
      %add3A_662 = arith.addi %broadcast_in_dim3A_661, %iota3A : vector<16xi32>
      %broadcast_in_dim3A_663 = arith.constant 0 : i32
      %broadcast_in_dim3A_664 = vector.broadcast %broadcast_in_dim3A_663 : i32 to vector<16xi32>
      %gather3A = tpu.vector_load_idx %arg10[%broadcast_in_dim3A, %iota3A, %broadcast_in_dim3A_664, %and3A_658] : memref<2x16x16x128xf32, #tpu.memory_space<vmem>>[vector<16xi32>, vector<16xi32>, vector<16xi32>, vector<16xi32>], vector<16xf32>,
      %mul3A_665 = arith.constant 16 : i32
      %mul3A_666 = vector.broadcast %mul3A_665 : i32 to vector<16xi32>
      %mul3A_667 = arith.muli %add3A_662, %mul3A_666 : vector<16xi32>
      %add3A_668 = arith.addi %mul3A_667, %broadcast_in_dim3A_664 : vector<16xi32>
      tpu.vector_store_idx %arg12[%add3A_668], %gather3A : memref<8192xf32, #tpu.memory_space<vmem>>[vector<16xi32>], vector<16xf32>,
      %broadcast_in_dim3A_669 = arith.constant 1 : i32
      %broadcast_in_dim3A_670 = vector.broadcast %broadcast_in_dim3A_669 : i32 to vector<16xi32>
      %gather3A_671 = tpu.vector_load_idx %arg10[%broadcast_in_dim3A, %iota3A, %broadcast_in_dim3A_670, %and3A_658] : memref<2x16x16x128xf32, #tpu.memory_space<vmem>>[vector<16xi32>, vector<16xi32>, vector<16xi32>, vector<16xi32>], vector<16xf32>,
      %mul3A_672 = arith.constant 16 : i32
      %mul3A_673 = vector.broadcast %mul3A_672 : i32 to vector<16xi32>
      %mul3A_674 = arith.muli %add3A_662, %mul3A_673 : vector<16xi32>
      %add3A_675 = arith.addi %mul3A_674, %broadcast_in_dim3A_670 : vector<16xi32>
      tpu.vector_store_idx %arg12[%add3A_675], %gather3A_671 : memref<8192xf32, #tpu.memory_space<vmem>>[vector<16xi32>], vector<16xf32>,
      %broadcast_in_dim3A_676 = arith.constant 2 : i32
      %broadcast_in_dim3A_677 = vector.broadcast %broadcast_in_dim3A_676 : i32 to vector<16xi32>
      %gather3A_678 = tpu.vector_load_idx %arg10[%broadcast_in_dim3A, %iota3A, %broadcast_in_dim3A_677, %and3A_658] : memref<2x16x16x128xf32, #tpu.memory_space<vmem>>[vector<16xi32>, vector<16xi32>, vector<16xi32>, vector<16xi32>], vector<16xf32>,
      %mul3A_679 = arith.constant 16 : i32
      %mul3A_680 = vector.broadcast %mul3A_679 : i32 to vector<16xi32>
      %mul3A_681 = arith.muli %add3A_662, %mul3A_680 : vector<16xi32>
      %add3A_682 = arith.addi %mul3A_681, %broadcast_in_dim3A_677 : vector<16xi32>
      tpu.vector_store_idx %arg12[%add3A_682], %gather3A_678 : memref<8192xf32, #tpu.memory_space<vmem>>[vector<16xi32>], vector<16xf32>,
      %broadcast_in_dim3A_683 = arith.constant 3 : i32
      %broadcast_in_dim3A_684 = vector.broadcast %broadcast_in_dim3A_683 : i32 to vector<16xi32>
      %gather3A_685 = tpu.vector_load_idx %arg10[%broadcast_in_dim3A, %iota3A, %broadcast_in_dim3A_684, %and3A_658] : memref<2x16x16x128xf32, #tpu.memory_space<vmem>>[vector<16xi32>, vector<16xi32>, vector<16xi32>, vector<16xi32>], vector<16xf32>,
      %mul3A_686 = arith.constant 16 : i32
      %mul3A_687 = vector.broadcast %mul3A_686 : i32 to vector<16xi32>
      %mul3A_688 = arith.muli %add3A_662, %mul3A_687 : vector<16xi32>
      %add3A_689 = arith.addi %mul3A_688, %broadcast_in_dim3A_684 : vector<16xi32>
      tpu.vector_store_idx %arg12[%add3A_689], %gather3A_685 : memref<8192xf32, #tpu.memory_space<vmem>>[vector<16xi32>], vector<16xf32>,
      %broadcast_in_dim3A_690 = arith.constant 4 : i32
      %broadcast_in_dim3A_691 = vector.broadcast %broadcast_in_dim3A_690 : i32 to vector<16xi32>
      %gather3A_692 = tpu.vector_load_idx %arg10[%broadcast_in_dim3A, %iota3A, %broadcast_in_dim3A_691, %and3A_658] : memref<2x16x16x128xf32, #tpu.memory_space<vmem>>[vector<16xi32>, vector<16xi32>, vector<16xi32>, vector<16xi32>], vector<16xf32>,
      %mul3A_693 = arith.constant 16 : i32
      %mul3A_694 = vector.broadcast %mul3A_693 : i32 to vector<16xi32>
      %mul3A_695 = arith.muli %add3A_662, %mul3A_694 : vector<16xi32>
      %add3A_696 = arith.addi %mul3A_695, %broadcast_in_dim3A_691 : vector<16xi32>
      tpu.vector_store_idx %arg12[%add3A_696], %gather3A_692 : memref<8192xf32, #tpu.memory_space<vmem>>[vector<16xi32>], vector<16xf32>,
      %broadcast_in_dim3A_697 = arith.constant 5 : i32
      %broadcast_in_dim3A_698 = vector.broadcast %broadcast_in_dim3A_697 : i32 to vector<16xi32>
      %gather3A_699 = tpu.vector_load_idx %arg10[%broadcast_in_dim3A, %iota3A, %broadcast_in_dim3A_698, %and3A_658] : memref<2x16x16x128xf32, #tpu.memory_space<vmem>>[vector<16xi32>, vector<16xi32>, vector<16xi32>, vector<16xi32>], vector<16xf32>,
      %mul3A_700 = arith.constant 16 : i32
      %mul3A_701 = vector.broadcast %mul3A_700 : i32 to vector<16xi32>
      %mul3A_702 = arith.muli %add3A_662, %mul3A_701 : vector<16xi32>
      %add3A_703 = arith.addi %mul3A_702, %broadcast_in_dim3A_698 : vector<16xi32>
      tpu.vector_store_idx %arg12[%add3A_703], %gather3A_699 : memref<8192xf32, #tpu.memory_space<vmem>>[vector<16xi32>], vector<16xf32>,
      %broadcast_in_dim3A_704 = arith.constant 6 : i32
      %broadcast_in_dim3A_705 = vector.broadcast %broadcast_in_dim3A_704 : i32 to vector<16xi32>
      %gather3A_706 = tpu.vector_load_idx %arg10[%broadcast_in_dim3A, %iota3A, %broadcast_in_dim3A_705, %and3A_658] : memref<2x16x16x128xf32, #tpu.memory_space<vmem>>[vector<16xi32>, vector<16xi32>, vector<16xi32>, vector<16xi32>], vector<16xf32>,
      %mul3A_707 = arith.constant 16 : i32
      %mul3A_708 = vector.broadcast %mul3A_707 : i32 to vector<16xi32>
      %mul3A_709 = arith.muli %add3A_662, %mul3A_708 : vector<16xi32>
      %add3A_710 = arith.addi %mul3A_709, %broadcast_in_dim3A_705 : vector<16xi32>
      tpu.vector_store_idx %arg12[%add3A_710], %gather3A_706 : memref<8192xf32, #tpu.memory_space<vmem>>[vector<16xi32>], vector<16xf32>,
      %broadcast_in_dim3A_711 = arith.constant 7 : i32
      %broadcast_in_dim3A_712 = vector.broadcast %broadcast_in_dim3A_711 : i32 to vector<16xi32>
      %gather3A_713 = tpu.vector_load_idx %arg10[%broadcast_in_dim3A, %iota3A, %broadcast_in_dim3A_712, %and3A_658] : memref<2x16x16x128xf32, #tpu.memory_space<vmem>>[vector<16xi32>, vector<16xi32>, vector<16xi32>, vector<16xi32>], vector<16xf32>,
      %mul3A_714 = arith.constant 16 : i32
      %mul3A_715 = vector.broadcast %mul3A_714 : i32 to vector<16xi32>
      %mul3A_716 = arith.muli %add3A_662, %mul3A_715 : vector<16xi32>
      %add3A_717 = arith.addi %mul3A_716, %broadcast_in_dim3A_712 : vector<16xi32>
      tpu.vector_store_idx %arg12[%add3A_717], %gather3A_713 : memref<8192xf32, #tpu.memory_space<vmem>>[vector<16xi32>], vector<16xf32>,
      %broadcast_in_dim3A_718 = arith.constant 8 : i32
      %broadcast_in_dim3A_719 = vector.broadcast %broadcast_in_dim3A_718 : i32 to vector<16xi32>
      %gather3A_720 = tpu.vector_load_idx %arg10[%broadcast_in_dim3A, %iota3A, %broadcast_in_dim3A_719, %and3A_658] : memref<2x16x16x128xf32, #tpu.memory_space<vmem>>[vector<16xi32>, vector<16xi32>, vector<16xi32>, vector<16xi32>], vector<16xf32>,
      %mul3A_721 = arith.constant 16 : i32
      %mul3A_722 = vector.broadcast %mul3A_721 : i32 to vector<16xi32>
      %mul3A_723 = arith.muli %add3A_662, %mul3A_722 : vector<16xi32>
      %add3A_724 = arith.addi %mul3A_723, %broadcast_in_dim3A_719 : vector<16xi32>
      tpu.vector_store_idx %arg12[%add3A_724], %gather3A_720 : memref<8192xf32, #tpu.memory_space<vmem>>[vector<16xi32>], vector<16xf32>,
      %broadcast_in_dim3A_725 = arith.constant 9 : i32
      %broadcast_in_dim3A_726 = vector.broadcast %broadcast_in_dim3A_725 : i32 to vector<16xi32>
      %gather3A_727 = tpu.vector_load_idx %arg10[%broadcast_in_dim3A, %iota3A, %broadcast_in_dim3A_726, %and3A_658] : memref<2x16x16x128xf32, #tpu.memory_space<vmem>>[vector<16xi32>, vector<16xi32>, vector<16xi32>, vector<16xi32>], vector<16xf32>,
      %mul3A_728 = arith.constant 16 : i32
      %mul3A_729 = vector.broadcast %mul3A_728 : i32 to vector<16xi32>
      %mul3A_730 = arith.muli %add3A_662, %mul3A_729 : vector<16xi32>
      %add3A_731 = arith.addi %mul3A_730, %broadcast_in_dim3A_726 : vector<16xi32>
      tpu.vector_store_idx %arg12[%add3A_731], %gather3A_727 : memref<8192xf32, #tpu.memory_space<vmem>>[vector<16xi32>], vector<16xf32>,
      %broadcast_in_dim3A_732 = arith.constant 10 : i32
      %broadcast_in_dim3A_733 = vector.broadcast %broadcast_in_dim3A_732 : i32 to vector<16xi32>
      %gather3A_734 = tpu.vector_load_idx %arg10[%broadcast_in_dim3A, %iota3A, %broadcast_in_dim3A_733, %and3A_658] : memref<2x16x16x128xf32, #tpu.memory_space<vmem>>[vector<16xi32>, vector<16xi32>, vector<16xi32>, vector<16xi32>], vector<16xf32>,
      %mul3A_735 = arith.constant 16 : i32
      %mul3A_736 = vector.broadcast %mul3A_735 : i32 to vector<16xi32>
      %mul3A_737 = arith.muli %add3A_662, %mul3A_736 : vector<16xi32>
      %add3A_738 = arith.addi %mul3A_737, %broadcast_in_dim3A_733 : vector<16xi32>
      tpu.vector_store_idx %arg12[%add3A_738], %gather3A_734 : memref<8192xf32, #tpu.memory_space<vmem>>[vector<16xi32>], vector<16xf32>,
      %broadcast_in_dim3A_739 = arith.constant 11 : i32
      %broadcast_in_dim3A_740 = vector.broadcast %broadcast_in_dim3A_739 : i32 to vector<16xi32>
      %gather3A_741 = tpu.vector_load_idx %arg10[%broadcast_in_dim3A, %iota3A, %broadcast_in_dim3A_740, %and3A_658] : memref<2x16x16x128xf32, #tpu.memory_space<vmem>>[vector<16xi32>, vector<16xi32>, vector<16xi32>, vector<16xi32>], vector<16xf32>,
      %mul3A_742 = arith.constant 16 : i32
      %mul3A_743 = vector.broadcast %mul3A_742 : i32 to vector<16xi32>
      %mul3A_744 = arith.muli %add3A_662, %mul3A_743 : vector<16xi32>
      %add3A_745 = arith.addi %mul3A_744, %broadcast_in_dim3A_740 : vector<16xi32>
      tpu.vector_store_idx %arg12[%add3A_745], %gather3A_741 : memref<8192xf32, #tpu.memory_space<vmem>>[vector<16xi32>], vector<16xf32>,
      %broadcast_in_dim3A_746 = arith.constant 12 : i32
      %broadcast_in_dim3A_747 = vector.broadcast %broadcast_in_dim3A_746 : i32 to vector<16xi32>
      %gather3A_748 = tpu.vector_load_idx %arg10[%broadcast_in_dim3A, %iota3A, %broadcast_in_dim3A_747, %and3A_658] : memref<2x16x16x128xf32, #tpu.memory_space<vmem>>[vector<16xi32>, vector<16xi32>, vector<16xi32>, vector<16xi32>], vector<16xf32>,
      %mul3A_749 = arith.constant 16 : i32
      %mul3A_750 = vector.broadcast %mul3A_749 : i32 to vector<16xi32>
      %mul3A_751 = arith.muli %add3A_662, %mul3A_750 : vector<16xi32>
      %add3A_752 = arith.addi %mul3A_751, %broadcast_in_dim3A_747 : vector<16xi32>
      tpu.vector_store_idx %arg12[%add3A_752], %gather3A_748 : memref<8192xf32, #tpu.memory_space<vmem>>[vector<16xi32>], vector<16xf32>,
      %broadcast_in_dim3A_753 = arith.constant 13 : i32
      %broadcast_in_dim3A_754 = vector.broadcast %broadcast_in_dim3A_753 : i32 to vector<16xi32>
      %gather3A_755 = tpu.vector_load_idx %arg10[%broadcast_in_dim3A, %iota3A, %broadcast_in_dim3A_754, %and3A_658] : memref<2x16x16x128xf32, #tpu.memory_space<vmem>>[vector<16xi32>, vector<16xi32>, vector<16xi32>, vector<16xi32>], vector<16xf32>,
      %mul3A_756 = arith.constant 16 : i32
      %mul3A_757 = vector.broadcast %mul3A_756 : i32 to vector<16xi32>
      %mul3A_758 = arith.muli %add3A_662, %mul3A_757 : vector<16xi32>
      %add3A_759 = arith.addi %mul3A_758, %broadcast_in_dim3A_754 : vector<16xi32>
      tpu.vector_store_idx %arg12[%add3A_759], %gather3A_755 : memref<8192xf32, #tpu.memory_space<vmem>>[vector<16xi32>], vector<16xf32>,
      %broadcast_in_dim3A_760 = arith.constant 14 : i32
      %broadcast_in_dim3A_761 = vector.broadcast %broadcast_in_dim3A_760 : i32 to vector<16xi32>
      %gather3A_762 = tpu.vector_load_idx %arg10[%broadcast_in_dim3A, %iota3A, %broadcast_in_dim3A_761, %and3A_658] : memref<2x16x16x128xf32, #tpu.memory_space<vmem>>[vector<16xi32>, vector<16xi32>, vector<16xi32>, vector<16xi32>], vector<16xf32>,
      %mul3A_763 = arith.constant 16 : i32
      %mul3A_764 = vector.broadcast %mul3A_763 : i32 to vector<16xi32>
      %mul3A_765 = arith.muli %add3A_662, %mul3A_764 : vector<16xi32>
      %add3A_766 = arith.addi %mul3A_765, %broadcast_in_dim3A_761 : vector<16xi32>
      tpu.vector_store_idx %arg12[%add3A_766], %gather3A_762 : memref<8192xf32, #tpu.memory_space<vmem>>[vector<16xi32>], vector<16xf32>,
      %broadcast_in_dim3A_767 = arith.constant 15 : i32
      %broadcast_in_dim3A_768 = vector.broadcast %broadcast_in_dim3A_767 : i32 to vector<16xi32>
      %gather3A_769 = tpu.vector_load_idx %arg10[%broadcast_in_dim3A, %iota3A, %broadcast_in_dim3A_768, %and3A_658] : memref<2x16x16x128xf32, #tpu.memory_space<vmem>>[vector<16xi32>, vector<16xi32>, vector<16xi32>, vector<16xi32>], vector<16xf32>,
      %mul3A_770 = arith.constant 16 : i32
      %mul3A_771 = vector.broadcast %mul3A_770 : i32 to vector<16xi32>
      %mul3A_772 = arith.muli %add3A_662, %mul3A_771 : vector<16xi32>
      %add3A_773 = arith.addi %mul3A_772, %broadcast_in_dim3A_768 : vector<16xi32>
      tpu.vector_store_idx %arg12[%add3A_773], %gather3A_769 : memref<8192xf32, #tpu.memory_space<vmem>>[vector<16xi32>], vector<16xf32>,
    }
    %scan3A_619 = arith.constant 32 : i32
    %get3A_620 = arith.constant 16 : i32
    %get3A_621 = arith.index_cast %get3A_620 : i32 to index
    %get3A_622 = arith.constant 0 : index
    %get3A_623 = tpu.vector_load %arg13[%get3A_621, %get3A_622] {strides = array<i32>} : memref<17x16xf32, #tpu.memory_space<vmem>>, vector<16xf32>,
    %scan3A_624 = arith.constant 0 : i32
    %scan3A_625 = arith.constant 0 : i32
    %scan3A_626 = arith.constant 32 : i32
    %scan3A_627 = arith.addi %scan3A_625, %scan3A_626 : i32
    %scan3A_628 = arith.constant 1 : i32
    scf.for %scan3A_630 = %scan3A_625 to %scan3A_627 step %scan3A_628  : i32 {
      %mul3A_631 = arith.constant 16 : i32
      %mul3A_632 = arith.muli %scan3A_630, %mul3A_631 : i32
      %add3A_633 = vector.broadcast %mul3A_632 : i32 to vector<16xi32>
      %add3A_634 = arith.addi %add3A_633, %iota3A : vector<16xi32>
      %broadcast_in_dim3A = arith.constant 0 : i32
      %broadcast_in_dim3A_635 = vector.broadcast %broadcast_in_dim3A : i32 to vector<16xi32>
      %mul3A_636 = arith.constant 16 : i32
      %mul3A_637 = vector.broadcast %mul3A_636 : i32 to vector<16xi32>
      %mul3A_638 = arith.muli %add3A_634, %mul3A_637 : vector<16xi32>
      %add3A_639 = arith.addi %mul3A_638, %broadcast_in_dim3A_635 : vector<16xi32>
      %gather3A = tpu.vector_load_idx %arg11[%add3A_639] : memref<8192xf32, #tpu.memory_space<vmem>>[vector<16xi32>], vector<16xf32>,
      %mul3A_640 = arith.constant 16 : i32
      %mul3A_641 = vector.broadcast %mul3A_640 : i32 to vector<16xi32>
      %mul3A_642 = arith.muli %add3A_634, %mul3A_641 : vector<16xi32>
      %add3A_643 = arith.addi %mul3A_642, %broadcast_in_dim3A_635 : vector<16xi32>
      %gather3A_644 = tpu.vector_load_idx %arg12[%add3A_643] : memref<8192xf32, #tpu.memory_space<vmem>>[vector<16xi32>], vector<16xf32>,
      %mul3A_645 = arith.mulf %gather3A, %gather3A_644 : vector<16xf32>
      %get3A_646 = arith.constant 0 : i32
      %get3A_647 = arith.index_cast %get3A_646 : i32 to index
      %get3A_648 = arith.constant 0 : index
      %get3A_649 = tpu.vector_load %arg13[%get3A_647, %get3A_648] {strides = array<i32>} : memref<17x16xf32, #tpu.memory_space<vmem>>, vector<16xf32>,
      %mul3A_650 = arith.mulf %mul3A_645, %get3A_649 : vector<16xf32>
      %add3A_651 = arith.addf %get3A_623, %mul3A_650 : vector<16xf32>
      %broadcast_in_dim3A_652 = arith.constant 1 : i32
      %broadcast_in_dim3A_653 = vector.broadcast %broadcast_in_dim3A_652 : i32 to vector<16xi32>
      %mul3A_654 = arith.constant 16 : i32
      %mul3A_655 = vector.broadcast %mul3A_654 : i32 to vector<16xi32>
      %mul3A_656 = arith.muli %add3A_634, %mul3A_655 : vector<16xi32>
      %add3A_657 = arith.addi %mul3A_656, %broadcast_in_dim3A_653 : vector<16xi32>
      %gather3A_658 = tpu.vector_load_idx %arg11[%add3A_657] : memref<8192xf32, #tpu.memory_space<vmem>>[vector<16xi32>], vector<16xf32>,
      %mul3A_659 = arith.constant 16 : i32
      %mul3A_660 = vector.broadcast %mul3A_659 : i32 to vector<16xi32>
      %mul3A_661 = arith.muli %add3A_634, %mul3A_660 : vector<16xi32>
      %add3A_662 = arith.addi %mul3A_661, %broadcast_in_dim3A_653 : vector<16xi32>
      %gather3A_663 = tpu.vector_load_idx %arg12[%add3A_662] : memref<8192xf32, #tpu.memory_space<vmem>>[vector<16xi32>], vector<16xf32>,
      %mul3A_664 = arith.mulf %gather3A_658, %gather3A_663 : vector<16xf32>
      %get3A_665 = arith.constant 1 : i32
      %get3A_666 = arith.index_cast %get3A_665 : i32 to index
      %get3A_667 = arith.constant 0 : index
      %get3A_668 = tpu.vector_load %arg13[%get3A_666, %get3A_667] {strides = array<i32>} : memref<17x16xf32, #tpu.memory_space<vmem>>, vector<16xf32>,
      %mul3A_669 = arith.mulf %mul3A_664, %get3A_668 : vector<16xf32>
      %add3A_670 = arith.addf %add3A_651, %mul3A_669 : vector<16xf32>
      %broadcast_in_dim3A_671 = arith.constant 2 : i32
      %broadcast_in_dim3A_672 = vector.broadcast %broadcast_in_dim3A_671 : i32 to vector<16xi32>
      %mul3A_673 = arith.constant 16 : i32
      %mul3A_674 = vector.broadcast %mul3A_673 : i32 to vector<16xi32>
      %mul3A_675 = arith.muli %add3A_634, %mul3A_674 : vector<16xi32>
      %add3A_676 = arith.addi %mul3A_675, %broadcast_in_dim3A_672 : vector<16xi32>
      %gather3A_677 = tpu.vector_load_idx %arg11[%add3A_676] : memref<8192xf32, #tpu.memory_space<vmem>>[vector<16xi32>], vector<16xf32>,
      %mul3A_678 = arith.constant 16 : i32
      %mul3A_679 = vector.broadcast %mul3A_678 : i32 to vector<16xi32>
      %mul3A_680 = arith.muli %add3A_634, %mul3A_679 : vector<16xi32>
      %add3A_681 = arith.addi %mul3A_680, %broadcast_in_dim3A_672 : vector<16xi32>
      %gather3A_682 = tpu.vector_load_idx %arg12[%add3A_681] : memref<8192xf32, #tpu.memory_space<vmem>>[vector<16xi32>], vector<16xf32>,
      %mul3A_683 = arith.mulf %gather3A_677, %gather3A_682 : vector<16xf32>
      %get3A_684 = arith.constant 2 : i32
      %get3A_685 = arith.index_cast %get3A_684 : i32 to index
      %get3A_686 = arith.constant 0 : index
      %get3A_687 = tpu.vector_load %arg13[%get3A_685, %get3A_686] {strides = array<i32>} : memref<17x16xf32, #tpu.memory_space<vmem>>, vector<16xf32>,
      %mul3A_688 = arith.mulf %mul3A_683, %get3A_687 : vector<16xf32>
      %add3A_689 = arith.addf %add3A_670, %mul3A_688 : vector<16xf32>
      %broadcast_in_dim3A_690 = arith.constant 3 : i32
      %broadcast_in_dim3A_691 = vector.broadcast %broadcast_in_dim3A_690 : i32 to vector<16xi32>
      %mul3A_692 = arith.constant 16 : i32
      %mul3A_693 = vector.broadcast %mul3A_692 : i32 to vector<16xi32>
      %mul3A_694 = arith.muli %add3A_634, %mul3A_693 : vector<16xi32>
      %add3A_695 = arith.addi %mul3A_694, %broadcast_in_dim3A_691 : vector<16xi32>
      %gather3A_696 = tpu.vector_load_idx %arg11[%add3A_695] : memref<8192xf32, #tpu.memory_space<vmem>>[vector<16xi32>], vector<16xf32>,
      %mul3A_697 = arith.constant 16 : i32
      %mul3A_698 = vector.broadcast %mul3A_697 : i32 to vector<16xi32>
      %mul3A_699 = arith.muli %add3A_634, %mul3A_698 : vector<16xi32>
      %add3A_700 = arith.addi %mul3A_699, %broadcast_in_dim3A_691 : vector<16xi32>
      %gather3A_701 = tpu.vector_load_idx %arg12[%add3A_700] : memref<8192xf32, #tpu.memory_space<vmem>>[vector<16xi32>], vector<16xf32>,
      %mul3A_702 = arith.mulf %gather3A_696, %gather3A_701 : vector<16xf32>
      %get3A_703 = arith.constant 3 : i32
      %get3A_704 = arith.index_cast %get3A_703 : i32 to index
      %get3A_705 = arith.constant 0 : index
      %get3A_706 = tpu.vector_load %arg13[%get3A_704, %get3A_705] {strides = array<i32>} : memref<17x16xf32, #tpu.memory_space<vmem>>, vector<16xf32>,
      %mul3A_707 = arith.mulf %mul3A_702, %get3A_706 : vector<16xf32>
      %add3A_708 = arith.addf %add3A_689, %mul3A_707 : vector<16xf32>
      %broadcast_in_dim3A_709 = arith.constant 4 : i32
      %broadcast_in_dim3A_710 = vector.broadcast %broadcast_in_dim3A_709 : i32 to vector<16xi32>
      %mul3A_711 = arith.constant 16 : i32
      %mul3A_712 = vector.broadcast %mul3A_711 : i32 to vector<16xi32>
      %mul3A_713 = arith.muli %add3A_634, %mul3A_712 : vector<16xi32>
      %add3A_714 = arith.addi %mul3A_713, %broadcast_in_dim3A_710 : vector<16xi32>
      %gather3A_715 = tpu.vector_load_idx %arg11[%add3A_714] : memref<8192xf32, #tpu.memory_space<vmem>>[vector<16xi32>], vector<16xf32>,
      %mul3A_716 = arith.constant 16 : i32
      %mul3A_717 = vector.broadcast %mul3A_716 : i32 to vector<16xi32>
      %mul3A_718 = arith.muli %add3A_634, %mul3A_717 : vector<16xi32>
      %add3A_719 = arith.addi %mul3A_718, %broadcast_in_dim3A_710 : vector<16xi32>
      %gather3A_720 = tpu.vector_load_idx %arg12[%add3A_719] : memref<8192xf32, #tpu.memory_space<vmem>>[vector<16xi32>], vector<16xf32>,
      %mul3A_721 = arith.mulf %gather3A_715, %gather3A_720 : vector<16xf32>
      %get3A_722 = arith.constant 4 : i32
      %get3A_723 = arith.index_cast %get3A_722 : i32 to index
      %get3A_724 = arith.constant 0 : index
      %get3A_725 = tpu.vector_load %arg13[%get3A_723, %get3A_724] {strides = array<i32>} : memref<17x16xf32, #tpu.memory_space<vmem>>, vector<16xf32>,
      %mul3A_726 = arith.mulf %mul3A_721, %get3A_725 : vector<16xf32>
      %add3A_727 = arith.addf %add3A_708, %mul3A_726 : vector<16xf32>
      %broadcast_in_dim3A_728 = arith.constant 5 : i32
      %broadcast_in_dim3A_729 = vector.broadcast %broadcast_in_dim3A_728 : i32 to vector<16xi32>
      %mul3A_730 = arith.constant 16 : i32
      %mul3A_731 = vector.broadcast %mul3A_730 : i32 to vector<16xi32>
      %mul3A_732 = arith.muli %add3A_634, %mul3A_731 : vector<16xi32>
      %add3A_733 = arith.addi %mul3A_732, %broadcast_in_dim3A_729 : vector<16xi32>
      %gather3A_734 = tpu.vector_load_idx %arg11[%add3A_733] : memref<8192xf32, #tpu.memory_space<vmem>>[vector<16xi32>], vector<16xf32>,
      %mul3A_735 = arith.constant 16 : i32
      %mul3A_736 = vector.broadcast %mul3A_735 : i32 to vector<16xi32>
      %mul3A_737 = arith.muli %add3A_634, %mul3A_736 : vector<16xi32>
      %add3A_738 = arith.addi %mul3A_737, %broadcast_in_dim3A_729 : vector<16xi32>
      %gather3A_739 = tpu.vector_load_idx %arg12[%add3A_738] : memref<8192xf32, #tpu.memory_space<vmem>>[vector<16xi32>], vector<16xf32>,
      %mul3A_740 = arith.mulf %gather3A_734, %gather3A_739 : vector<16xf32>
      %get3A_741 = arith.constant 5 : i32
      %get3A_742 = arith.index_cast %get3A_741 : i32 to index
      %get3A_743 = arith.constant 0 : index
      %get3A_744 = tpu.vector_load %arg13[%get3A_742, %get3A_743] {strides = array<i32>} : memref<17x16xf32, #tpu.memory_space<vmem>>, vector<16xf32>,
      %mul3A_745 = arith.mulf %mul3A_740, %get3A_744 : vector<16xf32>
      %add3A_746 = arith.addf %add3A_727, %mul3A_745 : vector<16xf32>
      %broadcast_in_dim3A_747 = arith.constant 6 : i32
      %broadcast_in_dim3A_748 = vector.broadcast %broadcast_in_dim3A_747 : i32 to vector<16xi32>
      %mul3A_749 = arith.constant 16 : i32
      %mul3A_750 = vector.broadcast %mul3A_749 : i32 to vector<16xi32>
      %mul3A_751 = arith.muli %add3A_634, %mul3A_750 : vector<16xi32>
      %add3A_752 = arith.addi %mul3A_751, %broadcast_in_dim3A_748 : vector<16xi32>
      %gather3A_753 = tpu.vector_load_idx %arg11[%add3A_752] : memref<8192xf32, #tpu.memory_space<vmem>>[vector<16xi32>], vector<16xf32>,
      %mul3A_754 = arith.constant 16 : i32
      %mul3A_755 = vector.broadcast %mul3A_754 : i32 to vector<16xi32>
      %mul3A_756 = arith.muli %add3A_634, %mul3A_755 : vector<16xi32>
      %add3A_757 = arith.addi %mul3A_756, %broadcast_in_dim3A_748 : vector<16xi32>
      %gather3A_758 = tpu.vector_load_idx %arg12[%add3A_757] : memref<8192xf32, #tpu.memory_space<vmem>>[vector<16xi32>], vector<16xf32>,
      %mul3A_759 = arith.mulf %gather3A_753, %gather3A_758 : vector<16xf32>
      %get3A_760 = arith.constant 6 : i32
      %get3A_761 = arith.index_cast %get3A_760 : i32 to index
      %get3A_762 = arith.constant 0 : index
      %get3A_763 = tpu.vector_load %arg13[%get3A_761, %get3A_762] {strides = array<i32>} : memref<17x16xf32, #tpu.memory_space<vmem>>, vector<16xf32>,
      %mul3A_764 = arith.mulf %mul3A_759, %get3A_763 : vector<16xf32>
      %add3A_765 = arith.addf %add3A_746, %mul3A_764 : vector<16xf32>
      %broadcast_in_dim3A_766 = arith.constant 7 : i32
      %broadcast_in_dim3A_767 = vector.broadcast %broadcast_in_dim3A_766 : i32 to vector<16xi32>
      %mul3A_768 = arith.constant 16 : i32
      %mul3A_769 = vector.broadcast %mul3A_768 : i32 to vector<16xi32>
      %mul3A_770 = arith.muli %add3A_634, %mul3A_769 : vector<16xi32>
      %add3A_771 = arith.addi %mul3A_770, %broadcast_in_dim3A_767 : vector<16xi32>
      %gather3A_772 = tpu.vector_load_idx %arg11[%add3A_771] : memref<8192xf32, #tpu.memory_space<vmem>>[vector<16xi32>], vector<16xf32>,
      %mul3A_773 = arith.constant 16 : i32
      %mul3A_774 = vector.broadcast %mul3A_773 : i32 to vector<16xi32>
      %mul3A_775 = arith.muli %add3A_634, %mul3A_774 : vector<16xi32>
      %add3A_776 = arith.addi %mul3A_775, %broadcast_in_dim3A_767 : vector<16xi32>
      %gather3A_777 = tpu.vector_load_idx %arg12[%add3A_776] : memref<8192xf32, #tpu.memory_space<vmem>>[vector<16xi32>], vector<16xf32>,
      %mul3A_778 = arith.mulf %gather3A_772, %gather3A_777 : vector<16xf32>
      %get3A_779 = arith.constant 7 : i32
      %get3A_780 = arith.index_cast %get3A_779 : i32 to index
      %get3A_781 = arith.constant 0 : index
      %get3A_782 = tpu.vector_load %arg13[%get3A_780, %get3A_781] {strides = array<i32>} : memref<17x16xf32, #tpu.memory_space<vmem>>, vector<16xf32>,
      %mul3A_783 = arith.mulf %mul3A_778, %get3A_782 : vector<16xf32>
      %add3A_784 = arith.addf %add3A_765, %mul3A_783 : vector<16xf32>
      %broadcast_in_dim3A_785 = arith.constant 8 : i32
      %broadcast_in_dim3A_786 = vector.broadcast %broadcast_in_dim3A_785 : i32 to vector<16xi32>
      %mul3A_787 = arith.constant 16 : i32
      %mul3A_788 = vector.broadcast %mul3A_787 : i32 to vector<16xi32>
      %mul3A_789 = arith.muli %add3A_634, %mul3A_788 : vector<16xi32>
      %add3A_790 = arith.addi %mul3A_789, %broadcast_in_dim3A_786 : vector<16xi32>
      %gather3A_791 = tpu.vector_load_idx %arg11[%add3A_790] : memref<8192xf32, #tpu.memory_space<vmem>>[vector<16xi32>], vector<16xf32>,
      %mul3A_792 = arith.constant 16 : i32
      %mul3A_793 = vector.broadcast %mul3A_792 : i32 to vector<16xi32>
      %mul3A_794 = arith.muli %add3A_634, %mul3A_793 : vector<16xi32>
      %add3A_795 = arith.addi %mul3A_794, %broadcast_in_dim3A_786 : vector<16xi32>
      %gather3A_796 = tpu.vector_load_idx %arg12[%add3A_795] : memref<8192xf32, #tpu.memory_space<vmem>>[vector<16xi32>], vector<16xf32>,
      %mul3A_797 = arith.mulf %gather3A_791, %gather3A_796 : vector<16xf32>
      %get3A_798 = arith.constant 8 : i32
      %get3A_799 = arith.index_cast %get3A_798 : i32 to index
      %get3A_800 = arith.constant 0 : index
      %get3A_801 = tpu.vector_load %arg13[%get3A_799, %get3A_800] {strides = array<i32>} : memref<17x16xf32, #tpu.memory_space<vmem>>, vector<16xf32>,
      %mul3A_802 = arith.mulf %mul3A_797, %get3A_801 : vector<16xf32>
      %add3A_803 = arith.addf %add3A_784, %mul3A_802 : vector<16xf32>
      %broadcast_in_dim3A_804 = arith.constant 9 : i32
      %broadcast_in_dim3A_805 = vector.broadcast %broadcast_in_dim3A_804 : i32 to vector<16xi32>
      %mul3A_806 = arith.constant 16 : i32
      %mul3A_807 = vector.broadcast %mul3A_806 : i32 to vector<16xi32>
      %mul3A_808 = arith.muli %add3A_634, %mul3A_807 : vector<16xi32>
      %add3A_809 = arith.addi %mul3A_808, %broadcast_in_dim3A_805 : vector<16xi32>
      %gather3A_810 = tpu.vector_load_idx %arg11[%add3A_809] : memref<8192xf32, #tpu.memory_space<vmem>>[vector<16xi32>], vector<16xf32>,
      %mul3A_811 = arith.constant 16 : i32
      %mul3A_812 = vector.broadcast %mul3A_811 : i32 to vector<16xi32>
      %mul3A_813 = arith.muli %add3A_634, %mul3A_812 : vector<16xi32>
      %add3A_814 = arith.addi %mul3A_813, %broadcast_in_dim3A_805 : vector<16xi32>
      %gather3A_815 = tpu.vector_load_idx %arg12[%add3A_814] : memref<8192xf32, #tpu.memory_space<vmem>>[vector<16xi32>], vector<16xf32>,
      %mul3A_816 = arith.mulf %gather3A_810, %gather3A_815 : vector<16xf32>
      %get3A_817 = arith.constant 9 : i32
      %get3A_818 = arith.index_cast %get3A_817 : i32 to index
      %get3A_819 = arith.constant 0 : index
      %get3A_820 = tpu.vector_load %arg13[%get3A_818, %get3A_819] {strides = array<i32>} : memref<17x16xf32, #tpu.memory_space<vmem>>, vector<16xf32>,
      %mul3A_821 = arith.mulf %mul3A_816, %get3A_820 : vector<16xf32>
      %add3A_822 = arith.addf %add3A_803, %mul3A_821 : vector<16xf32>
      %broadcast_in_dim3A_823 = arith.constant 10 : i32
      %broadcast_in_dim3A_824 = vector.broadcast %broadcast_in_dim3A_823 : i32 to vector<16xi32>
      %mul3A_825 = arith.constant 16 : i32
      %mul3A_826 = vector.broadcast %mul3A_825 : i32 to vector<16xi32>
      %mul3A_827 = arith.muli %add3A_634, %mul3A_826 : vector<16xi32>
      %add3A_828 = arith.addi %mul3A_827, %broadcast_in_dim3A_824 : vector<16xi32>
      %gather3A_829 = tpu.vector_load_idx %arg11[%add3A_828] : memref<8192xf32, #tpu.memory_space<vmem>>[vector<16xi32>], vector<16xf32>,
      %mul3A_830 = arith.constant 16 : i32
      %mul3A_831 = vector.broadcast %mul3A_830 : i32 to vector<16xi32>
      %mul3A_832 = arith.muli %add3A_634, %mul3A_831 : vector<16xi32>
      %add3A_833 = arith.addi %mul3A_832, %broadcast_in_dim3A_824 : vector<16xi32>
      %gather3A_834 = tpu.vector_load_idx %arg12[%add3A_833] : memref<8192xf32, #tpu.memory_space<vmem>>[vector<16xi32>], vector<16xf32>,
      %mul3A_835 = arith.mulf %gather3A_829, %gather3A_834 : vector<16xf32>
      %get3A_836 = arith.constant 10 : i32
      %get3A_837 = arith.index_cast %get3A_836 : i32 to index
      %get3A_838 = arith.constant 0 : index
      %get3A_839 = tpu.vector_load %arg13[%get3A_837, %get3A_838] {strides = array<i32>} : memref<17x16xf32, #tpu.memory_space<vmem>>, vector<16xf32>,
      %mul3A_840 = arith.mulf %mul3A_835, %get3A_839 : vector<16xf32>
      %add3A_841 = arith.addf %add3A_822, %mul3A_840 : vector<16xf32>
      %broadcast_in_dim3A_842 = arith.constant 11 : i32
      %broadcast_in_dim3A_843 = vector.broadcast %broadcast_in_dim3A_842 : i32 to vector<16xi32>
      %mul3A_844 = arith.constant 16 : i32
      %mul3A_845 = vector.broadcast %mul3A_844 : i32 to vector<16xi32>
      %mul3A_846 = arith.muli %add3A_634, %mul3A_845 : vector<16xi32>
      %add3A_847 = arith.addi %mul3A_846, %broadcast_in_dim3A_843 : vector<16xi32>
      %gather3A_848 = tpu.vector_load_idx %arg11[%add3A_847] : memref<8192xf32, #tpu.memory_space<vmem>>[vector<16xi32>], vector<16xf32>,
      %mul3A_849 = arith.constant 16 : i32
      %mul3A_850 = vector.broadcast %mul3A_849 : i32 to vector<16xi32>
      %mul3A_851 = arith.muli %add3A_634, %mul3A_850 : vector<16xi32>
      %add3A_852 = arith.addi %mul3A_851, %broadcast_in_dim3A_843 : vector<16xi32>
      %gather3A_853 = tpu.vector_load_idx %arg12[%add3A_852] : memref<8192xf32, #tpu.memory_space<vmem>>[vector<16xi32>], vector<16xf32>,
      %mul3A_854 = arith.mulf %gather3A_848, %gather3A_853 : vector<16xf32>
      %get3A_855 = arith.constant 11 : i32
      %get3A_856 = arith.index_cast %get3A_855 : i32 to index
      %get3A_857 = arith.constant 0 : index
      %get3A_858 = tpu.vector_load %arg13[%get3A_856, %get3A_857] {strides = array<i32>} : memref<17x16xf32, #tpu.memory_space<vmem>>, vector<16xf32>,
      %mul3A_859 = arith.mulf %mul3A_854, %get3A_858 : vector<16xf32>
      %add3A_860 = arith.addf %add3A_841, %mul3A_859 : vector<16xf32>
      %broadcast_in_dim3A_861 = arith.constant 12 : i32
      %broadcast_in_dim3A_862 = vector.broadcast %broadcast_in_dim3A_861 : i32 to vector<16xi32>
      %mul3A_863 = arith.constant 16 : i32
      %mul3A_864 = vector.broadcast %mul3A_863 : i32 to vector<16xi32>
      %mul3A_865 = arith.muli %add3A_634, %mul3A_864 : vector<16xi32>
      %add3A_866 = arith.addi %mul3A_865, %broadcast_in_dim3A_862 : vector<16xi32>
      %gather3A_867 = tpu.vector_load_idx %arg11[%add3A_866] : memref<8192xf32, #tpu.memory_space<vmem>>[vector<16xi32>], vector<16xf32>,
      %mul3A_868 = arith.constant 16 : i32
      %mul3A_869 = vector.broadcast %mul3A_868 : i32 to vector<16xi32>
      %mul3A_870 = arith.muli %add3A_634, %mul3A_869 : vector<16xi32>
      %add3A_871 = arith.addi %mul3A_870, %broadcast_in_dim3A_862 : vector<16xi32>
      %gather3A_872 = tpu.vector_load_idx %arg12[%add3A_871] : memref<8192xf32, #tpu.memory_space<vmem>>[vector<16xi32>], vector<16xf32>,
      %mul3A_873 = arith.mulf %gather3A_867, %gather3A_872 : vector<16xf32>
      %get3A_874 = arith.constant 12 : i32
      %get3A_875 = arith.index_cast %get3A_874 : i32 to index
      %get3A_876 = arith.constant 0 : index
      %get3A_877 = tpu.vector_load %arg13[%get3A_875, %get3A_876] {strides = array<i32>} : memref<17x16xf32, #tpu.memory_space<vmem>>, vector<16xf32>,
      %mul3A_878 = arith.mulf %mul3A_873, %get3A_877 : vector<16xf32>
      %add3A_879 = arith.addf %add3A_860, %mul3A_878 : vector<16xf32>
      %broadcast_in_dim3A_880 = arith.constant 13 : i32
      %broadcast_in_dim3A_881 = vector.broadcast %broadcast_in_dim3A_880 : i32 to vector<16xi32>
      %mul3A_882 = arith.constant 16 : i32
      %mul3A_883 = vector.broadcast %mul3A_882 : i32 to vector<16xi32>
      %mul3A_884 = arith.muli %add3A_634, %mul3A_883 : vector<16xi32>
      %add3A_885 = arith.addi %mul3A_884, %broadcast_in_dim3A_881 : vector<16xi32>
      %gather3A_886 = tpu.vector_load_idx %arg11[%add3A_885] : memref<8192xf32, #tpu.memory_space<vmem>>[vector<16xi32>], vector<16xf32>,
      %mul3A_887 = arith.constant 16 : i32
      %mul3A_888 = vector.broadcast %mul3A_887 : i32 to vector<16xi32>
      %mul3A_889 = arith.muli %add3A_634, %mul3A_888 : vector<16xi32>
      %add3A_890 = arith.addi %mul3A_889, %broadcast_in_dim3A_881 : vector<16xi32>
      %gather3A_891 = tpu.vector_load_idx %arg12[%add3A_890] : memref<8192xf32, #tpu.memory_space<vmem>>[vector<16xi32>], vector<16xf32>,
      %mul3A_892 = arith.mulf %gather3A_886, %gather3A_891 : vector<16xf32>
      %get3A_893 = arith.constant 13 : i32
      %get3A_894 = arith.index_cast %get3A_893 : i32 to index
      %get3A_895 = arith.constant 0 : index
      %get3A_896 = tpu.vector_load %arg13[%get3A_894, %get3A_895] {strides = array<i32>} : memref<17x16xf32, #tpu.memory_space<vmem>>, vector<16xf32>,
      %mul3A_897 = arith.mulf %mul3A_892, %get3A_896 : vector<16xf32>
      %add3A_898 = arith.addf %add3A_879, %mul3A_897 : vector<16xf32>
      %broadcast_in_dim3A_899 = arith.constant 14 : i32
      %broadcast_in_dim3A_900 = vector.broadcast %broadcast_in_dim3A_899 : i32 to vector<16xi32>
      %mul3A_901 = arith.constant 16 : i32
      %mul3A_902 = vector.broadcast %mul3A_901 : i32 to vector<16xi32>
      %mul3A_903 = arith.muli %add3A_634, %mul3A_902 : vector<16xi32>
      %add3A_904 = arith.addi %mul3A_903, %broadcast_in_dim3A_900 : vector<16xi32>
      %gather3A_905 = tpu.vector_load_idx %arg11[%add3A_904] : memref<8192xf32, #tpu.memory_space<vmem>>[vector<16xi32>], vector<16xf32>,
      %mul3A_906 = arith.constant 16 : i32
      %mul3A_907 = vector.broadcast %mul3A_906 : i32 to vector<16xi32>
      %mul3A_908 = arith.muli %add3A_634, %mul3A_907 : vector<16xi32>
      %add3A_909 = arith.addi %mul3A_908, %broadcast_in_dim3A_900 : vector<16xi32>
      %gather3A_910 = tpu.vector_load_idx %arg12[%add3A_909] : memref<8192xf32, #tpu.memory_space<vmem>>[vector<16xi32>], vector<16xf32>,
      %mul3A_911 = arith.mulf %gather3A_905, %gather3A_910 : vector<16xf32>
      %get3A_912 = arith.constant 14 : i32
      %get3A_913 = arith.index_cast %get3A_912 : i32 to index
      %get3A_914 = arith.constant 0 : index
      %get3A_915 = tpu.vector_load %arg13[%get3A_913, %get3A_914] {strides = array<i32>} : memref<17x16xf32, #tpu.memory_space<vmem>>, vector<16xf32>,
      %mul3A_916 = arith.mulf %mul3A_911, %get3A_915 : vector<16xf32>
      %add3A_917 = arith.addf %add3A_898, %mul3A_916 : vector<16xf32>
      %broadcast_in_dim3A_918 = arith.constant 15 : i32
      %broadcast_in_dim3A_919 = vector.broadcast %broadcast_in_dim3A_918 : i32 to vector<16xi32>
      %mul3A_920 = arith.constant 16 : i32
      %mul3A_921 = vector.broadcast %mul3A_920 : i32 to vector<16xi32>
      %mul3A_922 = arith.muli %add3A_634, %mul3A_921 : vector<16xi32>
      %add3A_923 = arith.addi %mul3A_922, %broadcast_in_dim3A_919 : vector<16xi32>
      %gather3A_924 = tpu.vector_load_idx %arg11[%add3A_923] : memref<8192xf32, #tpu.memory_space<vmem>>[vector<16xi32>], vector<16xf32>,
      %mul3A_925 = arith.constant 16 : i32
      %mul3A_926 = vector.broadcast %mul3A_925 : i32 to vector<16xi32>
      %mul3A_927 = arith.muli %add3A_634, %mul3A_926 : vector<16xi32>
      %add3A_928 = arith.addi %mul3A_927, %broadcast_in_dim3A_919 : vector<16xi32>
      %gather3A_929 = tpu.vector_load_idx %arg12[%add3A_928] : memref<8192xf32, #tpu.memory_space<vmem>>[vector<16xi32>], vector<16xf32>,
      %mul3A_930 = arith.mulf %gather3A_924, %gather3A_929 : vector<16xf32>
      %get3A_931 = arith.constant 15 : i32
      %get3A_932 = arith.index_cast %get3A_931 : i32 to index
      %get3A_933 = arith.constant 0 : index
      %get3A_934 = tpu.vector_load %arg13[%get3A_932, %get3A_933] {strides = array<i32>} : memref<17x16xf32, #tpu.memory_space<vmem>>, vector<16xf32>,
      %mul3A_935 = arith.mulf %mul3A_930, %get3A_934 : vector<16xf32>
      %add3A_936 = arith.addf %add3A_917, %mul3A_935 : vector<16xf32>
      %neg3A = arith.constant 0.000000e+00 : f32
      %neg3A_937 = vector.broadcast %neg3A : f32 to vector<16xf32>
      %neg3A_938 = arith.subf %neg3A_937, %add3A_936 : vector<16xf32>
      %exp3A = math.exp %neg3A_938 : vector<16xf32>
      %add3A_939 = arith.constant 1.000000e+00 : f32
      %add3A_940 = vector.broadcast %add3A_939 : f32 to vector<16xf32>
      %add3A_941 = arith.addf %add3A_940, %exp3A : vector<16xf32>
      %div3A = arith.constant 1.000000e+00 : f32
      %div3A_942 = vector.broadcast %div3A : f32 to vector<16xf32>
      %div3A_943 = arith.divf %div3A_942, %add3A_941 : vector<16xf32>
      %mul3A_944 = arith.constant 16 : i32
      %mul3A_945 = arith.muli %scan3A_630, %mul3A_944 : i32
      %swap3A = arith.index_cast %mul3A_945 : i32 to index
      %swap3A_946 = tpu.vector_load %arg14[%swap3A] {strides = array<i32>} : memref<512xf32, #tpu.memory_space<vmem>>, vector<16xf32>,
      tpu.vector_store %arg14[%swap3A], %div3A_943 {strides = array<i32>} : memref<512xf32, #tpu.memory_space<vmem>>, vector<16xf32>,
    }
    %scan3A_629 = arith.constant 32 : i32
    "tpu.region"() ({
      %run_scoped3A = tpu.sem_alloc : memref<!tpu.dma_semaphore, #tpu.memory_space<semaphore_mem>>
      %dma_start3A_630 = tpu.memref_slice %arg7[%mul3A_2] : memref<16384xf32, #tpu.memory_space<hbm>> -> memref<512xf32, #tpu.memory_space<hbm>>
      %dma_start3A_631 = tpu.memref_slice %arg7[%mul3A_2] : memref<16384xf32, #tpu.memory_space<hbm>> -> memref<512xf32, #tpu.memory_space<hbm>>
      tpu.enqueue_dma source(%arg14 : memref<512xf32, #tpu.memory_space<vmem>>) target(%dma_start3A_631 : memref<512xf32, #tpu.memory_space<hbm>>) target_semaphore(%run_scoped3A : memref<!tpu.dma_semaphore, #tpu.memory_space<semaphore_mem>>)
      %dma_wait3A = tpu.memref_slice %arg7[%mul3A_2] : memref<16384xf32, #tpu.memory_space<hbm>> -> memref<512xf32, #tpu.memory_space<hbm>>
      %dma_wait3A_632 = tpu.memref_slice %arg7[%mul3A_2] : memref<16384xf32, #tpu.memory_space<hbm>> -> memref<512xf32, #tpu.memory_space<hbm>>
      tpu.wait_dma2 semaphore(%run_scoped3A : memref<!tpu.dma_semaphore, #tpu.memory_space<semaphore_mem>>) src(%arg14 : memref<512xf32, #tpu.memory_space<vmem>>) dst(%dma_wait3A_632 : memref<512xf32, #tpu.memory_space<hbm>>)
      tpu.yield
    }) : () -> ()
    return
  }
}

</mosaic_0001>

<sc_bundles>
// kernel: kernel.3.cloned.1.call-start
scs
__scs_entry_jumppad:
0x0: {  	(pc) =	sbr.rel $0x88, $3  }
0x1: {  	(tag) =	ssettag $0x0;
	lr =	simm.s32 $0x1  }
0x2: {  	[smem:$0x3F9B] =	sst lr;
	_ =	strace $0xD0000000  }
0x3: {  	_ = 	snop  }
0x4: {  	_ = 	snop  }
0x5: {  	_ = 	snop  }
0x6: {  	_ = 	snop  }
0x7: {  	_ = 	snop  }
__scs_overlays_trampoline_lowered:
0x8: {  	[smem:$0x3FAA] =	sst s0  }
0x9: {  	[smem:$0x3FAB] =	sst s1  }
0xa: {  	[smem:$0x3FAC] =	sst s2  }
0xb: {  	[smem:$0x3FAD] =	sst s3  }
0xc: {  	[smem:$0x3FAE] =	sst s4  }
0xd: {  	[smem:$0x3FAF] =	sst s5  }
0xe: {  	[smem:$0x3FB0] =	sst s6  }
0xf: {  	[smem:$0x3FB1] =	sst s7  }
0x10: {  	[smem:$0x3FB2] =	sst s8  }
0x11: {  	[smem:$0x3FB3] =	sst s9;
	s0 =	simm.s32 @!p0 $0x0  }
0x12: {  	s1 =	sld [smem:$0x3F99];
	s0 =	simm.s32 @p0 $0x1  }
0x13: {  	[smem:$0x3FB4] =	sst s0;
	s0 =	simm.s32 @!p1 $0x0  }
0x14: {  	s2 =	sld [smem:$0x3F98];
	s0 =	simm.s32 @p1 $0x1  }
0x15: {  	[smem:$0x3FB5] =	sst s0;
	s0 =	simm.s32 @!p2 $0x0  }
0x16: {  	s3 =	sld [smem:$0x3FDB];
	s0 =	simm.s32 @p2 $0x1  }
0x17: {  	s4 =	simm.s32 $0x1BF5;
	[smem:$0x3FB7] =	sst s0  }
0x18: {  	s0 =	sld [smem:$0x3F9A];
	_ =	swait.ge [sflag:s4], $0x0  }
0x19: {  	s7 =	sld [smem:$0x3F9B]  }
0x1a: {  	s8 =	sadd.s32 $0xFFFFE003, lr  }
0x1b: {  	s9 =	sadd.s32 $0xFFFFFEF7, lr;
	s5 =	simm.s32 $0xFFFFFFFF;
	p2 =	slt.u32 s8, $0xFFFFF086  }
0x1c: {  	p1 =	slt.u32 s9, $0xF7A;
	s5 =	simm.s32 @!p2 $0x0  }
0x1d: {  	s5 =	simm.s32 @p1 $0x1;
	p0 =	seq.s32 s7, s2  }
0x1e: {  	s7 =	smul.u32 @!p0 $0xF7A, s2;
	p2 =	seq.s32 @!p0 s5, $0x0  }
0x1f: {  	s9 =	smul.u32 $0xF7A, s1;
	s8 =	simm.s32 @!p0 $0x1BF5;
	p2 =	por !p2, p0  }
0x20: {  	[sflag:s8] =	ssyncset.s32 @!p0 $0xFFFFF086;
	s6 =	sadd.s32 @!p0 s3, s7;
	s7 =	simm.s32 @!p0 $0x108  }
0x21: {  	s3 =	sadd.s32 s3, s9;
	s6 =	sadd.s32 @!p0 $0x88, s6;
	s7 =	simm.s32 @p2 $0x1082  }
0x22: {  	[simem:s7], [sflag:s8] =	dma.local @!p0 [hbm:s6], $0xF7A  }
0x23: {  	s9 =	sor.u32 $0xD0000000, s2;
	s6 =	simm.s32 $0x108;
	_ =	swait.ge @!p0 [sflag:s8], $0x0  }
0x24: {  	s3 =	sadd.s32 $0x88, s3;
	s6 =	simm.s32 @!p1 $0x1082;
	[sflag:s4] =	ssyncset.s32 $0xFFFFF086  }
0x25: {  	[simem:s6], [sflag:s4] =	dma.local [hbm:s3], $0xF7A  }
0x26: {  	[smem:$0x3F9B] =	sst s1;
	(tag) =	ssettag s2;
	_ =	strace s9  }
0x27: {  	s1 =	sld [smem:$0x3FAB]  }
0x28: {  	s2 =	sld [smem:$0x3FAC]  }
0x29: {  	s4 =	sld [smem:$0x3FAE]  }
0x2a: {  	p0 =	seq.s32 s5, $0x0;
	s5 =	sld [smem:$0x3FAF]  }
0x2b: {  	s6 =	sld [smem:$0x3FB0]  }
0x2c: {  	s7 =	sld [smem:$0x3FB1]  }
0x2d: {  	s3 =	simm.s32 $0x108;
	s8 =	sld [smem:$0x3FB2]  }
0x2e: {  	s3 =	simm.s32 @!p0 $0x1082;
	s9 =	sld [smem:$0x3FB3]  }
0x2f: {  	lr =	sadd.s32 s0, s3;
	s0 =	sld [smem:$0x3FAA]  }
0x30: {  	s3 =	sld [smem:$0x3FAD]  }
0x31: {  	[smem:$0x3FB6] =	sst s10  }
0x32: {  	s10 =	sld [smem:$0x3FB4];
	_ =	sdelay $0x3  }
0x33: {  	p0 =	seq.s32 s10, $0x1;
	s10 =	sld [smem:$0x3FB6];
	_ =	sdelay $0x3  }
0x34: {  	[smem:$0x3FB6] =	sst s10  }
0x35: {  	s10 =	sld [smem:$0x3FB5];
	_ =	sdelay $0x3  }
0x36: {  	p1 =	seq.s32 s10, $0x1;
	s10 =	sld [smem:$0x3FB6];
	_ =	sdelay $0x3  }
0x37: {  	[smem:$0x3FB6] =	sst s10  }
0x38: {  	s10 =	sld [smem:$0x3FB7]  }
0x39: {  	_ = 	snop;
	(pc) =	sbr.ind lr, $3  }
0x3a: {  	_ = 	snop  }
0x3b: {  	_ = 	snop  }
0x3c: {  	p2 =	seq.s32 s10, $0x1;
	s10 =	sld [smem:$0x3FB6]  }
0x3d: {  	_ =	shalt  }
0x3e: {  	_ =	shalt  }
0x3f: {  	_ =	shalt  }
0x40: {  	_ =	shalt  }
0x41: {  	_ =	shalt  }
0x42: {  	_ =	shalt  }
0x43: {  	_ =	shalt  }
0x44: {  	_ =	shalt  }
0x45: {  	_ =	shalt  }
0x46: {  	_ =	shalt  }
0x47: {  	_ =	shalt  }
0x48: {  	_ =	shalt  }
0x49: {  	_ =	shalt  }
0x4a: {  	_ =	shalt  }
0x4b: {  	_ =	shalt  }
0x4c: {  	_ =	shalt  }
0x4d: {  	_ =	shalt  }
0x4e: {  	_ =	shalt  }
0x4f: {  	_ =	shalt  }
0x50: {  	_ =	shalt  }
0x51: {  	_ =	shalt  }
0x52: {  	_ =	shalt  }
0x53: {  	_ =	shalt  }
0x54: {  	_ =	shalt  }
0x55: {  	_ =	shalt  }
0x56: {  	_ =	shalt  }
0x57: {  	_ =	shalt  }
0x58: {  	_ =	shalt  }
0x59: {  	_ =	shalt  }
0x5a: {  	_ =	shalt  }
0x5b: {  	_ =	shalt  }
0x5c: {  	_ =	shalt  }
0x5d: {  	_ =	shalt  }
0x5e: {  	_ =	shalt  }
0x5f: {  	_ =	shalt  }
0x60: {  	_ =	shalt  }
0x61: {  	_ =	shalt  }
0x62: {  	_ =	shalt  }
0x63: {  	_ =	shalt  }
0x64: {  	_ =	shalt  }
0x65: {  	_ =	shalt  }
0x66: {  	_ =	shalt  }
0x67: {  	_ =	shalt  }
0x68: {  	_ =	shalt  }
0x69: {  	_ =	shalt  }
0x6a: {  	_ =	shalt  }
0x6b: {  	_ =	shalt  }
0x6c: {  	_ =	shalt  }
0x6d: {  	_ =	shalt  }
0x6e: {  	_ =	shalt  }
0x6f: {  	_ =	shalt  }
0x70: {  	_ =	shalt  }
0x71: {  	_ =	shalt  }
0x72: {  	_ =	shalt  }
0x73: {  	_ =	shalt  }
0x74: {  	_ =	shalt  }
0x75: {  	_ =	shalt  }
0x76: {  	_ =	shalt  }
0x77: {  	_ =	shalt  }
0x78: {  	_ =	shalt  }
0x79: {  	_ =	shalt  }
0x7a: {  	_ =	shalt  }
0x7b: {  	_ =	shalt  }
0x7c: {  	_ =	shalt  }
0x7d: {  	_ =	shalt  }
0x7e: {  	_ =	shalt  }
0x7f: {  	_ =	shalt  }
0x80: {  	_ =	shalt  }
0x81: {  	_ =	shalt  }
0x82: {  	_ =	shalt  }
0x83: {  	_ =	shalt  }
0x84: {  	_ =	shalt  }
0x85: {  	_ =	shalt  }
0x86: {  	_ =	shalt  }
0x87: {  	_ =	shalt  }
.Lfunc_end0:
.L_simem_size_0:
called_computation_lowered:
.L_overlay_start_0:
0x88: {  	s2 =	sld [smem:$0x3FD9]  }
0x89: {  	s3 =	sld [smem:$0x3FFE];
	_ =	sdelay $0x1  }
0x8a: {  	s1 =	srdreg.scid  }
0x8b: {  	s0 =	sand.u32 $0x1, s1  }
0x8c: {  	s17 =	sshll.u32 s0, $0xA;
	s2 =	sadd.s32 s3, s2  }
0x8d: {  	s2 =	sadd.s32 s2, s17  }
0x8e: {  	[smem:$0x3FC2] =	sst s2  }
0x8f: {  	_ = 	snop  }
0x90: {  	s2 =	sld [smem:$0x3FC9]  }
0x91: {  	s18 =	sld [smem:$0x3FC8]  }
0x92: {  	s4 =	sld [smem:$0x3FC7]  }
0x93: {  	s5 =	sld [smem:$0x3FC6]  }
0x94: {  	s6 =	sld [smem:$0x3FD0];
	(tm) =	ssettm $0x1  }
0x95: {  	s7 =	sld [smem:$0x3FFB];
	_ =	sdelay $0x3  }
0x96: {  	_ =	strace s7  }
0x97: {  	s7 =	sld [smem:$0x3FFC];
	_ =	sdelay $0x3  }
0x98: {  	_ =	strace s7  }
0x99: {  	s7 =	sld [smem:$0x3FFD];
	_ =	sdelay $0x3  }
0x9a: {  	_ =	strace s7  }
0x9b: {  	_ =	strace $0x8FFFFFFF  }
0x9c: {  	s19 =	sld [smem:$0x3FDB];
	_ =	sdelay $0x1  }
0x9d: {  	s8 =	simm.s32 $_scs_section_size  }
0x9e: {  	s9 =	simm.s32 $_size__tile_overlayer_lowered;
	s10 =	simm.s32 $_tile_overlayer_lowered  }
0x9f: {  	s22 =	simm.s32 $0x1BFF;
	s21 =	sshll.u32 s10, $0x1;
	s7 =	sadd.s32 s8, s19  }
0xa0: {  	s11 =	simm.s32 $0x0;
	s20 =	sshll.u32 s9, $0x1;
	s9 =	sadd.s32 s21, s7  }
0xa1: {  	[timem:s11], [sflag:s22] =	dma.local [hbm:s9], s20  }
0xa2: {  	_ =	swait.ge [sflag:s22], s20  }
0xa3: {  	s8 =	ssub.s32 $0x0, s20;
	[sflag:s22] =	ssyncset.done $0x0  }
0xa4: {  	[sflag:s22] =	ssyncadd.s32 s8;
	_ =	sdelay $0x1  }
0xa5: {  	s23 =	simm.s32 $0x1B8B  }
0xa6: {  	_ =	swait.ge [sflag:s23], $0x1  }
0xa7: {  	[sflag:s23] =	ssyncset.done $0x0  }
0xa8: {  	s25 =	simm.s32 $0x1B8E;
	s24 =	sld [smem:$0x3FFE];
	[sflag:s23] =	ssyncadd.s32 $0xFFFFFFFF  }
0xa9: {  	s26 =	simm.s32 $execute0_lowered;
	[smem:$0x3FD2] =	sst s25  }
0xaa: {  	s9 =	sshll.u32 s26, $0x1;
	_ =	strace $0x80000046;
	[dreg:$0x1] =	wrdreg $0xFFFFFFFF  }
0xab: {  	s28 =	simm.s32 $_size_execute0_lowered;
	s7 =	sadd.s32 s7, s9;
	[dreg:$0x0] =	wrdreg $0x0  }
0xac: {  	s9 =	sshll.u32 s28, $0x1;
	[dreg:$0x2] =	wrdreg s7  }
0xad: {  	[dreg:$0x3] =	wrdreg s9  }
0xae: {  	[dreg:$0x4] =	wrdreg $0xC0  }
0xaf: {  	_ =	task [dreg:s11], $0x5FFFF  }
0xb0: {  	[dreg:$0x1] =	wrdreg $0xFFFFFFFF  }
0xb1: {  	[dreg:$0x0] =	wrdreg $0x60  }
0xb2: {  	[dreg:$0x2] =	wrdreg s2  }
0xb3: {  	[dreg:$0x3] =	wrdreg s18  }
0xb4: {  	[dreg:$0x4] =	wrdreg s4  }
0xb5: {  	[dreg:$0x5] =	wrdreg s5  }
0xb6: {  	[dreg:$0x6] =	wrdreg s24  }
0xb7: {  	[dreg:$0x7] =	wrdreg s6  }
0xb8: {  	[dreg:$0x8] =	wrdreg $0x9  }
0xb9: {  	_ =	task.clear_ibuf [dreg:s11], $0x9FFFF;
	_ =	strace $0x90000046  }
0xba: {  	s29 =	simm.s32 $0x9;
	_ =	strace $0x80000048  }
0xbb: {  	_ =	swait.ge [sflag:s29], $0x1  }
0xbc: {  	[sflag:s29] =	ssyncadd.s32 $0xFFFFFFFF  }
0xbd: {  	_ =	strace $0x90000048  }
0xbe: {  	_ =	sfence  }
0xbf: {  	s30 =	sld [smem:$0x0];
	_ =	sdelay $0x2  }
0xc0: {  	s31 =	sshll.u32 s1, $0xD;
	s1 =	sshrl.u32 s1, $0x2  }
0xc1: {  	s3 =	sand.u32 $0x4000, s31;
	s1 =	sadd.s32 s1, s30  }
0xc2: {  	s0 =	sor.u32 s3, s0;
	s1 =	sshll.u32 s1, $0x11  }
0xc3: {  	s0 =	sor.u32 s1, s0  }
0xc4: {  	s0 =	sadd.s32 $0x8F2B, s0  }
0xc5: {  	[sflag:s0] =	ssyncadd.remote.s32 $0x1  }
0xc6: {  	_ =	sfence.sel $0xFFFF  }
0xc7: {  	[dreg:$0x0] =	wrdreg $0xFFFFFFFF;
	(pc) =	sbr.abs _section_cstart, $3  }
0xc8: {  	[dreg:$0x1] =	wrdreg $0xFFFFFFFF  }
0xc9: {  	_ =	task.clear_ibuf [dreg:s11], $0x2FFFF;
	_ =	strace $0x9FFFFFFF  }
0xca: {  	(tm) =	ssettm $0x7FFFFFFF  }
0xcb: {  	_ =	shalt  }
tec
execute0_lowered:
.L_overlay_start_1:
0x0: {  	(tag) =	ssettag $0x1  }
0x1: {  	s0 =	rddreg [dreg:$0x0]  }
0x2: {  	s3 =	rddreg [dreg:$0x1]  }
0x3: {  	s1 =	rddreg [dreg:$0x2]  }
0x4: {  	s2 =	rddreg [dreg:$0x3]  }
0x5: {  	s5 =	rddreg [dreg:$0x4]  }
0x6: {  	s8 =	rddreg [dreg:$0x5];
	s4 =	simm.s32 $0x0;
	s6 =	srdreg.scid  }
0x7: {  	s9 =	stileid.u32;
	s13 =	simm.s32 $0x7A1400;
	s14 =	simm.s32 $0x400  }
0x8: {  	s20 =	simm.s32 $0x3400;
	s21 =	simm.s32 $0x3C00;
	s22 =	simm.s32 $0x4400  }
0x9: {  	s23 =	simm.s32 $0x4C00;
	s24 =	simm.s32 $0x5400;
	s25 =	simm.s32 $0x5C00  }
0xa: {  	v1 =	vlaneseq.u32;
	s26 =	simm.s32 $0x6400;
	s28 =	simm.s32 $0x6C00;
	s29 =	simm.s32 $0x7400  }
0xb: {  	s30 =	simm.s32 $0x7C00;
	s31 =	simm.s32 $0x1;
	s12 =	simm.s32 $0x0;
	v0 =	vmul.u32 $0x800, v1  }
0xc: {  	[smem:$0x7FF] =	sst s4;
	s6 =	sand.u32 $0x1, s6;
	s9 =	sshll.u32 s9, $0x7;
	v1 =	vmul.u32 $0x10, v1  }
0xd: {  	s5 =	sadd.s32 $0x400, s5;
	s7 =	ssub.s32 $0x2, s6;
	s6 =	sshll.u32 s6, $0x6;
	v2 =	vor.u32 $0x80, v0;
	v3 =	vor.u32 $0x100, v0;
	v4 =	vor.u32 $0x180, v0  }
0xe: {  	_ =	strace $0x80000047;
	s10 =	sshrl.u32 s7, $0x1;
	s9 =	sor.u32 s6, s9;
	v5 =	vor.u32 $0x200, v0;
	v6 =	vor.u32 $0x280, v0;
	v7 =	vor.u32 $0x300, v0  }
0xf: {  	[dreg:$0x7] =	wrdreg s5;
	v8 =	vor.u32 $0x380, v0;
	v9 =	vor.u32 $0x400, v0;
	v10 =	vor.u32 $0x480, v0;
	s10 =	ssub.s32 s7, s10;
	s6 =	sadd.s32 s0, s9  }
0x10: {  	v11 =	vor.u32 $0x500, v0;
	v12 =	vor.u32 $0x580, v0;
	v13 =	vor.u32 $0x600, v0;
	s7 =	sadd.s32 s3, s9;
	s8 =	sadd.s32 s8, s9;
	s0 =	simm.s32 $0x10400  }
0x11: {  	v14 =	vor.u32 $0x680, v0;
	v15 =	vor.u32 $0x700, v0;
	v16 =	vor.u32 $0x780, v0;
	s3 =	simm.s32 $0x12400;
	s9 =	smax.u32 s10, $0x1;
	s10 =	simm.s32 $0x2  }
.LBB2_1:
0x12: {  	[tilespmem:s4], [sflag:$0x2] =	stream.linear.gather [hbm4b:s6+s4], $0x200, $0x38;
	[tilespmem:$0x15200] =	vst v63  }
0x13: {  	_ =	swait.ge [sflag:s10], $0x200  }
0x14: {  	[sflag:s10] =	ssyncset.done $0x0  }
0x15: {  	s5 =	simm.s32 $0x200;
	[sflag:s10] =	ssyncadd.s32 $0xFFFFFE00  }
0x16: {  	[tilespmem:s5], [sflag:$0x2] =	stream.linear.gather [hbm4b:s7+s4], $0x200, $0x38;
	[tilespmem:$0x15200] =	vst v63  }
0x17: {  	_ =	swait.ge [sflag:s10], $0x200  }
0x18: {  	[sflag:s10] =	ssyncset.done $0x0  }
0x19: {  	s11 =	simm.s32 $0x14400;
	s18 =	rddreg [dreg:$0x7];
	[sflag:s10] =	ssyncadd.s32 $0xFFFFFE00  }
0x1a: {  	[tilespmem:s11], [sflag:$0x2] =	stream.linear.gather [hbm4b:s18+s4], $0x880, $0x38;
	[tilespmem:$0x15200] =	vst v63  }
0x1b: {  	_ =	swait.ge [sflag:s10], $0x880  }
0x1c: {  	[sflag:s10] =	ssyncset.done $0x0  }
0x1d: {  	[sflag:s10] =	ssyncadd.s32 $0xFFFFF780  }
0x1e: {  	v17 =	vld [tilespmem:$0x0];
	_ =	sdelay $0x4  }
0x1f: {  	(v2sf) =	vpush v17, $0x0  }
0x20: {  	(v2sf) =	vpush v17, $0x1;
	_ =	sdelay $0x5  }
0x21: {  	(v2sf) =	vpush v17, $0x2;
	_ =	sdelay $0x1  }
0x22: {  	(v2sf) =	vpush v17, $0x3;
	_ =	sdelay $0x5  }
0x23: {  	s19 =	spop (v2sf);
	(v2sf) =	vpush v17, $0x4  }
0x24: {  	s5 =	spop (v2sf);
	(v2sf) =	vpush v17, $0x5;
	_ =	sdelay $0x4  }
0x25: {  	s11 =	sand.u32 $0xFFFFF80, s19  }
0x26: {  	s11 =	sadd.s32 s1, s11;
	s16 =	spop (v2sf);
	(v2sf) =	vpush v17, $0x6  }
0x27: {  	[tilespmem:s14], [sflag:$0x1] =	stream.strided.gather [hbm4b:s11+s14], $0x800, s13, s14, $0x38;
	[tilespmem:$0x15200] =	vst v63  }
0x28: {  	s11 =	sand.u32 $0xFFFFF80, s5;
	s18 =	spop (v2sf);
	(v2sf) =	vpush v17, $0x7  }
0x29: {  	s15 =	simm.s32 $0xC00;
	s11 =	sadd.s32 s1, s11  }
0x2a: {  	[tilespmem:s15], [sflag:$0x1] =	stream.strided.gather [hbm4b:s11+s14], $0x800, s13, s14, $0x38;
	[tilespmem:$0x15200] =	vst v63  }
0x2b: {  	s11 =	sand.u32 $0xFFFFF80, s16  }
0x2c: {  	s17 =	simm.s32 $0x1400;
	s11 =	sadd.s32 s1, s11  }
0x2d: {  	[tilespmem:s17], [sflag:$0x1] =	stream.strided.gather [hbm4b:s11+s14], $0x800, s13, s14, $0x38;
	[tilespmem:$0x15200] =	vst v63  }
0x2e: {  	s11 =	sand.u32 $0xFFFFF80, s18;
	s5 =	spop (v2sf);
	(v2sf) =	vpush v17, $0x8  }
0x2f: {  	s19 =	simm.s32 $0x1C00;
	s11 =	sadd.s32 s1, s11;
	s16 =	spop (v2sf);
	(v2sf) =	vpush v17, $0x9  }
0x30: {  	[tilespmem:s19], [sflag:$0x1] =	stream.strided.gather [hbm4b:s11+s14], $0x800, s13, s14, $0x38;
	[tilespmem:$0x15200] =	vst v63  }
0x31: {  	s11 =	sand.u32 $0xFFFFF80, s5  }
0x32: {  	s15 =	simm.s32 $0x2400;
	s11 =	sadd.s32 s1, s11  }
0x33: {  	[tilespmem:s15], [sflag:$0x1] =	stream.strided.gather [hbm4b:s11+s14], $0x800, s13, s14, $0x38;
	[tilespmem:$0x15200] =	vst v63  }
0x34: {  	(v2sf) =	vpush v17, $0xA;
	s11 =	sand.u32 $0xFFFFF80, s16  }
0x35: {  	s17 =	simm.s32 $0x2C00;
	s18 =	spop (v2sf);
	s11 =	sadd.s32 s1, s11  }
0x36: {  	(v2sf) =	vpush v17, $0xB;
	[tilespmem:s17], [sflag:$0x1] =	stream.strided.gather [hbm4b:s11+s14], $0x800, s13, s14, $0x38;
	[tilespmem:$0x15200] =	vst v63  }
0x37: {  	s19 =	spop (v2sf);
	(v2sf) =	vpush v17, $0xC;
	s11 =	sand.u32 $0xFFFFF80, s18  }
0x38: {  	s11 =	sadd.s32 s1, s11  }
0x39: {  	[tilespmem:s20], [sflag:$0x1] =	stream.strided.gather [hbm4b:s11+s14], $0x800, s13, s14, $0x38;
	[tilespmem:$0x15200] =	vst v63  }
0x3a: {  	s11 =	sand.u32 $0xFFFFF80, s19  }
0x3b: {  	s11 =	sadd.s32 s1, s11  }
0x3c: {  	[tilespmem:s21], [sflag:$0x1] =	stream.strided.gather [hbm4b:s11+s14], $0x800, s13, s14, $0x38;
	[tilespmem:$0x15200] =	vst v63  }
0x3d: {  	s5 =	spop (v2sf);
	(v2sf) =	vpush v17, $0xD  }
0x3e: {  	s15 =	spop (v2sf);
	(v2sf) =	vpush v17, $0xE  }
0x3f: {  	s11 =	sand.u32 $0xFFFFF80, s5  }
0x40: {  	s11 =	sadd.s32 s1, s11  }
0x41: {  	[tilespmem:s22], [sflag:$0x1] =	stream.strided.gather [hbm4b:s11+s14], $0x800, s13, s14, $0x38;
	[tilespmem:$0x15200] =	vst v63  }
0x42: {  	s11 =	sand.u32 $0xFFFFF80, s15  }
0x43: {  	s16 =	spop (v2sf);
	(v2sf) =	vpush v17, $0xF;
	s11 =	sadd.s32 s1, s11  }
0x44: {  	[tilespmem:s23], [sflag:$0x1] =	stream.strided.gather [hbm4b:s11+s14], $0x800, s13, s14, $0x38;
	[tilespmem:$0x15200] =	vst v63  }
0x45: {  	s15 =	spop (v2sf);
	s11 =	sand.u32 $0xFFFFF80, s16  }
0x46: {  	s17 =	sand.u32 $0xFFFFF80, s15;
	s18 =	spop (v2sf);
	s11 =	sadd.s32 s1, s11  }
0x47: {  	[tilespmem:s24], [sflag:$0x1] =	stream.strided.gather [hbm4b:s11+s14], $0x800, s13, s14, $0x38;
	[tilespmem:$0x15200] =	vst v63  }
0x48: {  	s19 =	sand.u32 $0xFFFFF80, s18;
	s11 =	sadd.s32 s1, s17  }
0x49: {  	[tilespmem:s25], [sflag:$0x1] =	stream.strided.gather [hbm4b:s11+s14], $0x800, s13, s14, $0x38;
	[tilespmem:$0x15200] =	vst v63  }
0x4a: {  	s11 =	sadd.s32 s1, s19  }
0x4b: {  	[tilespmem:s26], [sflag:$0x1] =	stream.strided.gather [hbm4b:s11+s14], $0x800, s13, s14, $0x38;
	[tilespmem:$0x15200] =	vst v63  }
0x4c: {  	s5 =	spop (v2sf)  }
0x4d: {  	s16 =	sand.u32 $0xFFFFF80, s5;
	s17 =	spop (v2sf)  }
0x4e: {  	s11 =	sadd.s32 s1, s16;
	s18 =	sand.u32 $0xFFFFF80, s17  }
0x4f: {  	[tilespmem:s28], [sflag:$0x1] =	stream.strided.gather [hbm4b:s11+s14], $0x800, s13, s14, $0x38;
	[tilespmem:$0x15200] =	vst v63  }
0x50: {  	s11 =	sadd.s32 s1, s18  }
0x51: {  	[tilespmem:s29], [sflag:$0x1] =	stream.strided.gather [hbm4b:s11+s14], $0x800, s13, s14, $0x38;
	[tilespmem:$0x15200] =	vst v63  }
.Ltmp0:
0x52: {  	s19 =	spop (v2sf);
	(pc) =	sbr.rel .LBB2_2-.Ltmp0, $4  }
0x53: {  	s11 =	sand.u32 $0xFFFFF80, s19  }
0x54: {  	s11 =	sadd.s32 s1, s11  }
0x55: {  	[tilespmem:s30], [sflag:$0x1] =	stream.strided.gather [hbm4b:s11+s14], $0x800, s13, s14, $0x38;
	[tilespmem:$0x15200] =	vst v63  }
0x56: {  	s15 =	simm.s32 $0x0;
	s16 =	simm.s32 $0x0;
	s11 =	simm.s32 $0x10  }
.LBB2_4:
0x57: {  	_ =	swait.ge [sflag:s31], $0x800  }
0x58: {  	[sflag:s31] =	ssyncset.done $0x0  }
0x59: {  	[sflag:s31] =	ssyncadd.s32 $0xFFFFF800  }
0x5a: {  	_ =	swait.ge [sflag:s31], $0x800  }
0x5b: {  	[sflag:s31] =	ssyncset.done $0x0  }
0x5c: {  	[sflag:s31] =	ssyncadd.s32 $0xFFFFF800  }
0x5d: {  	_ =	swait.ge [sflag:s31], $0x800  }
0x5e: {  	[sflag:s31] =	ssyncset.done $0x0  }
0x5f: {  	[sflag:s31] =	ssyncadd.s32 $0xFFFFF800  }
0x60: {  	_ =	swait.ge [sflag:s31], $0x800  }
0x61: {  	[sflag:s31] =	ssyncset.done $0x0  }
0x62: {  	[sflag:s31] =	ssyncadd.s32 $0xFFFFF800  }
0x63: {  	_ =	swait.ge [sflag:s31], $0x800  }
0x64: {  	[sflag:s31] =	ssyncset.done $0x0  }
0x65: {  	[sflag:s31] =	ssyncadd.s32 $0xFFFFF800  }
0x66: {  	_ =	swait.ge [sflag:s31], $0x800  }
0x67: {  	[sflag:s31] =	ssyncset.done $0x0  }
0x68: {  	[sflag:s31] =	ssyncadd.s32 $0xFFFFF800  }
0x69: {  	_ =	swait.ge [sflag:s31], $0x800  }
0x6a: {  	[sflag:s31] =	ssyncset.done $0x0  }
0x6b: {  	[sflag:s31] =	ssyncadd.s32 $0xFFFFF800  }
0x6c: {  	_ =	swait.ge [sflag:s31], $0x800  }
0x6d: {  	[sflag:s31] =	ssyncset.done $0x0  }
0x6e: {  	[sflag:s31] =	ssyncadd.s32 $0xFFFFF800  }
0x6f: {  	_ =	swait.ge [sflag:s31], $0x800  }
0x70: {  	[sflag:s31] =	ssyncset.done $0x0  }
0x71: {  	[sflag:s31] =	ssyncadd.s32 $0xFFFFF800  }
0x72: {  	_ =	swait.ge [sflag:s31], $0x800  }
0x73: {  	[sflag:s31] =	ssyncset.done $0x0  }
0x74: {  	[sflag:s31] =	ssyncadd.s32 $0xFFFFF800  }
0x75: {  	_ =	swait.ge [sflag:s31], $0x800  }
0x76: {  	[sflag:s31] =	ssyncset.done $0x0  }
0x77: {  	[sflag:s31] =	ssyncadd.s32 $0xFFFFF800  }
0x78: {  	_ =	swait.ge [sflag:s31], $0x800  }
0x79: {  	[sflag:s31] =	ssyncset.done $0x0  }
0x7a: {  	[sflag:s31] =	ssyncadd.s32 $0xFFFFF800  }
0x7b: {  	_ =	swait.ge [sflag:s31], $0x800  }
0x7c: {  	[sflag:s31] =	ssyncset.done $0x0  }
0x7d: {  	[sflag:s31] =	ssyncadd.s32 $0xFFFFF800  }
0x7e: {  	_ =	swait.ge [sflag:s31], $0x800  }
0x7f: {  	[sflag:s31] =	ssyncset.done $0x0  }
0x80: {  	[sflag:s31] =	ssyncadd.s32 $0xFFFFF800  }
0x81: {  	_ =	swait.ge [sflag:s31], $0x800  }
0x82: {  	[sflag:s31] =	ssyncset.done $0x0  }
0x83: {  	[sflag:s31] =	ssyncadd.s32 $0xFFFFF800  }
0x84: {  	_ =	swait.ge [sflag:s31], $0x800  }
0x85: {  	[sflag:s31] =	ssyncset.done $0x0  }
0x86: {  	[sflag:s31] =	ssyncadd.s32 $0xFFFFF800  }
0x87: {  	v17 =	vld [tilespmem:s11+$0xFFFFFFF0];
	_ =	sdelay $0x4  }
0x88: {  	s5 =	sshll.u32 s17, $0xF;
	v17 =	vand.u32 $0x7F, v17  }
0x89: {  	v17 =	vor.u32 s5, v17  }
0x8a: {  	v18 =	vor.u32 v0, v17;
	_ =	sdelay $0x2  }
0x8b: {  	v19 =	vmov s15  }
0x8c: {  	v19 =	vshll.u32 v19, $0x4  }
0x8d: {  	v19 =	vor.u32 v1, v19;
	v18 =	vld.idx.msk [tilespmem:v18+s14+$0x0], $0xffff  }
0x8e: {  	v20 =	vor.u32 v2, v17;
	_ =	sdelay $0x3  }
0x8f: {  	[tilespmem:v19+s0+$0x0] =	vst.idx.msk $0xffff, v18  }
0x90: {  	v38 =	vor.u32 $0x1, v19;
	v18 =	vld.idx.msk [tilespmem:v20+s14+$0x0], $0xffff  }
0x91: {  	v21 =	vor.u32 v3, v17;
	_ =	sdelay $0x3  }
0x92: {  	[tilespmem:v38+s0+$0x0] =	vst.idx.msk $0xffff, v18  }
0x93: {  	v39 =	vor.u32 $0x2, v19;
	v18 =	vld.idx.msk [tilespmem:v21+s14+$0x0], $0xffff  }
0x94: {  	v40 =	vor.u32 v4, v17;
	_ =	sdelay $0x3  }
0x95: {  	[tilespmem:v39+s0+$0x0] =	vst.idx.msk $0xffff, v18  }
0x96: {  	v41 =	vor.u32 $0x3, v19;
	v18 =	vld.idx.msk [tilespmem:v40+s14+$0x0], $0xffff  }
0x97: {  	v42 =	vor.u32 v5, v17;
	_ =	sdelay $0x3  }
0x98: {  	[tilespmem:v41+s0+$0x0] =	vst.idx.msk $0xffff, v18  }
0x99: {  	v43 =	vor.u32 $0x4, v19;
	v18 =	vld.idx.msk [tilespmem:v42+s14+$0x0], $0xffff  }
0x9a: {  	v44 =	vor.u32 v6, v17;
	_ =	sdelay $0x3  }
0x9b: {  	[tilespmem:v43+s0+$0x0] =	vst.idx.msk $0xffff, v18  }
0x9c: {  	v45 =	vor.u32 $0x5, v19;
	v18 =	vld.idx.msk [tilespmem:v44+s14+$0x0], $0xffff  }
0x9d: {  	v46 =	vor.u32 v7, v17;
	_ =	sdelay $0x3  }
0x9e: {  	[tilespmem:v45+s0+$0x0] =	vst.idx.msk $0xffff, v18  }
0x9f: {  	v47 =	vor.u32 $0x6, v19;
	v18 =	vld.idx.msk [tilespmem:v46+s14+$0x0], $0xffff  }
0xa0: {  	v48 =	vor.u32 v8, v17;
	_ =	sdelay $0x3  }
0xa1: {  	[tilespmem:v47+s0+$0x0] =	vst.idx.msk $0xffff, v18  }
0xa2: {  	v49 =	vor.u32 $0x7, v19;
	v18 =	vld.idx.msk [tilespmem:v48+s14+$0x0], $0xffff  }
0xa3: {  	v50 =	vor.u32 v9, v17;
	_ =	sdelay $0x3  }
0xa4: {  	[tilespmem:v49+s0+$0x0] =	vst.idx.msk $0xffff, v18  }
0xa5: {  	v51 =	vor.u32 $0x8, v19;
	v18 =	vld.idx.msk [tilespmem:v50+s14+$0x0], $0xffff  }
0xa6: {  	v52 =	vor.u32 v10, v17;
	_ =	sdelay $0x3  }
0xa7: {  	[tilespmem:v51+s0+$0x0] =	vst.idx.msk $0xffff, v18  }
0xa8: {  	v53 =	vor.u32 $0x9, v19;
	v18 =	vld.idx.msk [tilespmem:v52+s14+$0x0], $0xffff  }
0xa9: {  	v54 =	vor.u32 v11, v17;
	_ =	sdelay $0x3  }
0xaa: {  	[tilespmem:v53+s0+$0x0] =	vst.idx.msk $0xffff, v18  }
0xab: {  	v55 =	vor.u32 $0xA, v19;
	v18 =	vld.idx.msk [tilespmem:v54+s14+$0x0], $0xffff  }
0xac: {  	v56 =	vor.u32 v12, v17;
	_ =	sdelay $0x3  }
0xad: {  	[tilespmem:v55+s0+$0x0] =	vst.idx.msk $0xffff, v18  }
0xae: {  	v57 =	vor.u32 $0xB, v19;
	v18 =	vld.idx.msk [tilespmem:v56+s14+$0x0], $0xffff  }
0xaf: {  	v58 =	vor.u32 v13, v17;
	_ =	sdelay $0x3  }
0xb0: {  	[tilespmem:v57+s0+$0x0] =	vst.idx.msk $0xffff, v18  }
0xb1: {  	v59 =	vor.u32 $0xC, v19;
	v18 =	vld.idx.msk [tilespmem:v58+s14+$0x0], $0xffff  }
0xb2: {  	v60 =	vor.u32 v14, v17;
	_ =	sdelay $0x3  }
0xb3: {  	[tilespmem:v59+s0+$0x0] =	vst.idx.msk $0xffff, v18  }
0xb4: {  	v61 =	vor.u32 $0xD, v19;
	v18 =	vld.idx.msk [tilespmem:v60+s14+$0x0], $0xffff  }
0xb5: {  	v62 =	vor.u32 v15, v17;
	_ =	sdelay $0x3  }
0xb6: {  	[tilespmem:v61+s0+$0x0] =	vst.idx.msk $0xffff, v18  }
0xb7: {  	v63 =	vor.u32 $0xE, v19;
	v18 =	vld.idx.msk [tilespmem:v62+s14+$0x0], $0xffff  }
0xb8: {  	v17 =	vor.u32 v16, v17;
	_ =	sdelay $0x3  }
0xb9: {  	s15 =	sadd.s32 $0x10, s15;
	[tilespmem:v63+s0+$0x0] =	vst.idx.msk $0xffff, v18  }
0xba: {  	p0 =	sne.s32 s15, $0x200;
	v18 =	vor.u32 $0xF, v19;
	v17 =	vld.idx.msk [tilespmem:v17+s14+$0x0], $0xffff  }
.Ltmp1:
0xbb: {  	_ = 	snop;
	(pc) =	sbr.rel @!p0 .LBB2_5-.Ltmp1, $2  }
0xbc: {  	_ =	sdelay $0x2  }
0xbd: {  	s16 =	sadd.s32 $0x1, s16;
	s11 =	sadd.s32 $0x10, s11;
	[tilespmem:v18+s0+$0x0] =	vst.idx.msk $0xffff, v17  }
.LBB2_2:
0xbe: {  	p0 =	seq.s32 s16, $0x1F  }
.Ltmp2:
0xbf: {  	_ = 	snop;
	(pc) =	sbr.rel @p0 .LBB2_4-.Ltmp2, $2  }
0xc0: {  	_ =	sdelay $0x2  }
0xc1: {  	s17 =	sand.u32 $0x1, s16  }
0xc2: {  	v17 =	vld [tilespmem:s11+$0x0];
	_ =	sdelay $0x4  }
0xc3: {  	(v2sf) =	vpush v17, $0x0;
	_ =	sdelay $0x3  }
0xc4: {  	(v2sf) =	vpush v17, $0x1;
	_ =	sdelay $0x3  }
0xc5: {  	(v2sf) =	vpush v17, $0x2;
	_ =	sdelay $0x3  }
0xc6: {  	(v2sf) =	vpush v17, $0x3;
	_ =	sdelay $0x2  }
0xc7: {  	s18 =	sshll.u32 s17, $0xF;
	s5 =	spop (v2sf)  }
0xc8: {  	s19 =	sxor.u32 $0x8000, s18;
	(v2sf) =	vpush v17, $0x4;
	s5 =	sand.u32 $0xFFFFF80, s5  }
0xc9: {  	s19 =	sor.u32 $0x400, s19;
	s5 =	sadd.s32 s1, s5  }
0xca: {  	[tilespmem:s19], [sflag:$0x1] =	stream.strided.gather [hbm4b:s5+s14], $0x800, s13, s14, $0x38;
	[tilespmem:$0x15200] =	vst v63  }
0xcb: {  	s19 =	spop (v2sf)  }
0xcc: {  	(v2sf) =	vpush v17, $0x5;
	s5 =	sand.u32 $0xFFFFF80, s19  }
0xcd: {  	s19 =	sxor.u32 $0x8C00, s18;
	s5 =	sadd.s32 s1, s5  }
0xce: {  	[tilespmem:s19], [sflag:$0x1] =	stream.strided.gather [hbm4b:s5+s14], $0x800, s13, s14, $0x38;
	[tilespmem:$0x15200] =	vst v63  }
0xcf: {  	s19 =	spop (v2sf)  }
0xd0: {  	(v2sf) =	vpush v17, $0x6;
	s5 =	sand.u32 $0xFFFFF80, s19  }
0xd1: {  	s19 =	sxor.u32 $0x9400, s18;
	s5 =	sadd.s32 s1, s5  }
0xd2: {  	[tilespmem:s19], [sflag:$0x1] =	stream.strided.gather [hbm4b:s5+s14], $0x800, s13, s14, $0x38;
	[tilespmem:$0x15200] =	vst v63  }
0xd3: {  	s19 =	spop (v2sf)  }
0xd4: {  	(v2sf) =	vpush v17, $0x7;
	s5 =	sand.u32 $0xFFFFF80, s19  }
0xd5: {  	s19 =	sxor.u32 $0x9C00, s18;
	s5 =	sadd.s32 s1, s5  }
0xd6: {  	[tilespmem:s19], [sflag:$0x1] =	stream.strided.gather [hbm4b:s5+s14], $0x800, s13, s14, $0x38;
	[tilespmem:$0x15200] =	vst v63  }
0xd7: {  	s19 =	spop (v2sf)  }
0xd8: {  	(v2sf) =	vpush v17, $0x8;
	s5 =	sand.u32 $0xFFFFF80, s19  }
0xd9: {  	s19 =	sxor.u32 $0xA400, s18;
	s5 =	sadd.s32 s1, s5  }
0xda: {  	[tilespmem:s19], [sflag:$0x1] =	stream.strided.gather [hbm4b:s5+s14], $0x800, s13, s14, $0x38;
	[tilespmem:$0x15200] =	vst v63  }
0xdb: {  	s19 =	spop (v2sf)  }
0xdc: {  	(v2sf) =	vpush v17, $0x9;
	s5 =	sand.u32 $0xFFFFF80, s19  }
0xdd: {  	s19 =	sxor.u32 $0xAC00, s18;
	s5 =	sadd.s32 s1, s5  }
0xde: {  	[tilespmem:s19], [sflag:$0x1] =	stream.strided.gather [hbm4b:s5+s14], $0x800, s13, s14, $0x38;
	[tilespmem:$0x15200] =	vst v63  }
0xdf: {  	s19 =	spop (v2sf)  }
0xe0: {  	(v2sf) =	vpush v17, $0xA;
	s5 =	sand.u32 $0xFFFFF80, s19  }
0xe1: {  	s19 =	sxor.u32 $0xB400, s18;
	s5 =	sadd.s32 s1, s5  }
0xe2: {  	[tilespmem:s19], [sflag:$0x1] =	stream.strided.gather [hbm4b:s5+s14], $0x800, s13, s14, $0x38;
	[tilespmem:$0x15200] =	vst v63  }
0xe3: {  	s19 =	spop (v2sf)  }
0xe4: {  	(v2sf) =	vpush v17, $0xB;
	s5 =	sand.u32 $0xFFFFF80, s19  }
0xe5: {  	s19 =	sxor.u32 $0xBC00, s18;
	s5 =	sadd.s32 s1, s5  }
0xe6: {  	[tilespmem:s19], [sflag:$0x1] =	stream.strided.gather [hbm4b:s5+s14], $0x800, s13, s14, $0x38;
	[tilespmem:$0x15200] =	vst v63  }
0xe7: {  	s19 =	spop (v2sf)  }
0xe8: {  	(v2sf) =	vpush v17, $0xC;
	s5 =	sand.u32 $0xFFFFF80, s19  }
0xe9: {  	s19 =	sxor.u32 $0xC400, s18;
	s5 =	sadd.s32 s1, s5  }
0xea: {  	[tilespmem:s19], [sflag:$0x1] =	stream.strided.gather [hbm4b:s5+s14], $0x800, s13, s14, $0x38;
	[tilespmem:$0x15200] =	vst v63  }
0xeb: {  	s19 =	spop (v2sf)  }
0xec: {  	(v2sf) =	vpush v17, $0xD;
	s5 =	sand.u32 $0xFFFFF80, s19  }
0xed: {  	s19 =	sxor.u32 $0xCC00, s18;
	s5 =	sadd.s32 s1, s5  }
0xee: {  	[tilespmem:s19], [sflag:$0x1] =	stream.strided.gather [hbm4b:s5+s14], $0x800, s13, s14, $0x38;
	[tilespmem:$0x15200] =	vst v63  }
0xef: {  	s19 =	spop (v2sf)  }
0xf0: {  	(v2sf) =	vpush v17, $0xE;
	s5 =	sand.u32 $0xFFFFF80, s19  }
0xf1: {  	s19 =	sxor.u32 $0xD400, s18;
	s5 =	sadd.s32 s1, s5  }
0xf2: {  	[tilespmem:s19], [sflag:$0x1] =	stream.strided.gather [hbm4b:s5+s14], $0x800, s13, s14, $0x38;
	[tilespmem:$0x15200] =	vst v63  }
0xf3: {  	s19 =	spop (v2sf)  }
0xf4: {  	s5 =	sand.u32 $0xFFFFF80, s19  }
0xf5: {  	(v2sf) =	vpush v17, $0xF;
	s19 =	sxor.u32 $0xDC00, s18;
	s5 =	sadd.s32 s1, s5  }
0xf6: {  	[tilespmem:s19], [sflag:$0x1] =	stream.strided.gather [hbm4b:s5+s14], $0x800, s13, s14, $0x38;
	[tilespmem:$0x15200] =	vst v63  }
0xf7: {  	s19 =	spop (v2sf)  }
0xf8: {  	s5 =	sand.u32 $0xFFFFF80, s19  }
0xf9: {  	s19 =	sxor.u32 $0xE400, s18;
	s5 =	sadd.s32 s1, s5  }
0xfa: {  	[tilespmem:s19], [sflag:$0x1] =	stream.strided.gather [hbm4b:s5+s14], $0x800, s13, s14, $0x38;
	[tilespmem:$0x15200] =	vst v63  }
0xfb: {  	s19 =	spop (v2sf)  }
0xfc: {  	s5 =	sand.u32 $0xFFFFF80, s19  }
0xfd: {  	s19 =	sxor.u32 $0xEC00, s18;
	s5 =	sadd.s32 s1, s5  }
0xfe: {  	[tilespmem:s19], [sflag:$0x1] =	stream.strided.gather [hbm4b:s5+s14], $0x800, s13, s14, $0x38;
	[tilespmem:$0x15200] =	vst v63  }
0xff: {  	s19 =	spop (v2sf)  }
0x100: {  	s5 =	sand.u32 $0xFFFFF80, s19  }
0x101: {  	s19 =	sxor.u32 $0xF400, s18;
	s5 =	sadd.s32 s1, s5  }
0x102: {  	[tilespmem:s19], [sflag:$0x1] =	stream.strided.gather [hbm4b:s5+s14], $0x800, s13, s14, $0x38;
	[tilespmem:$0x15200] =	vst v63  }
.Ltmp3:
0x103: {  	_ = 	snop;
	(pc) =	sbr.rel .LBB2_4-.Ltmp3, $4  }
0x104: {  	s19 =	spop (v2sf)  }
0x105: {  	s5 =	sand.u32 $0xFFFFF80, s19  }
0x106: {  	s18 =	sxor.u32 $0xFC00, s18;
	s5 =	sadd.s32 s1, s5  }
0x107: {  	[tilespmem:s18], [sflag:$0x1] =	stream.strided.gather [hbm4b:s5+s14], $0x800, s13, s14, $0x38;
	[tilespmem:$0x15200] =	vst v63  }
.LBB2_5:
0x108: {  	v17 =	vld [tilespmem:$0x200];
	_ =	sdelay $0x4  }
0x109: {  	(v2sf) =	vpush v17, $0x0  }
0x10a: {  	(v2sf) =	vpush v17, $0x1;
	_ =	sdelay $0x5  }
0x10b: {  	(v2sf) =	vpush v17, $0x2;
	_ =	sdelay $0x1  }
0x10c: {  	(v2sf) =	vpush v17, $0x3;
	_ =	sdelay $0x5  }
0x10d: {  	s5 =	spop (v2sf);
	(v2sf) =	vpush v17, $0x4  }
0x10e: {  	s15 =	spop (v2sf);
	(v2sf) =	vpush v17, $0x5;
	_ =	sdelay $0x4  }
0x10f: {  	s5 =	sand.u32 $0xFFFFF80, s5  }
0x110: {  	s5 =	sadd.s32 s2, s5;
	s16 =	spop (v2sf);
	(v2sf) =	vpush v17, $0x6  }
0x111: {  	[tilespmem:s14], [sflag:$0x1] =	stream.strided.gather [hbm4b:s5+s14], $0x800, s13, s14, $0x38;
	[tilespmem:$0x15200] =	vst v63  }
0x112: {  	s5 =	sand.u32 $0xFFFFF80, s15;
	s18 =	spop (v2sf);
	(v2sf) =	vpush v17, $0x7  }
0x113: {  	s11 =	simm.s32 $0xC00;
	s5 =	sadd.s32 s2, s5  }
0x114: {  	[tilespmem:s11], [sflag:$0x1] =	stream.strided.gather [hbm4b:s5+s14], $0x800, s13, s14, $0x38;
	[tilespmem:$0x15200] =	vst v63  }
0x115: {  	s5 =	sand.u32 $0xFFFFF80, s16  }
0x116: {  	s17 =	simm.s32 $0x1400;
	s5 =	sadd.s32 s2, s5  }
0x117: {  	[tilespmem:s17], [sflag:$0x1] =	stream.strided.gather [hbm4b:s5+s14], $0x800, s13, s14, $0x38;
	[tilespmem:$0x15200] =	vst v63  }
0x118: {  	s5 =	sand.u32 $0xFFFFF80, s18;
	s11 =	spop (v2sf);
	(v2sf) =	vpush v17, $0x8  }
0x119: {  	s19 =	simm.s32 $0x1C00;
	s5 =	sadd.s32 s2, s5;
	s16 =	spop (v2sf);
	(v2sf) =	vpush v17, $0x9  }
0x11a: {  	[tilespmem:s19], [sflag:$0x1] =	stream.strided.gather [hbm4b:s5+s14], $0x800, s13, s14, $0x38;
	[tilespmem:$0x15200] =	vst v63  }
0x11b: {  	s5 =	sand.u32 $0xFFFFF80, s11;
	(v2sf) =	vpush v17, $0xA  }
0x11c: {  	s15 =	simm.s32 $0x2400;
	s5 =	sadd.s32 s2, s5  }
0x11d: {  	[tilespmem:s15], [sflag:$0x1] =	stream.strided.gather [hbm4b:s5+s14], $0x800, s13, s14, $0x38;
	[tilespmem:$0x15200] =	vst v63  }
0x11e: {  	s5 =	sand.u32 $0xFFFFF80, s16  }
0x11f: {  	s17 =	simm.s32 $0x2C00;
	s18 =	spop (v2sf);
	s5 =	sadd.s32 s2, s5  }
0x120: {  	(v2sf) =	vpush v17, $0xB;
	[tilespmem:s17], [sflag:$0x1] =	stream.strided.gather [hbm4b:s5+s14], $0x800, s13, s14, $0x38;
	[tilespmem:$0x15200] =	vst v63  }
0x121: {  	s19 =	spop (v2sf);
	(v2sf) =	vpush v17, $0xC;
	s5 =	sand.u32 $0xFFFFF80, s18  }
0x122: {  	s5 =	sadd.s32 s2, s5  }
0x123: {  	[tilespmem:s20], [sflag:$0x1] =	stream.strided.gather [hbm4b:s5+s14], $0x800, s13, s14, $0x38;
	[tilespmem:$0x15200] =	vst v63  }
0x124: {  	s5 =	sand.u32 $0xFFFFF80, s19  }
0x125: {  	s5 =	sadd.s32 s2, s5  }
0x126: {  	[tilespmem:s21], [sflag:$0x1] =	stream.strided.gather [hbm4b:s5+s14], $0x800, s13, s14, $0x38;
	[tilespmem:$0x15200] =	vst v63  }
0x127: {  	s11 =	spop (v2sf);
	(v2sf) =	vpush v17, $0xD  }
0x128: {  	s15 =	spop (v2sf);
	(v2sf) =	vpush v17, $0xE  }
0x129: {  	s5 =	sand.u32 $0xFFFFF80, s11  }
0x12a: {  	s5 =	sadd.s32 s2, s5;
	s16 =	spop (v2sf)  }
0x12b: {  	(v2sf) =	vpush v17, $0xF;
	[tilespmem:s22], [sflag:$0x1] =	stream.strided.gather [hbm4b:s5+s14], $0x800, s13, s14, $0x38;
	[tilespmem:$0x15200] =	vst v63  }
0x12c: {  	s5 =	sand.u32 $0xFFFFF80, s15  }
0x12d: {  	s5 =	sadd.s32 s2, s5  }
0x12e: {  	[tilespmem:s23], [sflag:$0x1] =	stream.strided.gather [hbm4b:s5+s14], $0x800, s13, s14, $0x38;
	[tilespmem:$0x15200] =	vst v63  }
0x12f: {  	s17 =	spop (v2sf);
	s5 =	sand.u32 $0xFFFFF80, s16  }
0x130: {  	s18 =	sand.u32 $0xFFFFF80, s17;
	s19 =	spop (v2sf);
	s5 =	sadd.s32 s2, s5  }
0x131: {  	[tilespmem:s24], [sflag:$0x1] =	stream.strided.gather [hbm4b:s5+s14], $0x800, s13, s14, $0x38;
	[tilespmem:$0x15200] =	vst v63  }
0x132: {  	s11 =	sand.u32 $0xFFFFF80, s19;
	s5 =	sadd.s32 s2, s18  }
0x133: {  	[tilespmem:s25], [sflag:$0x1] =	stream.strided.gather [hbm4b:s5+s14], $0x800, s13, s14, $0x38;
	[tilespmem:$0x15200] =	vst v63  }
0x134: {  	s5 =	sadd.s32 s2, s11  }
0x135: {  	[tilespmem:s26], [sflag:$0x1] =	stream.strided.gather [hbm4b:s5+s14], $0x800, s13, s14, $0x38;
	[tilespmem:$0x15200] =	vst v63  }
0x136: {  	s15 =	spop (v2sf)  }
0x137: {  	s16 =	sand.u32 $0xFFFFF80, s15;
	s17 =	spop (v2sf)  }
0x138: {  	s5 =	sadd.s32 s2, s16;
	s18 =	sand.u32 $0xFFFFF80, s17  }
0x139: {  	[tilespmem:s28], [sflag:$0x1] =	stream.strided.gather [hbm4b:s5+s14], $0x800, s13, s14, $0x38;
	[tilespmem:$0x15200] =	vst v63  }
.Ltmp4:
0x13a: {  	s19 =	spop (v2sf);
	s5 =	sadd.s32 s2, s18;
	(pc) =	sbr.rel .LBB2_6-.Ltmp4, $4  }
0x13b: {  	[tilespmem:s29], [sflag:$0x1] =	stream.strided.gather [hbm4b:s5+s14], $0x800, s13, s14, $0x38;
	[tilespmem:$0x15200] =	vst v63  }
0x13c: {  	s11 =	simm.s32 $0x210;
	s5 =	sand.u32 $0xFFFFF80, s19  }
0x13d: {  	s15 =	simm.s32 $0x0;
	s16 =	simm.s32 $0x0;
	s5 =	sadd.s32 s2, s5  }
0x13e: {  	[tilespmem:s30], [sflag:$0x1] =	stream.strided.gather [hbm4b:s5+s14], $0x800, s13, s14, $0x38;
	[tilespmem:$0x15200] =	vst v63  }
.LBB2_8:
0x13f: {  	_ =	swait.ge [sflag:s31], $0x800  }
0x140: {  	[sflag:s31] =	ssyncset.done $0x0  }
0x141: {  	[sflag:s31] =	ssyncadd.s32 $0xFFFFF800  }
0x142: {  	_ =	swait.ge [sflag:s31], $0x800  }
0x143: {  	[sflag:s31] =	ssyncset.done $0x0  }
0x144: {  	[sflag:s31] =	ssyncadd.s32 $0xFFFFF800  }
0x145: {  	_ =	swait.ge [sflag:s31], $0x800  }
0x146: {  	[sflag:s31] =	ssyncset.done $0x0  }
0x147: {  	[sflag:s31] =	ssyncadd.s32 $0xFFFFF800  }
0x148: {  	_ =	swait.ge [sflag:s31], $0x800  }
0x149: {  	[sflag:s31] =	ssyncset.done $0x0  }
0x14a: {  	[sflag:s31] =	ssyncadd.s32 $0xFFFFF800  }
0x14b: {  	_ =	swait.ge [sflag:s31], $0x800  }
0x14c: {  	[sflag:s31] =	ssyncset.done $0x0  }
0x14d: {  	[sflag:s31] =	ssyncadd.s32 $0xFFFFF800  }
0x14e: {  	_ =	swait.ge [sflag:s31], $0x800  }
0x14f: {  	[sflag:s31] =	ssyncset.done $0x0  }
0x150: {  	[sflag:s31] =	ssyncadd.s32 $0xFFFFF800  }
0x151: {  	_ =	swait.ge [sflag:s31], $0x800  }
0x152: {  	[sflag:s31] =	ssyncset.done $0x0  }
0x153: {  	[sflag:s31] =	ssyncadd.s32 $0xFFFFF800  }
0x154: {  	_ =	swait.ge [sflag:s31], $0x800  }
0x155: {  	[sflag:s31] =	ssyncset.done $0x0  }
0x156: {  	[sflag:s31] =	ssyncadd.s32 $0xFFFFF800  }
0x157: {  	_ =	swait.ge [sflag:s31], $0x800  }
0x158: {  	[sflag:s31] =	ssyncset.done $0x0  }
0x159: {  	[sflag:s31] =	ssyncadd.s32 $0xFFFFF800  }
0x15a: {  	_ =	swait.ge [sflag:s31], $0x800  }
0x15b: {  	[sflag:s31] =	ssyncset.done $0x0  }
0x15c: {  	[sflag:s31] =	ssyncadd.s32 $0xFFFFF800  }
0x15d: {  	_ =	swait.ge [sflag:s31], $0x800  }
0x15e: {  	[sflag:s31] =	ssyncset.done $0x0  }
0x15f: {  	[sflag:s31] =	ssyncadd.s32 $0xFFFFF800  }
0x160: {  	_ =	swait.ge [sflag:s31], $0x800  }
0x161: {  	[sflag:s31] =	ssyncset.done $0x0  }
0x162: {  	[sflag:s31] =	ssyncadd.s32 $0xFFFFF800  }
0x163: {  	_ =	swait.ge [sflag:s31], $0x800  }
0x164: {  	[sflag:s31] =	ssyncset.done $0x0  }
0x165: {  	[sflag:s31] =	ssyncadd.s32 $0xFFFFF800  }
0x166: {  	_ =	swait.ge [sflag:s31], $0x800  }
0x167: {  	[sflag:s31] =	ssyncset.done $0x0  }
0x168: {  	[sflag:s31] =	ssyncadd.s32 $0xFFFFF800  }
0x169: {  	_ =	swait.ge [sflag:s31], $0x800  }
0x16a: {  	[sflag:s31] =	ssyncset.done $0x0  }
0x16b: {  	[sflag:s31] =	ssyncadd.s32 $0xFFFFF800  }
0x16c: {  	_ =	swait.ge [sflag:s31], $0x800  }
0x16d: {  	[sflag:s31] =	ssyncset.done $0x0  }
0x16e: {  	[sflag:s31] =	ssyncadd.s32 $0xFFFFF800  }
0x16f: {  	v17 =	vld [tilespmem:s11+$0xFFFFFFF0];
	_ =	sdelay $0x4  }
0x170: {  	s5 =	sshll.u32 s17, $0xF;
	v17 =	vand.u32 $0x7F, v17  }
0x171: {  	v17 =	vor.u32 s5, v17  }
0x172: {  	v18 =	vor.u32 v0, v17;
	_ =	sdelay $0x2  }
0x173: {  	v19 =	vmov s15  }
0x174: {  	v19 =	vshll.u32 v19, $0x4  }
0x175: {  	v19 =	vor.u32 v1, v19;
	v18 =	vld.idx.msk [tilespmem:v18+s14+$0x0], $0xffff  }
0x176: {  	v20 =	vor.u32 v2, v17;
	_ =	sdelay $0x3  }
0x177: {  	[tilespmem:v19+s3+$0x0] =	vst.idx.msk $0xffff, v18  }
0x178: {  	v38 =	vor.u32 $0x1, v19;
	v18 =	vld.idx.msk [tilespmem:v20+s14+$0x0], $0xffff  }
0x179: {  	v21 =	vor.u32 v3, v17;
	_ =	sdelay $0x3  }
0x17a: {  	[tilespmem:v38+s3+$0x0] =	vst.idx.msk $0xffff, v18  }
0x17b: {  	v39 =	vor.u32 $0x2, v19;
	v18 =	vld.idx.msk [tilespmem:v21+s14+$0x0], $0xffff  }
0x17c: {  	v40 =	vor.u32 v4, v17;
	_ =	sdelay $0x3  }
0x17d: {  	[tilespmem:v39+s3+$0x0] =	vst.idx.msk $0xffff, v18  }
0x17e: {  	v41 =	vor.u32 $0x3, v19;
	v18 =	vld.idx.msk [tilespmem:v40+s14+$0x0], $0xffff  }
0x17f: {  	v42 =	vor.u32 v5, v17;
	_ =	sdelay $0x3  }
0x180: {  	[tilespmem:v41+s3+$0x0] =	vst.idx.msk $0xffff, v18  }
0x181: {  	v43 =	vor.u32 $0x4, v19;
	v18 =	vld.idx.msk [tilespmem:v42+s14+$0x0], $0xffff  }
0x182: {  	v44 =	vor.u32 v6, v17;
	_ =	sdelay $0x3  }
0x183: {  	[tilespmem:v43+s3+$0x0] =	vst.idx.msk $0xffff, v18  }
0x184: {  	v45 =	vor.u32 $0x5, v19;
	v18 =	vld.idx.msk [tilespmem:v44+s14+$0x0], $0xffff  }
0x185: {  	v46 =	vor.u32 v7, v17;
	_ =	sdelay $0x3  }
0x186: {  	[tilespmem:v45+s3+$0x0] =	vst.idx.msk $0xffff, v18  }
0x187: {  	v47 =	vor.u32 $0x6, v19;
	v18 =	vld.idx.msk [tilespmem:v46+s14+$0x0], $0xffff  }
0x188: {  	v48 =	vor.u32 v8, v17;
	_ =	sdelay $0x3  }
0x189: {  	[tilespmem:v47+s3+$0x0] =	vst.idx.msk $0xffff, v18  }
0x18a: {  	v49 =	vor.u32 $0x7, v19;
	v18 =	vld.idx.msk [tilespmem:v48+s14+$0x0], $0xffff  }
0x18b: {  	v50 =	vor.u32 v9, v17;
	_ =	sdelay $0x3  }
0x18c: {  	[tilespmem:v49+s3+$0x0] =	vst.idx.msk $0xffff, v18  }
0x18d: {  	v51 =	vor.u32 $0x8, v19;
	v18 =	vld.idx.msk [tilespmem:v50+s14+$0x0], $0xffff  }
0x18e: {  	v52 =	vor.u32 v10, v17;
	_ =	sdelay $0x3  }
0x18f: {  	[tilespmem:v51+s3+$0x0] =	vst.idx.msk $0xffff, v18  }
0x190: {  	v53 =	vor.u32 $0x9, v19;
	v18 =	vld.idx.msk [tilespmem:v52+s14+$0x0], $0xffff  }
0x191: {  	v54 =	vor.u32 v11, v17;
	_ =	sdelay $0x3  }
0x192: {  	[tilespmem:v53+s3+$0x0] =	vst.idx.msk $0xffff, v18  }
0x193: {  	v55 =	vor.u32 $0xA, v19;
	v18 =	vld.idx.msk [tilespmem:v54+s14+$0x0], $0xffff  }
0x194: {  	v56 =	vor.u32 v12, v17;
	_ =	sdelay $0x3  }
0x195: {  	[tilespmem:v55+s3+$0x0] =	vst.idx.msk $0xffff, v18  }
0x196: {  	v57 =	vor.u32 $0xB, v19;
	v18 =	vld.idx.msk [tilespmem:v56+s14+$0x0], $0xffff  }
0x197: {  	v58 =	vor.u32 v13, v17;
	_ =	sdelay $0x3  }
0x198: {  	[tilespmem:v57+s3+$0x0] =	vst.idx.msk $0xffff, v18  }
0x199: {  	v59 =	vor.u32 $0xC, v19;
	v18 =	vld.idx.msk [tilespmem:v58+s14+$0x0], $0xffff  }
0x19a: {  	v60 =	vor.u32 v14, v17;
	_ =	sdelay $0x3  }
0x19b: {  	[tilespmem:v59+s3+$0x0] =	vst.idx.msk $0xffff, v18  }
0x19c: {  	v61 =	vor.u32 $0xD, v19;
	v18 =	vld.idx.msk [tilespmem:v60+s14+$0x0], $0xffff  }
0x19d: {  	v62 =	vor.u32 v15, v17;
	_ =	sdelay $0x3  }
0x19e: {  	[tilespmem:v61+s3+$0x0] =	vst.idx.msk $0xffff, v18  }
0x19f: {  	v63 =	vor.u32 $0xE, v19;
	v18 =	vld.idx.msk [tilespmem:v62+s14+$0x0], $0xffff  }
0x1a0: {  	v17 =	vor.u32 v16, v17;
	_ =	sdelay $0x3  }
0x1a1: {  	s15 =	sadd.s32 $0x10, s15;
	[tilespmem:v63+s3+$0x0] =	vst.idx.msk $0xffff, v18  }
0x1a2: {  	p0 =	sne.s32 s15, $0x200;
	v18 =	vor.u32 $0xF, v19;
	v17 =	vld.idx.msk [tilespmem:v17+s14+$0x0], $0xffff  }
.Ltmp5:
0x1a3: {  	_ = 	snop;
	(pc) =	sbr.rel @!p0 .LBB2_9-.Ltmp5, $2  }
0x1a4: {  	_ =	sdelay $0x2  }
0x1a5: {  	s16 =	sadd.s32 $0x1, s16;
	s11 =	sadd.s32 $0x10, s11;
	[tilespmem:v18+s3+$0x0] =	vst.idx.msk $0xffff, v17  }
.LBB2_6:
0x1a6: {  	p0 =	seq.s32 s16, $0x1F  }
.Ltmp6:
0x1a7: {  	_ = 	snop;
	(pc) =	sbr.rel @p0 .LBB2_8-.Ltmp6, $2  }
0x1a8: {  	_ =	sdelay $0x2  }
0x1a9: {  	s17 =	sand.u32 $0x1, s16  }
0x1aa: {  	v17 =	vld [tilespmem:s11+$0x0];
	_ =	sdelay $0x4  }
0x1ab: {  	(v2sf) =	vpush v17, $0x0;
	_ =	sdelay $0x3  }
0x1ac: {  	(v2sf) =	vpush v17, $0x1;
	_ =	sdelay $0x3  }
0x1ad: {  	(v2sf) =	vpush v17, $0x2;
	_ =	sdelay $0x3  }
0x1ae: {  	(v2sf) =	vpush v17, $0x3;
	_ =	sdelay $0x2  }
0x1af: {  	s18 =	sshll.u32 s17, $0xF;
	s5 =	spop (v2sf)  }
0x1b0: {  	s19 =	sxor.u32 $0x8000, s18;
	(v2sf) =	vpush v17, $0x4;
	s5 =	sand.u32 $0xFFFFF80, s5  }
0x1b1: {  	s19 =	sor.u32 $0x400, s19;
	s5 =	sadd.s32 s2, s5  }
0x1b2: {  	[tilespmem:s19], [sflag:$0x1] =	stream.strided.gather [hbm4b:s5+s14], $0x800, s13, s14, $0x38;
	[tilespmem:$0x15200] =	vst v63  }
0x1b3: {  	s19 =	spop (v2sf)  }
0x1b4: {  	(v2sf) =	vpush v17, $0x5;
	s5 =	sand.u32 $0xFFFFF80, s19  }
0x1b5: {  	s19 =	sxor.u32 $0x8C00, s18;
	s5 =	sadd.s32 s2, s5  }
0x1b6: {  	[tilespmem:s19], [sflag:$0x1] =	stream.strided.gather [hbm4b:s5+s14], $0x800, s13, s14, $0x38;
	[tilespmem:$0x15200] =	vst v63  }
0x1b7: {  	s19 =	spop (v2sf)  }
0x1b8: {  	(v2sf) =	vpush v17, $0x6;
	s5 =	sand.u32 $0xFFFFF80, s19  }
0x1b9: {  	s19 =	sxor.u32 $0x9400, s18;
	s5 =	sadd.s32 s2, s5  }
0x1ba: {  	[tilespmem:s19], [sflag:$0x1] =	stream.strided.gather [hbm4b:s5+s14], $0x800, s13, s14, $0x38;
	[tilespmem:$0x15200] =	vst v63  }
0x1bb: {  	s19 =	spop (v2sf)  }
0x1bc: {  	(v2sf) =	vpush v17, $0x7;
	s5 =	sand.u32 $0xFFFFF80, s19  }
0x1bd: {  	s19 =	sxor.u32 $0x9C00, s18;
	s5 =	sadd.s32 s2, s5  }
0x1be: {  	[tilespmem:s19], [sflag:$0x1] =	stream.strided.gather [hbm4b:s5+s14], $0x800, s13, s14, $0x38;
	[tilespmem:$0x15200] =	vst v63  }
0x1bf: {  	s19 =	spop (v2sf)  }
0x1c0: {  	(v2sf) =	vpush v17, $0x8;
	s5 =	sand.u32 $0xFFFFF80, s19  }
0x1c1: {  	s19 =	sxor.u32 $0xA400, s18;
	s5 =	sadd.s32 s2, s5  }
0x1c2: {  	[tilespmem:s19], [sflag:$0x1] =	stream.strided.gather [hbm4b:s5+s14], $0x800, s13, s14, $0x38;
	[tilespmem:$0x15200] =	vst v63  }
0x1c3: {  	s19 =	spop (v2sf)  }
0x1c4: {  	(v2sf) =	vpush v17, $0x9;
	s5 =	sand.u32 $0xFFFFF80, s19  }
0x1c5: {  	s19 =	sxor.u32 $0xAC00, s18;
	s5 =	sadd.s32 s2, s5  }
0x1c6: {  	[tilespmem:s19], [sflag:$0x1] =	stream.strided.gather [hbm4b:s5+s14], $0x800, s13, s14, $0x38;
	[tilespmem:$0x15200] =	vst v63  }
0x1c7: {  	s19 =	spop (v2sf)  }
0x1c8: {  	(v2sf) =	vpush v17, $0xA;
	s5 =	sand.u32 $0xFFFFF80, s19  }
0x1c9: {  	s19 =	sxor.u32 $0xB400, s18;
	s5 =	sadd.s32 s2, s5  }
0x1ca: {  	[tilespmem:s19], [sflag:$0x1] =	stream.strided.gather [hbm4b:s5+s14], $0x800, s13, s14, $0x38;
	[tilespmem:$0x15200] =	vst v63  }
0x1cb: {  	s19 =	spop (v2sf)  }
0x1cc: {  	(v2sf) =	vpush v17, $0xB;
	s5 =	sand.u32 $0xFFFFF80, s19  }
0x1cd: {  	s19 =	sxor.u32 $0xBC00, s18;
	s5 =	sadd.s32 s2, s5  }
0x1ce: {  	[tilespmem:s19], [sflag:$0x1] =	stream.strided.gather [hbm4b:s5+s14], $0x800, s13, s14, $0x38;
	[tilespmem:$0x15200] =	vst v63  }
0x1cf: {  	s19 =	spop (v2sf)  }
0x1d0: {  	(v2sf) =	vpush v17, $0xC;
	s5 =	sand.u32 $0xFFFFF80, s19  }
0x1d1: {  	s19 =	sxor.u32 $0xC400, s18;
	s5 =	sadd.s32 s2, s5  }
0x1d2: {  	[tilespmem:s19], [sflag:$0x1] =	stream.strided.gather [hbm4b:s5+s14], $0x800, s13, s14, $0x38;
	[tilespmem:$0x15200] =	vst v63  }
0x1d3: {  	s19 =	spop (v2sf)  }
0x1d4: {  	(v2sf) =	vpush v17, $0xD;
	s5 =	sand.u32 $0xFFFFF80, s19  }
0x1d5: {  	s19 =	sxor.u32 $0xCC00, s18;
	s5 =	sadd.s32 s2, s5  }
0x1d6: {  	[tilespmem:s19], [sflag:$0x1] =	stream.strided.gather [hbm4b:s5+s14], $0x800, s13, s14, $0x38;
	[tilespmem:$0x15200] =	vst v63  }
0x1d7: {  	s19 =	spop (v2sf)  }
0x1d8: {  	(v2sf) =	vpush v17, $0xE;
	s5 =	sand.u32 $0xFFFFF80, s19  }
0x1d9: {  	s19 =	sxor.u32 $0xD400, s18;
	s5 =	sadd.s32 s2, s5  }
0x1da: {  	[tilespmem:s19], [sflag:$0x1] =	stream.strided.gather [hbm4b:s5+s14], $0x800, s13, s14, $0x38;
	[tilespmem:$0x15200] =	vst v63  }
0x1db: {  	s19 =	spop (v2sf)  }
0x1dc: {  	s5 =	sand.u32 $0xFFFFF80, s19  }
0x1dd: {  	(v2sf) =	vpush v17, $0xF;
	s19 =	sxor.u32 $0xDC00, s18;
	s5 =	sadd.s32 s2, s5  }
0x1de: {  	[tilespmem:s19], [sflag:$0x1] =	stream.strided.gather [hbm4b:s5+s14], $0x800, s13, s14, $0x38;
	[tilespmem:$0x15200] =	vst v63  }
0x1df: {  	s19 =	spop (v2sf)  }
0x1e0: {  	s5 =	sand.u32 $0xFFFFF80, s19  }
0x1e1: {  	s19 =	sxor.u32 $0xE400, s18;
	s5 =	sadd.s32 s2, s5  }
0x1e2: {  	[tilespmem:s19], [sflag:$0x1] =	stream.strided.gather [hbm4b:s5+s14], $0x800, s13, s14, $0x38;
	[tilespmem:$0x15200] =	vst v63  }
0x1e3: {  	s19 =	spop (v2sf)  }
0x1e4: {  	s5 =	sand.u32 $0xFFFFF80, s19  }
0x1e5: {  	s19 =	sxor.u32 $0xEC00, s18;
	s5 =	sadd.s32 s2, s5  }
0x1e6: {  	[tilespmem:s19], [sflag:$0x1] =	stream.strided.gather [hbm4b:s5+s14], $0x800, s13, s14, $0x38;
	[tilespmem:$0x15200] =	vst v63  }
0x1e7: {  	s19 =	spop (v2sf)  }
0x1e8: {  	s5 =	sand.u32 $0xFFFFF80, s19  }
0x1e9: {  	s19 =	sxor.u32 $0xF400, s18;
	s5 =	sadd.s32 s2, s5  }
0x1ea: {  	[tilespmem:s19], [sflag:$0x1] =	stream.strided.gather [hbm4b:s5+s14], $0x800, s13, s14, $0x38;
	[tilespmem:$0x15200] =	vst v63  }
.Ltmp7:
0x1eb: {  	_ = 	snop;
	(pc) =	sbr.rel .LBB2_8-.Ltmp7, $4  }
0x1ec: {  	s19 =	spop (v2sf)  }
0x1ed: {  	s5 =	sand.u32 $0xFFFFF80, s19  }
0x1ee: {  	s18 =	sxor.u32 $0xFC00, s18;
	s5 =	sadd.s32 s2, s5  }
0x1ef: {  	[tilespmem:s18], [sflag:$0x1] =	stream.strided.gather [hbm4b:s5+s14], $0x800, s13, s14, $0x38;
	[tilespmem:$0x15200] =	vst v63  }
.LBB2_9:
0x1f0: {  	v50 =	vld [tilespmem:$0x14400]  }
0x1f1: {  	v51 =	vld [tilespmem:$0x14480]  }
0x1f2: {  	v55 =	vld [tilespmem:$0x14500]  }
0x1f3: {  	v56 =	vld [tilespmem:$0x14580]  }
0x1f4: {  	s5 =	simm.s32 $0x0;
	v57 =	vld [tilespmem:$0x14600]  }
0x1f5: {  	v58 =	vld [tilespmem:$0x14680];
	v17 =	vmov s5  }
0x1f6: {  	v59 =	vld [tilespmem:$0x14700];
	v17 =	vshll.u32 v17, $0x4  }
0x1f7: {  	v60 =	vld [tilespmem:$0x14780];
	v18 =	vor.u32 v1, v17  }
0x1f8: {  	v61 =	vld [tilespmem:$0x14800]  }
0x1f9: {  	v62 =	vld [tilespmem:$0x14880];
	v19 =	vor.u32 $0xF, v18;
	v20 =	vor.u32 $0xE, v18;
	v21 =	vor.u32 $0xD, v18  }
0x1fa: {  	v63 =	vld [tilespmem:$0x14900];
	v22 =	vor.u32 $0xC, v18;
	v23 =	vor.u32 $0xB, v18;
	v24 =	vor.u32 $0xA, v18  }
0x1fb: {  	v17 =	vld [tilespmem:$0x14C00];
	v26 =	vor.u32 $0x9, v18;
	v28 =	vor.u32 $0x8, v18;
	v30 =	vor.u32 $0x7, v18  }
0x1fc: {  	v32 =	vor.u32 $0x6, v18;
	v34 =	vor.u32 $0x5, v18;
	v36 =	vor.u32 $0x4, v18;
	v48 =	vld.idx.msk [tilespmem:v18+s3+$0x0], $0xffff  }
0x1fd: {  	v38 =	vor.u32 $0x3, v18;
	v40 =	vor.u32 $0x2, v18;
	v44 =	vor.u32 $0x1, v18;
	v18 =	vld.idx.msk [tilespmem:v18+s0+$0x0], $0xffff  }
0x1fe: {  	v25 =	vld.idx.msk [tilespmem:v19+s0+$0x0], $0xffff  }
0x1ff: {  	v27 =	vld.idx.msk [tilespmem:v20+s0+$0x0], $0xffff  }
0x200: {  	v29 =	vld.idx.msk [tilespmem:v21+s0+$0x0], $0xffff  }
0x201: {  	v31 =	vld.idx.msk [tilespmem:v22+s0+$0x0], $0xffff  }
0x202: {  	v49 =	vld.idx.msk [tilespmem:v44+s0+$0x0], $0xffff  }
0x203: {  	v44 =	vld.idx.msk [tilespmem:v44+s3+$0x0], $0xffff  }
0x204: {  	v47 =	vld.idx.msk [tilespmem:v40+s0+$0x0], $0xffff  }
0x205: {  	v40 =	vld.idx.msk [tilespmem:v40+s3+$0x0], $0xffff  }
0x206: {  	v46 =	vld.idx.msk [tilespmem:v38+s0+$0x0], $0xffff;
	v18 =	vmul.f32 v48, v18  }
0x207: {  	v38 =	vld.idx.msk [tilespmem:v38+s3+$0x0], $0xffff  }
0x208: {  	v45 =	vld.idx.msk [tilespmem:v36+s0+$0x0], $0xffff;
	v44 =	vmul.f32 v44, v49;
	v18 =	vmul.f32 v50, v18  }
0x209: {  	v36 =	vld.idx.msk [tilespmem:v36+s3+$0x0], $0xffff  }
0x20a: {  	v43 =	vld.idx.msk [tilespmem:v34+s0+$0x0], $0xffff;
	v40 =	vmul.f32 v40, v47;
	v44 =	vmul.f32 v51, v44;
	v18 =	vadd.f32 v18, v17  }
0x20b: {  	v34 =	vld.idx.msk [tilespmem:v34+s3+$0x0], $0xffff  }
0x20c: {  	v42 =	vld.idx.msk [tilespmem:v32+s0+$0x0], $0xffff;
	v38 =	vmul.f32 v38, v46;
	v40 =	vmul.f32 v55, v40;
	v18 =	vadd.f32 v44, v18  }
0x20d: {  	v32 =	vld.idx.msk [tilespmem:v32+s3+$0x0], $0xffff  }
0x20e: {  	v41 =	vld.idx.msk [tilespmem:v30+s0+$0x0], $0xffff;
	v36 =	vmul.f32 v36, v45;
	v38 =	vmul.f32 v56, v38;
	v18 =	vadd.f32 v40, v18  }
0x20f: {  	v30 =	vld.idx.msk [tilespmem:v30+s3+$0x0], $0xffff  }
0x210: {  	v39 =	vld.idx.msk [tilespmem:v28+s0+$0x0], $0xffff;
	v34 =	vmul.f32 v34, v43;
	v36 =	vmul.f32 v57, v36;
	v18 =	vadd.f32 v38, v18  }
0x211: {  	v28 =	vld.idx.msk [tilespmem:v28+s3+$0x0], $0xffff  }
0x212: {  	v37 =	vld.idx.msk [tilespmem:v26+s0+$0x0], $0xffff;
	v32 =	vmul.f32 v32, v42;
	v34 =	vmul.f32 v58, v34;
	v18 =	vadd.f32 v36, v18  }
0x213: {  	v26 =	vld.idx.msk [tilespmem:v26+s3+$0x0], $0xffff  }
0x214: {  	v35 =	vld.idx.msk [tilespmem:v24+s0+$0x0], $0xffff;
	v30 =	vmul.f32 v30, v41;
	v32 =	vmul.f32 v59, v32;
	v18 =	vadd.f32 v34, v18  }
0x215: {  	v24 =	vld.idx.msk [tilespmem:v24+s3+$0x0], $0xffff  }
0x216: {  	v33 =	vld.idx.msk [tilespmem:v23+s0+$0x0], $0xffff;
	v28 =	vmul.f32 v28, v39;
	v30 =	vmul.f32 v60, v30;
	v18 =	vadd.f32 v32, v18  }
0x217: {  	v23 =	vld.idx.msk [tilespmem:v23+s3+$0x0], $0xffff  }
0x218: {  	v22 =	vld.idx.msk [tilespmem:v22+s3+$0x0], $0xffff;
	v26 =	vmul.f32 v26, v37;
	v28 =	vmul.f32 v61, v28;
	v18 =	vadd.f32 v30, v18  }
0x219: {  	v30 =	vld [tilespmem:$0x14980]  }
0x21a: {  	v21 =	vld.idx.msk [tilespmem:v21+s3+$0x0], $0xffff;
	v24 =	vmul.f32 v24, v35;
	v26 =	vmul.f32 v62, v26;
	v18 =	vadd.f32 v28, v18  }
0x21b: {  	v28 =	vld [tilespmem:$0x14A00]  }
0x21c: {  	v20 =	vld.idx.msk [tilespmem:v20+s3+$0x0], $0xffff;
	v23 =	vmul.f32 v23, v33;
	v24 =	vmul.f32 v63, v24;
	v18 =	vadd.f32 v26, v18  }
0x21d: {  	v26 =	vld [tilespmem:$0x14A80]  }
0x21e: {  	v19 =	vld.idx.msk [tilespmem:v19+s3+$0x0], $0xffff;
	v22 =	vmul.f32 v22, v31;
	v23 =	vmul.f32 v30, v23;
	v18 =	vadd.f32 v24, v18  }
0x21f: {  	v24 =	vld [tilespmem:$0x14B00]  }
0x220: {  	v21 =	vmul.f32 v21, v29;
	v22 =	vmul.f32 v28, v22;
	v18 =	vadd.f32 v23, v18  }
0x221: {  	v23 =	vld [tilespmem:$0x14B80]  }
0x222: {  	v20 =	vmul.f32 v20, v27;
	v21 =	vmul.f32 v26, v21;
	v18 =	vadd.f32 v22, v18;
	_ =	sdelay $0x1  }
0x223: {  	v19 =	vmul.f32 v19, v25;
	v20 =	vmul.f32 v24, v20;
	v18 =	vadd.f32 v21, v18;
	_ =	sdelay $0x1  }
0x224: {  	v19 =	vmul.f32 v23, v19;
	v18 =	vadd.f32 v20, v18;
	_ =	sdelay $0x1  }
0x225: {  	v18 =	vadd.f32 v19, v18;
	_ =	sdelay $0x1  }
0x226: {  	v18 =	vsub.f32 $0.0e+00, v18;
	_ =	sdelay $0x1  }
0x227: {  	v18 =	vmul.f32 $1.442695020e+00, v18;
	_ =	sdelay $0x1  }
0x228: {  	(erf) = vpow2.f32 v18;
	_ =	sdelay $0x8  }
0x229: {  	v18 =	vpop (erf)  }
0x22a: {  	v18 =	vadd.f32 $1.000000000e+00, v18;
	_ =	sdelay $0x1  }
0x22b: {  	(erf) = vrcp.f32 v18;
	_ =	sdelay $0x1  }
0x22c: {  	s19 =	simm.s32 $0x10  }
0x22d: {  	v18 =	vmov s19  }
0x22e: {  	v18 =	vshll.u32 v18, $0x4  }
0x22f: {  	v37 =	vor.u32 v1, v18  }
0x230: {  	v19 =	vor.u32 $0xF, v37  }
0x231: {  	v21 =	vor.u32 $0xE, v37  }
0x232: {  	v23 =	vor.u32 $0xD, v37  }
0x233: {  	s11 =	simm.s32 $0x15000;
	v25 =	vor.u32 $0xC, v37;
	v18 =	vpop (erf)  }
0x234: {  	v27 =	vor.u32 $0xB, v37;
	[tilespmem:s11+$0x0] =	vst v18  }
0x235: {  	v29 =	vor.u32 $0xA, v37;
	v18 =	vld.idx.msk [tilespmem:v19+s0+$0x0], $0xffff  }
0x236: {  	v31 =	vor.u32 $0x9, v37;
	v20 =	vld.idx.msk [tilespmem:v21+s0+$0x0], $0xffff  }
0x237: {  	v33 =	vor.u32 $0x8, v37;
	v22 =	vld.idx.msk [tilespmem:v23+s0+$0x0], $0xffff  }
0x238: {  	v35 =	vor.u32 $0x7, v37;
	v24 =	vld.idx.msk [tilespmem:v25+s0+$0x0], $0xffff  }
0x239: {  	v36 =	vor.u32 $0x6, v37;
	v26 =	vld.idx.msk [tilespmem:v27+s0+$0x0], $0xffff  }
0x23a: {  	v38 =	vor.u32 $0x5, v37;
	v28 =	vld.idx.msk [tilespmem:v29+s0+$0x0], $0xffff  }
0x23b: {  	v39 =	vor.u32 $0x4, v37;
	v30 =	vld.idx.msk [tilespmem:v31+s0+$0x0], $0xffff  }
0x23c: {  	v40 =	vor.u32 $0x3, v37;
	v32 =	vld.idx.msk [tilespmem:v33+s0+$0x0], $0xffff  }
0x23d: {  	s15 =	simm.s32 $0x20;
	v41 =	vor.u32 $0x2, v37;
	v34 =	vld.idx.msk [tilespmem:v35+s0+$0x0], $0xffff  }
.LBB2_10:
0x23e: {  	p0 =	sne.s32 s15, $0x1F0;
	v42 =	vld.idx.msk [tilespmem:v36+s0+$0x0], $0xffff  }
0x23f: {  	v43 =	vld.idx.msk [tilespmem:v38+s0+$0x0], $0xffff  }
0x240: {  	v44 =	vor.u32 $0x1, v37;
	v45 =	vld.idx.msk [tilespmem:v39+s0+$0x0], $0xffff  }
0x241: {  	v46 =	vld.idx.msk [tilespmem:v40+s0+$0x0], $0xffff  }
0x242: {  	v47 =	vld.idx.msk [tilespmem:v41+s0+$0x0], $0xffff  }
0x243: {  	v48 =	vld.idx.msk [tilespmem:v37+s3+$0x0], $0xffff  }
0x244: {  	v37 =	vld.idx.msk [tilespmem:v37+s0+$0x0], $0xffff  }
0x245: {  	v49 =	vld.idx.msk [tilespmem:v44+s0+$0x0], $0xffff  }
0x246: {  	v44 =	vld.idx.msk [tilespmem:v44+s3+$0x0], $0xffff  }
0x247: {  	v50 =	vld [tilespmem:$0x14400]  }
0x248: {  	v41 =	vld.idx.msk [tilespmem:v41+s3+$0x0], $0xffff  }
0x249: {  	v51 =	vld [tilespmem:$0x14480]  }
0x24a: {  	v37 =	vmul.f32 v48, v37;
	v40 =	vld.idx.msk [tilespmem:v40+s3+$0x0], $0xffff  }
0x24b: {  	v48 =	vld [tilespmem:$0x14500]  }
0x24c: {  	v44 =	vmul.f32 v44, v49;
	v37 =	vmul.f32 v50, v37;
	v39 =	vld.idx.msk [tilespmem:v39+s3+$0x0], $0xffff  }
0x24d: {  	v49 =	vld [tilespmem:$0x14580]  }
0x24e: {  	v41 =	vmul.f32 v41, v47;
	v37 =	vadd.f32 v37, v17;
	v44 =	vmul.f32 v51, v44;
	v38 =	vld.idx.msk [tilespmem:v38+s3+$0x0], $0xffff  }
0x24f: {  	v47 =	vld [tilespmem:$0x14600]  }
0x250: {  	v40 =	vmul.f32 v40, v46;
	v37 =	vadd.f32 v44, v37;
	v41 =	vmul.f32 v48, v41;
	v36 =	vld.idx.msk [tilespmem:v36+s3+$0x0], $0xffff  }
0x251: {  	v44 =	vld [tilespmem:$0x14680]  }
0x252: {  	v39 =	vmul.f32 v39, v45;
	v37 =	vadd.f32 v41, v37;
	v40 =	vmul.f32 v49, v40;
	v35 =	vld.idx.msk [tilespmem:v35+s3+$0x0], $0xffff  }
0x253: {  	v41 =	vld [tilespmem:$0x14700]  }
0x254: {  	v38 =	vmul.f32 v38, v43;
	v37 =	vadd.f32 v40, v37;
	v39 =	vmul.f32 v47, v39;
	v33 =	vld.idx.msk [tilespmem:v33+s3+$0x0], $0xffff  }
0x255: {  	v40 =	vld [tilespmem:$0x14780]  }
0x256: {  	v36 =	vmul.f32 v36, v42;
	v37 =	vadd.f32 v39, v37;
	v38 =	vmul.f32 v44, v38;
	v31 =	vld.idx.msk [tilespmem:v31+s3+$0x0], $0xffff  }
0x257: {  	v39 =	vld [tilespmem:$0x14800]  }
0x258: {  	v34 =	vmul.f32 v35, v34;
	v37 =	vadd.f32 v38, v37;
	v36 =	vmul.f32 v41, v36;
	v29 =	vld.idx.msk [tilespmem:v29+s3+$0x0], $0xffff  }
0x259: {  	v35 =	vld [tilespmem:$0x14880]  }
0x25a: {  	v32 =	vmul.f32 v33, v32;
	v36 =	vadd.f32 v36, v37;
	v34 =	vmul.f32 v40, v34;
	v27 =	vld.idx.msk [tilespmem:v27+s3+$0x0], $0xffff  }
0x25b: {  	v33 =	vld [tilespmem:$0x14900]  }
0x25c: {  	v30 =	vmul.f32 v31, v30;
	v34 =	vadd.f32 v34, v36;
	v32 =	vmul.f32 v39, v32;
	v25 =	vld.idx.msk [tilespmem:v25+s3+$0x0], $0xffff  }
0x25d: {  	v31 =	vld [tilespmem:$0x14980]  }
0x25e: {  	v28 =	vmul.f32 v29, v28;
	v32 =	vadd.f32 v32, v34;
	v30 =	vmul.f32 v35, v30;
	v23 =	vld.idx.msk [tilespmem:v23+s3+$0x0], $0xffff  }
0x25f: {  	v29 =	vld [tilespmem:$0x14A00]  }
0x260: {  	v26 =	vmul.f32 v27, v26;
	v30 =	vadd.f32 v30, v32;
	v28 =	vmul.f32 v33, v28;
	v21 =	vld.idx.msk [tilespmem:v21+s3+$0x0], $0xffff  }
0x261: {  	v27 =	vld [tilespmem:$0x14A80]  }
0x262: {  	v24 =	vmul.f32 v25, v24;
	v28 =	vadd.f32 v28, v30;
	v26 =	vmul.f32 v31, v26;
	v19 =	vld.idx.msk [tilespmem:v19+s3+$0x0], $0xffff  }
0x263: {  	v25 =	vld [tilespmem:$0x14B00]  }
0x264: {  	v22 =	vmul.f32 v23, v22;
	v26 =	vadd.f32 v26, v28;
	v24 =	vmul.f32 v29, v24  }
0x265: {  	v23 =	vld [tilespmem:$0x14B80]  }
0x266: {  	v20 =	vmul.f32 v21, v20;
	v24 =	vadd.f32 v24, v26;
	v22 =	vmul.f32 v27, v22;
	_ =	sdelay $0x1  }
0x267: {  	v18 =	vmul.f32 v19, v18;
	v21 =	vadd.f32 v22, v24;
	v20 =	vmul.f32 v25, v20;
	_ =	sdelay $0x1  }
0x268: {  	v19 =	vadd.f32 v20, v21;
	v18 =	vmul.f32 v23, v18;
	_ =	sdelay $0x1  }
0x269: {  	v18 =	vadd.f32 v18, v19;
	_ =	sdelay $0x1  }
0x26a: {  	v18 =	vsub.f32 $0.0e+00, v18;
	_ =	sdelay $0x1  }
0x26b: {  	v18 =	vmul.f32 $1.442695020e+00, v18;
	_ =	sdelay $0x1  }
0x26c: {  	(erf) = vpow2.f32 v18;
	_ =	sdelay $0x8  }
0x26d: {  	v18 =	vpop (erf)  }
0x26e: {  	v18 =	vadd.f32 $1.000000000e+00, v18;
	_ =	sdelay $0x1  }
0x26f: {  	(erf) = vrcp.f32 v18;
	_ =	sdelay $0x2  }
0x270: {  	v18 =	vmov s15  }
0x271: {  	v18 =	vshll.u32 v18, $0x4  }
0x272: {  	v37 =	vor.u32 v1, v18  }
0x273: {  	v19 =	vor.u32 $0xF, v37  }
0x274: {  	v21 =	vor.u32 $0xE, v37  }
0x275: {  	v23 =	vor.u32 $0xD, v37  }
0x276: {  	s11 =	sadd.s32 $0x10, s11;
	v25 =	vor.u32 $0xC, v37;
	v18 =	vpop (erf)  }
0x277: {  	v27 =	vor.u32 $0xB, v37;
	[tilespmem:s11+$0x0] =	vst v18  }
0x278: {  	v29 =	vor.u32 $0xA, v37;
	v18 =	vld.idx.msk [tilespmem:v19+s0+$0x0], $0xffff  }
0x279: {  	v31 =	vor.u32 $0x9, v37;
	v20 =	vld.idx.msk [tilespmem:v21+s0+$0x0], $0xffff  }
0x27a: {  	v33 =	vor.u32 $0x8, v37;
	v22 =	vld.idx.msk [tilespmem:v23+s0+$0x0], $0xffff  }
0x27b: {  	v35 =	vor.u32 $0x7, v37;
	v24 =	vld.idx.msk [tilespmem:v25+s0+$0x0], $0xffff  }
.Ltmp8:
0x27c: {  	v36 =	vor.u32 $0x6, v37;
	v26 =	vld.idx.msk [tilespmem:v27+s0+$0x0], $0xffff;
	(pc) =	sbr.rel @p0 .LBB2_10-.Ltmp8, $4  }
0x27d: {  	v38 =	vor.u32 $0x5, v37;
	v28 =	vld.idx.msk [tilespmem:v29+s0+$0x0], $0xffff  }
0x27e: {  	v39 =	vor.u32 $0x4, v37;
	v30 =	vld.idx.msk [tilespmem:v31+s0+$0x0], $0xffff  }
0x27f: {  	v40 =	vor.u32 $0x3, v37;
	v32 =	vld.idx.msk [tilespmem:v33+s0+$0x0], $0xffff  }
0x280: {  	s15 =	sadd.s32 $0x10, s15;
	v41 =	vor.u32 $0x2, v37;
	v34 =	vld.idx.msk [tilespmem:v35+s0+$0x0], $0xffff  }
0x281: {  	_ =	sdelay $0x3  }
0x282: {  	v42 =	vld.idx.msk [tilespmem:v36+s0+$0x0], $0xffff  }
0x283: {  	v43 =	vld.idx.msk [tilespmem:v38+s0+$0x0], $0xffff  }
0x284: {  	v45 =	vld.idx.msk [tilespmem:v39+s0+$0x0], $0xffff  }
0x285: {  	v44 =	vor.u32 $0x1, v37;
	v46 =	vld.idx.msk [tilespmem:v40+s0+$0x0], $0xffff  }
0x286: {  	v47 =	vld.idx.msk [tilespmem:v41+s0+$0x0], $0xffff  }
0x287: {  	v48 =	vld.idx.msk [tilespmem:v37+s3+$0x0], $0xffff  }
0x288: {  	v55 =	vld.idx.msk [tilespmem:v37+s0+$0x0], $0xffff  }
0x289: {  	v50 =	vld [tilespmem:$0x14400]  }
0x28a: {  	v49 =	vld.idx.msk [tilespmem:v44+s0+$0x0], $0xffff  }
0x28b: {  	v44 =	vld.idx.msk [tilespmem:v44+s3+$0x0], $0xffff  }
0x28c: {  	v56 =	vld.idx.msk [tilespmem:v41+s3+$0x0], $0xffff  }
0x28d: {  	v51 =	vld [tilespmem:$0x14480]  }
0x28e: {  	v57 =	vld.idx.msk [tilespmem:v40+s3+$0x0], $0xffff;
	v37 =	vmul.f32 v48, v55  }
0x28f: {  	v58 =	vld [tilespmem:$0x14500]  }
0x290: {  	v59 =	vld.idx.msk [tilespmem:v39+s3+$0x0], $0xffff;
	v37 =	vmul.f32 v50, v37;
	v44 =	vmul.f32 v44, v49  }
0x291: {  	v60 =	vld [tilespmem:$0x14580]  }
0x292: {  	v62 =	vld.idx.msk [tilespmem:v38+s3+$0x0], $0xffff;
	v41 =	vmul.f32 v56, v47;
	v17 =	vadd.f32 v37, v17;
	v61 =	vmul.f32 v51, v44  }
0x293: {  	v63 =	vld [tilespmem:$0x14600]  }
0x294: {  	v40 =	vmul.f32 v57, v46;
	v48 =	vld.idx.msk [tilespmem:v36+s3+$0x0], $0xffff;
	v47 =	vmul.f32 v58, v41;
	v17 =	vadd.f32 v61, v17  }
0x295: {  	v50 =	vld [tilespmem:$0x14680]  }
0x296: {  	v35 =	vld.idx.msk [tilespmem:v35+s3+$0x0], $0xffff;
	v39 =	vmul.f32 v59, v45;
	v51 =	vmul.f32 v60, v40;
	v17 =	vadd.f32 v47, v17  }
0x297: {  	v52 =	vld [tilespmem:$0x14700]  }
0x298: {  	v33 =	vld.idx.msk [tilespmem:v33+s3+$0x0], $0xffff;
	v38 =	vmul.f32 v62, v43;
	v53 =	vmul.f32 v63, v39;
	v17 =	vadd.f32 v51, v17  }
0x299: {  	v54 =	vld [tilespmem:$0x14780]  }
0x29a: {  	v31 =	vld.idx.msk [tilespmem:v31+s3+$0x0], $0xffff;
	v36 =	vmul.f32 v48, v42;
	v55 =	vmul.f32 v50, v38;
	v17 =	vadd.f32 v53, v17  }
0x29b: {  	v56 =	vld [tilespmem:$0x14800]  }
0x29c: {  	v29 =	vld.idx.msk [tilespmem:v29+s3+$0x0], $0xffff;
	v34 =	vmul.f32 v35, v34;
	v36 =	vmul.f32 v52, v36;
	v17 =	vadd.f32 v55, v17  }
0x29d: {  	v57 =	vld [tilespmem:$0x14880]  }
0x29e: {  	v27 =	vld.idx.msk [tilespmem:v27+s3+$0x0], $0xffff;
	v32 =	vmul.f32 v33, v32;
	v34 =	vmul.f32 v54, v34;
	v17 =	vadd.f32 v36, v17  }
0x29f: {  	v58 =	vld [tilespmem:$0x14900]  }
0x2a0: {  	v25 =	vld.idx.msk [tilespmem:v25+s3+$0x0], $0xffff;
	v30 =	vmul.f32 v31, v30;
	v32 =	vmul.f32 v56, v32;
	v17 =	vadd.f32 v34, v17  }
0x2a1: {  	v59 =	vld [tilespmem:$0x14980]  }
0x2a2: {  	v23 =	vld.idx.msk [tilespmem:v23+s3+$0x0], $0xffff;
	v28 =	vmul.f32 v29, v28;
	v30 =	vmul.f32 v57, v30;
	v17 =	vadd.f32 v32, v17  }
0x2a3: {  	v60 =	vld [tilespmem:$0x14A00]  }
0x2a4: {  	v21 =	vld.idx.msk [tilespmem:v21+s3+$0x0], $0xffff;
	v26 =	vmul.f32 v27, v26;
	v28 =	vmul.f32 v58, v28;
	v17 =	vadd.f32 v30, v17  }
0x2a5: {  	v61 =	vld [tilespmem:$0x14A80]  }
0x2a6: {  	v19 =	vld.idx.msk [tilespmem:v19+s3+$0x0], $0xffff;
	v24 =	vmul.f32 v25, v24;
	v26 =	vmul.f32 v59, v26;
	v17 =	vadd.f32 v28, v17  }
0x2a7: {  	v62 =	vld [tilespmem:$0x14B00]  }
0x2a8: {  	v22 =	vmul.f32 v23, v22;
	v24 =	vmul.f32 v60, v24;
	v17 =	vadd.f32 v26, v17  }
0x2a9: {  	v63 =	vld [tilespmem:$0x14B80]  }
0x2aa: {  	v20 =	vmul.f32 v21, v20;
	v22 =	vmul.f32 v61, v22;
	v17 =	vadd.f32 v24, v17;
	_ =	sdelay $0x1  }
0x2ab: {  	v18 =	vmul.f32 v19, v18;
	v20 =	vmul.f32 v62, v20;
	v17 =	vadd.f32 v22, v17;
	_ =	sdelay $0x1  }
0x2ac: {  	v18 =	vmul.f32 v63, v18;
	v17 =	vadd.f32 v20, v17;
	_ =	sdelay $0x1  }
0x2ad: {  	v17 =	vadd.f32 v18, v17;
	_ =	sdelay $0x1  }
0x2ae: {  	v17 =	vsub.f32 $0.0e+00, v17;
	_ =	sdelay $0x1  }
0x2af: {  	v17 =	vmul.f32 $1.442695020e+00, v17;
	_ =	sdelay $0x1  }
0x2b0: {  	(erf) = vpow2.f32 v17;
	_ =	sdelay $0x8  }
0x2b1: {  	v17 =	vpop (erf)  }
0x2b2: {  	v17 =	vadd.f32 $1.000000000e+00, v17;
	_ =	sdelay $0x1  }
0x2b3: {  	(erf) = vrcp.f32 v17;
	_ =	sdelay $0x7  }
0x2b4: {  	s12 =	sadd.s32 $0x1, s12  }
0x2b5: {  	s5 =	sadd.s32 $0x10, s11;
	p0 =	sne.s32 s12, s9;
	v17 =	vpop (erf)  }
.Ltmp9:
0x2b6: {  	s19 =	simm.s32 $0x15000;
	[tilespmem:s5+$0x0] =	vst v17;
	(pc) =	sbr.rel @p0 .LBB2_1-.Ltmp9, $4  }
0x2b7: {  	[hbm4b:s8+s4] =	stream.linear.scatter [tilespmem:s19], [sflag:$0x2], $0x200, $0x38;
	[tilespmem:$0x15200] =	vst v63  }
0x2b8: {  	_ =	swait.ge [sflag:s10], $0x200  }
0x2b9: {  	[sflag:s10] =	ssyncset.done $0x0  }
0x2ba: {  	[sflag:s10] =	ssyncadd.s32 $0xFFFFFE00  }
0x2bb: {  	_ =	sfence.sel $0x180000  }
0x2bc: {  	[bflag:$0x0] =	sbarrier.arrive $0xFFFF  }
0x2bd: {  	_ =	strace $0x90000047  }
0x2be: {  	s0 =	stileid.u32;
	[bflag:$0x2] =	sbarrier.arrive $0xFFFF  }
0x2bf: {  	p0 =	sne.s32 s0, $0x0;
	s0 =	rddreg [dreg:$0x6]  }
0x2c0: {  	s0 =	sadd.s32 @!p0 $0x100000, s0  }
0x2c1: {  	[sflag:s0] =	ssyncadd.tile.s32 @!p0 $0x1;
	_ =	shalt  }
.Lfunc_end2:
_tile_overlayer_lowered:
.L_overlay_start_2:
0x2c2: {  	(tag) =	ssettag $0x2  }
0x2c3: {  	s0 =	rddreg [dreg:$0x0];
	s2 =	stileid.u32  }
0x2c4: {  	s1 =	rddreg [dreg:$0x1];
	p0 =	sne.s32 s2, $0x0  }
0x2c5: {  	s3 =	rddreg [dreg:$0x2];
	[bflag:$0x3] =	sbarrier.arrive $0xFFFF;
	s2 =	simm.s32 @!p0 $0x1C02  }
0x2c6: {  	[timem:s3], [sflag:s2] =	dma.local @!p0 [hbm:s0], s1  }
0x2c7: {  	s0 =	simm.s32 @!p0 $0x2  }
0x2c8: {  	_ =	swait.ge @!p0 [sflag:s0], s1  }
0x2c9: {  	s1 =	ssub.s32 @!p0 $0x0, s1;
	[sflag:s0] =	ssyncset.done @!p0 $0x0  }
0x2ca: {  	[sflag:s0] =	ssyncadd.s32 @!p0 s1  }
0x2cb: {  	[bflag:$0x3] =	sbarrier.arrive $0xFFFF  }
0x2cc: {  	_ =	shalt  }

</sc_bundles>
